<compile_context>
chip_gen: v7x
topology: tpu7x:2x2x1
jax: 0.10.2.dev20260603
libtpu: 0.0.44.dev20260713+nightly
codegen_flags: <defaults>
</compile_context>

<pallas_src>
import functools

import jax
import jax.numpy as jnp
from jax import lax
from jax.experimental import pallas as pl
from jax.experimental.pallas import tpu as pltpu
from jax.experimental.pallas import tpu_sc as plsc

N = 10000
E = 320000
D = 64
NC = 2
NS = 16
NW = NC * NS
EPT = E // NW
CH = 125
NCH = EPT // CH
NBUF = 8
SKW = NBUF // 2
RPT = N // NS

_P = lax.Precision.DEFAULT


def _lk(v):
    return jnp.where(v >= 0, v, 0.01 * v)


N2 = N // 2
DP = 2 * D
RB2 = 1000
_GRID = (N2 // RB2,)


def _prow_spec(d=DP):
    return pl.BlockSpec((RB2, d), lambda i: (i, 0))


def _full_spec(shape):
    return pl.BlockSpec(shape, lambda i: tuple(0 for _ in shape))


def _p_spec():
    return pl.BlockSpec((NC, RB2, DP), lambda i: (0, i, 0))


def _stage1a_body(f_ref, mw_ref, mb_ref, c1_ref, x_ref, xw_ref):
    t = jnp.dot(f_ref[...], mw_ref[...], precision=_P) + mb_ref[...]
    tl, tr = t[:, :D], t[:, D:]
    nl = jnp.sqrt(jnp.sum(tl * tl, axis=1, keepdims=True))
    nr = jnp.sqrt(jnp.sum(tr * tr, axis=1, keepdims=True))
    lane = lax.broadcasted_iota(jnp.int32, t.shape, 1)
    nrm = jnp.where(lane < D, nl, nr)
    x = t / jnp.maximum(nrm, 1e-12)
    x_ref[...] = x
    xw_ref[...] = jnp.dot(x, c1_ref[...], precision=_P)


def _stage1a(featp, mlp_w2, mlp_b2, conv1_w2):
    out = [jax.ShapeDtypeStruct((N2, DP), jnp.float32)] * 2
    return pl.pallas_call(
        _stage1a_body, grid=_GRID, out_shape=out,
        in_specs=[_prow_spec(256), _full_spec((256, DP)), _full_spec((1, DP)),
                  _full_spec((DP, DP))],
        out_specs=[_prow_spec()] * 2,
    )(featp, mlp_w2, mlp_b2, conv1_w2)


def _xhat_body(x_ref, id_ref, lw_ref, lb_ref, xh_ref):
    xh_ref[...] = _lk(jnp.dot(x_ref[...], lw_ref[...], precision=_P)
                      + lb_ref[...]) + id_ref[...]


def _xhat(xp, idp, lin_w2, lin_b2):
    out = jax.ShapeDtypeStruct((N2, DP), jnp.float32)
    return pl.pallas_call(
        _xhat_body, grid=_GRID, out_shape=out,
        in_specs=[_prow_spec(), _prow_spec(), _full_spec((DP, DP)),
                  _full_spec((1, DP))],
        out_specs=_prow_spec(),
    )(xp, idp, lin_w2, lin_b2)


def _stage2a_body(p_ref, xh_ref, gw_ref, gb_ref, cw_ref, x2_ref, xw_ref):
    h = _lk(p_ref[0] + p_ref[1])
    x2 = _lk(jnp.dot(h, gw_ref[...], precision=_P) + gb_ref[...] + xh_ref[...])
    x2_ref[...] = x2
    xw_ref[...] = jnp.dot(x2, cw_ref[...], precision=_P)


def _stage2a(p, xhp, g_w2, g_b2, conv_w2):
    out = [jax.ShapeDtypeStruct((N2, DP), jnp.float32)] * 2
    return pl.pallas_call(
        _stage2a_body, grid=_GRID, out_shape=out,
        in_specs=[_p_spec(), _prow_spec(), _full_spec((DP, DP)),
                  _full_spec((1, DP)), _full_spec((DP, DP))],
        out_specs=[_prow_spec()] * 2,
    )(p, xhp, g_w2, g_b2, conv_w2)


def _stage3_body(p_ref, xh_ref, gw_ref, gb_ref, o_ref):
    h = _lk(p_ref[0] + p_ref[1])
    o_ref[...] = _lk(jnp.dot(h, gw_ref[...], precision=_P) + gb_ref[...] + xh_ref[...])


def _stage3(p, xh2p, g_w2, g_b2):
    out = jax.ShapeDtypeStruct((N2, DP), jnp.float32)
    return pl.pallas_call(
        _stage3_body, grid=_GRID, out_shape=out,
        in_specs=[_p_spec(), _prow_spec(), _full_spec((DP, DP)),
                  _full_spec((1, DP))],
        out_specs=_prow_spec(),
    )(p, xh2p, g_w2, g_b2)


def _sc_conv(xw, src3, dst3):
    mesh = plsc.VectorSubcoreMesh(core_axis_name="c", subcore_axis_name="s")

    @functools.partial(
        pl.kernel,
        out_type=jax.ShapeDtypeStruct((NC, N, D), jnp.float32),
        mesh=mesh,
        compiler_params=pltpu.CompilerParams(use_tc_tiling_on_sc=False),
        scratch_types=(
            [pltpu.VMEM((NCH, CH), jnp.int32),
             pltpu.VMEM((NCH, CH), jnp.int32)]
            + [pltpu.VMEM((CH, D), jnp.float32)] * NBUF
            + [pltpu.VMEM_SHARED((N, D), jnp.float32)]
            + [pltpu.SemaphoreType.DMA] * (2 * NBUF + 1)
        ),
    )
    def k(xw_hbm, src_hbm, dst_hbm, out_hbm, src_v, dst_v, *rest):
        rbufs = list(rest[:NBUF])
        acc_sh = rest[NBUF]
        gsem = list(rest[NBUF + 1:2 * NBUF + 1])
        ssem = list(rest[2 * NBUF + 1:3 * NBUF + 1])
        sem = rest[3 * NBUF + 1]
        core = lax.axis_index("c")
        sub = lax.axis_index("s")
        wid = core * NS + sub

        pltpu.async_copy(src_hbm.at[wid], src_v, sem).wait()
        pltpu.async_copy(dst_hbm.at[wid], dst_v, sem).wait()

        @pl.loop(0, CH)
        def _(i):
            for j in range(D // 16):
                rbufs[0][i, pl.ds(j * 16, 16)] = jnp.zeros((16,), jnp.float32)

        for r in range(RPT // CH):
            pltpu.sync_copy(rbufs[0], acc_sh.at[pl.ds(sub * RPT + r * CH, CH)])
        plsc.subcore_barrier()

        def fire_g(c, b):
            pltpu.async_copy(xw_hbm.at[src_v.at[c]], rbufs[b], gsem[b])

        def wait_g(c, b):
            pltpu.make_async_copy(xw_hbm.at[src_v.at[c]], rbufs[b], gsem[b]).wait()

        def fire_s(c, b):
            pltpu.async_copy(rbufs[b], acc_sh.at[dst_v.at[c]], ssem[b], add=True)

        def wait_s(c, b):
            pltpu.make_async_copy(rbufs[b], acc_sh.at[dst_v.at[c]], ssem[b]).wait()

        for b in range(SKW):
            fire_g(b, b)

        @pl.loop(0, NCH, step=NBUF)
        def _(ci):
            for j in range(NBUF):
                c = ci + j
                bo = (j + SKW) % NBUF
                if j < SKW:
                    @pl.when(c >= SKW)
                    def _():
                        wait_s(c - SKW, bo)
                    fire_g(c + SKW, bo)
                else:
                    wait_s(c - SKW, bo)

                    @pl.when(c + SKW < NCH)
                    def _():
                        fire_g(c + SKW, bo)
                wait_g(c, j)
                fire_s(c, j)

        for c in range(NCH - SKW, NCH):
            wait_s(c, c % NBUF)
        plsc.subcore_barrier()
        sl = pl.ds(sub * RPT, RPT)
        pltpu.sync_copy(acc_sh.at[sl], out_hbm.at[core].at[sl])

    return k(xw, src3, dst3)


def _bd(w):
    z = jnp.zeros_like(w)
    return jnp.concatenate(
        [jnp.concatenate([w, z], axis=1), jnp.concatenate([z, w], axis=1)],
        axis=0)


def _b2(b):
    return jnp.concatenate([b, b]).reshape(1, DP)


@jax.jit
def _pipeline(features, id_embedding, edge_index, mlp_w, mlp_b, conv1_w,
              lin1_w, lin1_b, g1_w, g1_b, conv2_w, lin2_w, lin2_b, g2_w, g2_b):
    src3 = edge_index[0].reshape(NW, NCH, CH)
    dst3 = edge_index[1].reshape(NW, NCH, CH)
    featp = features.reshape(N2, 256)
    idp = id_embedding.reshape(N2, DP)

    xp, xw1p = _stage1a(featp, _bd(mlp_w.T), _b2(mlp_b), _bd(conv1_w))
    p1 = _sc_conv(xw1p.reshape(N, D), src3, dst3)
    xh1p = _xhat(xp, idp, _bd(lin1_w.T), _b2(lin1_b))
    x2p, xw2p = _stage2a(p1.reshape(NC, N2, DP), xh1p, _bd(g1_w.T),
                         _b2(g1_b), _bd(conv2_w))
    p2 = _sc_conv(xw2p.reshape(N, D), src3, dst3)
    xh2p = _xhat(x2p, idp, _bd(lin2_w.T), _b2(lin2_b))
    outp = _stage3(p2.reshape(NC, N2, DP), xh2p, _bd(g2_w.T), _b2(g2_b))
    return outp.reshape(N, D)


def kernel(features, id_embedding, edge_index, mlp_w, mlp_b, conv1_w,
           lin1_w, lin1_b, g1_w, g1_b, conv2_w, lin2_w, lin2_b, g2_w, g2_b):
    return _pipeline(features, id_embedding, edge_index, mlp_w, mlp_b, conv1_w,
                     lin1_w, lin1_b, g1_w, g1_b, conv2_w, lin2_w, lin2_b,
                     g2_w, g2_b)

# --- scband reference (transcript-rebuilt; emitter-appended) ---
"""Pipeline reference for scband-gcn-66013647339805 (READ-ONLY COPY).

The authoritative reference and input builder live on the scoring server;
editing this copy changes nothing except your own understanding.
"""

import jax, jax.numpy as jnp
import numpy as np

N = 10000
E = 320000
D_FEAT = 128
D_LAT = 64
D_ID = 64


def _leaky(v):
    return jnp.where(v >= 0, v, 0.01 * v)


def setup_inputs(seed: int = 0):
    key = jax.random.key(seed)
    ks = jax.random.split(key, 16)
    s = 0.05
    features = jax.random.normal(ks[0], (N, D_FEAT), dtype=jnp.float32)
    id_embedding = jax.random.normal(ks[1], (N, D_ID), dtype=jnp.float32)
    edge_index = jax.random.randint(ks[2], (2, E), 0, N, dtype=jnp.int32)
    mlp_w = jax.random.normal(ks[3], (D_LAT, D_FEAT), dtype=jnp.float32) * s
    mlp_b = jnp.zeros((D_LAT,), dtype=jnp.float32)
    conv1_w = jax.random.normal(ks[4], (D_LAT, D_LAT), dtype=jnp.float32) * s
    lin1_w = jax.random.normal(ks[5], (D_ID, D_LAT), dtype=jnp.float32) * s
    lin1_b = jnp.zeros((D_ID,), dtype=jnp.float32)
    g1_w = jax.random.normal(ks[6], (D_ID, D_ID), dtype=jnp.float32) * s
    g1_b = jnp.zeros((D_ID,), dtype=jnp.float32)
    conv2_w = jax.random.normal(ks[7], (D_ID, D_ID), dtype=jnp.float32) * s
    lin2_w = jax.random.normal(ks[8], (D_ID, D_ID), dtype=jnp.float32) * s
    lin2_b = jnp.zeros((D_ID,), dtype=jnp.float32)
    g2_w = jax.random.normal(ks[9], (D_ID, D_ID), dtype=jnp.float32) * s
    g2_b = jnp.zeros((D_ID,), dtype=jnp.float32)
    return dict(features=features, id_embedding=id_embedding, edge_index=edge_index,
                mlp_w=mlp_w, mlp_b=mlp_b, conv1_w=conv1_w,
                lin1_w=lin1_w, lin1_b=lin1_b, g1_w=g1_w, g1_b=g1_b,
                conv2_w=conv2_w, lin2_w=lin2_w, lin2_b=lin2_b, g2_w=g2_w, g2_b=g2_b)


def _conv(x, w, src, dst):
    # BaseModel (MMGCN): h = propagate(edge_index, x = x @ W) with aggr='add'
    # message: x_j = (xW)[src]; aggregate: scatter-add onto dst nodes
    m = (x @ w)[src]
    return jax.ops.segment_sum(m, dst, num_segments=N)


def reference(features, id_embedding, edge_index, mlp_w, mlp_b, conv1_w,
              lin1_w, lin1_b, g1_w, g1_b, conv2_w, lin2_w, lin2_b, g2_w, g2_b):
    src = edge_index[0]
    dst = edge_index[1]
    # dim_latent set -> MLP projection first
    temp = features @ mlp_w.T + mlp_b
    # F.normalize (L2 over dim=1, eps=1e-12)
    x = temp / jnp.maximum(jnp.linalg.norm(temp, axis=1, keepdims=True), 1e-12)
    # layer 1 (has_id=True, concate=False)
    h = _leaky(_conv(x, conv1_w, src, dst))
    x_hat = _leaky(x @ lin1_w.T + lin1_b) + id_embedding
    x = _leaky(h @ g1_w.T + g1_b + x_hat)
    # layer 2
    h = _leaky(_conv(x, conv2_w, src, dst))
    x_hat = _leaky(x @ lin2_w.T + lin2_b) + id_embedding
    x = _leaky(h @ g2_w.T + g2_b + x_hat)
    return x

if __name__ == "__main__":
    import jax
    _d = setup_inputs()
    print(jax.jit(kernel)(*tuple(_d.values())))

</pallas_src>

<mosaic_0001>
#map = affine_map<(d0, d1) -> (0, 0)>
#map1 = affine_map<(d0, d1) -> (0, 0, 0)>
module attributes {stable_mosaic.version = 14 : i64} {
  func.func @k(%arg0: i32, %arg1: i32, %arg2: memref<10000x64xf32, #tpu.memory_space<hbm>>, %arg3: memref<32x80x125xi32, #tpu.memory_space<hbm>>, %arg4: memref<32x80x125xi32, #tpu.memory_space<hbm>>, %arg5: memref<2x10000x64xf32, #tpu.memory_space<hbm>>, %arg6: memref<80x125xi32, #tpu.memory_space<vmem>>, %arg7: memref<80x125xi32, #tpu.memory_space<vmem>>, %arg8: memref<125x64xf32, #tpu.memory_space<vmem>>, %arg9: memref<125x64xf32, #tpu.memory_space<vmem>>, %arg10: memref<125x64xf32, #tpu.memory_space<vmem>>, %arg11: memref<125x64xf32, #tpu.memory_space<vmem>>, %arg12: memref<125x64xf32, #tpu.memory_space<vmem>>, %arg13: memref<125x64xf32, #tpu.memory_space<vmem>>, %arg14: memref<125x64xf32, #tpu.memory_space<vmem>>, %arg15: memref<125x64xf32, #tpu.memory_space<vmem>>, %arg16: memref<10000x64xf32, #tpu.memory_space<vmem_shared>>, %arg17: memref<!tpu.dma_semaphore, #tpu.memory_space<semaphore_mem>>, %arg18: memref<!tpu.dma_semaphore, #tpu.memory_space<semaphore_mem>>, %arg19: memref<!tpu.dma_semaphore, #tpu.memory_space<semaphore_mem>>, %arg20: memref<!tpu.dma_semaphore, #tpu.memory_space<semaphore_mem>>, %arg21: memref<!tpu.dma_semaphore, #tpu.memory_space<semaphore_mem>>, %arg22: memref<!tpu.dma_semaphore, #tpu.memory_space<semaphore_mem>>, %arg23: memref<!tpu.dma_semaphore, #tpu.memory_space<semaphore_mem>>, %arg24: memref<!tpu.dma_semaphore, #tpu.memory_space<semaphore_mem>>, %arg25: memref<!tpu.dma_semaphore, #tpu.memory_space<semaphore_mem>>, %arg26: memref<!tpu.dma_semaphore, #tpu.memory_space<semaphore_mem>>, %arg27: memref<!tpu.dma_semaphore, #tpu.memory_space<semaphore_mem>>, %arg28: memref<!tpu.dma_semaphore, #tpu.memory_space<semaphore_mem>>, %arg29: memref<!tpu.dma_semaphore, #tpu.memory_space<semaphore_mem>>, %arg30: memref<!tpu.dma_semaphore, #tpu.memory_space<semaphore_mem>>, %arg31: memref<!tpu.dma_semaphore, #tpu.memory_space<semaphore_mem>>, %arg32: memref<!tpu.dma_semaphore, #tpu.memory_space<semaphore_mem>>, %arg33: memref<!tpu.dma_semaphore, #tpu.memory_space<semaphore_mem>>) attributes {dimension_semantics = [#tpu.dimension_semantics<core_parallel>, #tpu.dimension_semantics<subcore_parallel>], iteration_bounds = array<i64: 2, 16>, scalar_prefetch = 0 : i64, scratch_operands = 28 : i64, tpu.core_type = #tpu.core_type<sc_vector_subcore>, window_params = [{transform_indices = #map}, {transform_indices = #map1}, {transform_indices = #map1}, {transform_indices = #map1}]} {
    %mul3A = arith.constant 16 : i32
    %mul3A_0 = arith.muli %arg0, %mul3A : i32
    %add3A = arith.addi %mul3A_0, %arg1 : i32
    %dma_start3A = arith.constant 0 : i32
    %dma_start3A_1 = arith.constant 0 : i32
    %dma_start3A_2 = tpu.memref_slice %arg3[%add3A, %dma_start3A, %dma_start3A_1] : memref<32x80x125xi32, #tpu.memory_space<hbm>> -> memref<1x80x125xi32, #tpu.memory_space<hbm>>
    %dma_start3A_3 = tpu.memref_squeeze %dma_start3A_2 : memref<1x80x125xi32, #tpu.memory_space<hbm>> -> memref<80x125xi32, #tpu.memory_space<hbm>>
    %dma_start3A_4 = arith.constant 0 : i32
    %dma_start3A_5 = arith.constant 0 : i32
    %dma_start3A_6 = tpu.memref_slice %arg3[%add3A, %dma_start3A_4, %dma_start3A_5] : memref<32x80x125xi32, #tpu.memory_space<hbm>> -> memref<1x80x125xi32, #tpu.memory_space<hbm>>
    %dma_start3A_7 = tpu.memref_squeeze %dma_start3A_6 : memref<1x80x125xi32, #tpu.memory_space<hbm>> -> memref<80x125xi32, #tpu.memory_space<hbm>>
    tpu.enqueue_dma source(%dma_start3A_7 : memref<80x125xi32, #tpu.memory_space<hbm>>) target(%arg6 : memref<80x125xi32, #tpu.memory_space<vmem>>) target_semaphore(%arg33 : memref<!tpu.dma_semaphore, #tpu.memory_space<semaphore_mem>>)
    %dma_wait3A = arith.constant 0 : i32
    %dma_wait3A_8 = arith.constant 0 : i32
    %dma_wait3A_9 = tpu.memref_slice %arg3[%add3A, %dma_wait3A, %dma_wait3A_8] : memref<32x80x125xi32, #tpu.memory_space<hbm>> -> memref<1x80x125xi32, #tpu.memory_space<hbm>>
    %dma_wait3A_10 = tpu.memref_squeeze %dma_wait3A_9 : memref<1x80x125xi32, #tpu.memory_space<hbm>> -> memref<80x125xi32, #tpu.memory_space<hbm>>
    %dma_wait3A_11 = arith.constant 0 : i32
    %dma_wait3A_12 = arith.constant 0 : i32
    %dma_wait3A_13 = tpu.memref_slice %arg3[%add3A, %dma_wait3A_11, %dma_wait3A_12] : memref<32x80x125xi32, #tpu.memory_space<hbm>> -> memref<1x80x125xi32, #tpu.memory_space<hbm>>
    %dma_wait3A_14 = tpu.memref_squeeze %dma_wait3A_13 : memref<1x80x125xi32, #tpu.memory_space<hbm>> -> memref<80x125xi32, #tpu.memory_space<hbm>>
    tpu.wait_dma2 semaphore(%arg33 : memref<!tpu.dma_semaphore, #tpu.memory_space<semaphore_mem>>) src(%dma_wait3A_14 : memref<80x125xi32, #tpu.memory_space<hbm>>) dst(%arg6 : memref<80x125xi32, #tpu.memory_space<vmem>>)
    %dma_start3A_15 = arith.constant 0 : i32
    %dma_start3A_16 = arith.constant 0 : i32
    %dma_start3A_17 = tpu.memref_slice %arg4[%add3A, %dma_start3A_15, %dma_start3A_16] : memref<32x80x125xi32, #tpu.memory_space<hbm>> -> memref<1x80x125xi32, #tpu.memory_space<hbm>>
    %dma_start3A_18 = tpu.memref_squeeze %dma_start3A_17 : memref<1x80x125xi32, #tpu.memory_space<hbm>> -> memref<80x125xi32, #tpu.memory_space<hbm>>
    %dma_start3A_19 = arith.constant 0 : i32
    %dma_start3A_20 = arith.constant 0 : i32
    %dma_start3A_21 = tpu.memref_slice %arg4[%add3A, %dma_start3A_19, %dma_start3A_20] : memref<32x80x125xi32, #tpu.memory_space<hbm>> -> memref<1x80x125xi32, #tpu.memory_space<hbm>>
    %dma_start3A_22 = tpu.memref_squeeze %dma_start3A_21 : memref<1x80x125xi32, #tpu.memory_space<hbm>> -> memref<80x125xi32, #tpu.memory_space<hbm>>
    tpu.enqueue_dma source(%dma_start3A_22 : memref<80x125xi32, #tpu.memory_space<hbm>>) target(%arg7 : memref<80x125xi32, #tpu.memory_space<vmem>>) target_semaphore(%arg33 : memref<!tpu.dma_semaphore, #tpu.memory_space<semaphore_mem>>)
    %dma_wait3A_23 = arith.constant 0 : i32
    %dma_wait3A_24 = arith.constant 0 : i32
    %dma_wait3A_25 = tpu.memref_slice %arg4[%add3A, %dma_wait3A_23, %dma_wait3A_24] : memref<32x80x125xi32, #tpu.memory_space<hbm>> -> memref<1x80x125xi32, #tpu.memory_space<hbm>>
    %dma_wait3A_26 = tpu.memref_squeeze %dma_wait3A_25 : memref<1x80x125xi32, #tpu.memory_space<hbm>> -> memref<80x125xi32, #tpu.memory_space<hbm>>
    %dma_wait3A_27 = arith.constant 0 : i32
    %dma_wait3A_28 = arith.constant 0 : i32
    %dma_wait3A_29 = tpu.memref_slice %arg4[%add3A, %dma_wait3A_27, %dma_wait3A_28] : memref<32x80x125xi32, #tpu.memory_space<hbm>> -> memref<1x80x125xi32, #tpu.memory_space<hbm>>
    %dma_wait3A_30 = tpu.memref_squeeze %dma_wait3A_29 : memref<1x80x125xi32, #tpu.memory_space<hbm>> -> memref<80x125xi32, #tpu.memory_space<hbm>>
    tpu.wait_dma2 semaphore(%arg33 : memref<!tpu.dma_semaphore, #tpu.memory_space<semaphore_mem>>) src(%dma_wait3A_30 : memref<80x125xi32, #tpu.memory_space<hbm>>) dst(%arg7 : memref<80x125xi32, #tpu.memory_space<vmem>>)
    %scan3A = arith.constant 0 : i32
    %scan3A_31 = arith.constant 125 : i32
    %scan3A_32 = arith.addi %scan3A, %scan3A_31 : i32
    %scan3A_33 = arith.constant 1 : i32
    scf.for %scan3A_119 = %scan3A to %scan3A_32 step %scan3A_33  : i32 {
      %mul3A_120 = arith.constant 1 : i32
      %mul3A_121 = arith.muli %scan3A_119, %mul3A_120 : i32
      %add3A_122 = arith.constant 0 : i32
      %add3A_123 = arith.addi %add3A_122, %mul3A_121 : i32
      %broadcast_in_dim3A = arith.constant 0.000000e+00 : f32
      %broadcast_in_dim3A_124 = vector.broadcast %broadcast_in_dim3A : f32 to vector<16xf32>
      %swap3A = arith.index_cast %add3A_123 : i32 to index
      %swap3A_125 = arith.constant 0 : index
      %swap3A_126 = tpu.vector_load %arg8[%swap3A, %swap3A_125] {strides = array<i32>} : memref<125x64xf32, #tpu.memory_space<vmem>>, vector<1x16xf32>,
      %swap3A_127 = vector.shape_cast %swap3A_126 : vector<1x16xf32> to vector<16xf32>
      %swap3A_128 = vector.shape_cast %broadcast_in_dim3A_124 : vector<16xf32> to vector<1x16xf32>
      tpu.vector_store %arg8[%swap3A, %swap3A_125], %swap3A_128 {strides = array<i32>} : memref<125x64xf32, #tpu.memory_space<vmem>>, vector<1x16xf32>,
      %broadcast_in_dim3A_129 = arith.constant 0.000000e+00 : f32
      %broadcast_in_dim3A_130 = vector.broadcast %broadcast_in_dim3A_129 : f32 to vector<16xf32>
      %swap3A_131 = arith.index_cast %add3A_123 : i32 to index
      %swap3A_132 = arith.constant 16 : index
      %swap3A_133 = tpu.vector_load %arg8[%swap3A_131, %swap3A_132] {strides = array<i32>} : memref<125x64xf32, #tpu.memory_space<vmem>>, vector<1x16xf32>,
      %swap3A_134 = vector.shape_cast %swap3A_133 : vector<1x16xf32> to vector<16xf32>
      %swap3A_135 = vector.shape_cast %broadcast_in_dim3A_130 : vector<16xf32> to vector<1x16xf32>
      tpu.vector_store %arg8[%swap3A_131, %swap3A_132], %swap3A_135 {strides = array<i32>} : memref<125x64xf32, #tpu.memory_space<vmem>>, vector<1x16xf32>,
      %broadcast_in_dim3A_136 = arith.constant 0.000000e+00 : f32
      %broadcast_in_dim3A_137 = vector.broadcast %broadcast_in_dim3A_136 : f32 to vector<16xf32>
      %swap3A_138 = arith.index_cast %add3A_123 : i32 to index
      %swap3A_139 = arith.constant 32 : index
      %swap3A_140 = tpu.vector_load %arg8[%swap3A_138, %swap3A_139] {strides = array<i32>} : memref<125x64xf32, #tpu.memory_space<vmem>>, vector<1x16xf32>,
      %swap3A_141 = vector.shape_cast %swap3A_140 : vector<1x16xf32> to vector<16xf32>
      %swap3A_142 = vector.shape_cast %broadcast_in_dim3A_137 : vector<16xf32> to vector<1x16xf32>
      tpu.vector_store %arg8[%swap3A_138, %swap3A_139], %swap3A_142 {strides = array<i32>} : memref<125x64xf32, #tpu.memory_space<vmem>>, vector<1x16xf32>,
      %broadcast_in_dim3A_143 = arith.constant 0.000000e+00 : f32
      %broadcast_in_dim3A_144 = vector.broadcast %broadcast_in_dim3A_143 : f32 to vector<16xf32>
      %swap3A_145 = arith.index_cast %add3A_123 : i32 to index
      %swap3A_146 = arith.constant 48 : index
      %swap3A_147 = tpu.vector_load %arg8[%swap3A_145, %swap3A_146] {strides = array<i32>} : memref<125x64xf32, #tpu.memory_space<vmem>>, vector<1x16xf32>,
      %swap3A_148 = vector.shape_cast %swap3A_147 : vector<1x16xf32> to vector<16xf32>
      %swap3A_149 = vector.shape_cast %broadcast_in_dim3A_144 : vector<16xf32> to vector<1x16xf32>
      tpu.vector_store %arg8[%swap3A_145, %swap3A_146], %swap3A_149 {strides = array<i32>} : memref<125x64xf32, #tpu.memory_space<vmem>>, vector<1x16xf32>,
    }
    %scan3A_34 = arith.constant 125 : i32
    %mul3A_35 = arith.constant 625 : i32
    %mul3A_36 = arith.muli %arg1, %mul3A_35 : i32
    %add3A_37 = arith.constant 0 : i32
    %add3A_38 = arith.addi %mul3A_36, %add3A_37 : i32
    "tpu.region"() ({
      %run_scoped3A = tpu.sem_alloc : memref<!tpu.dma_semaphore, #tpu.memory_space<semaphore_mem>>
      %dma_start3A_119 = arith.constant 0 : i32
      %dma_start3A_120 = tpu.memref_slice %arg16[%add3A_38, %dma_start3A_119] : memref<10000x64xf32, #tpu.memory_space<vmem_shared>> -> memref<125x64xf32, #tpu.memory_space<vmem_shared>>
      %dma_start3A_121 = arith.constant 0 : i32
      %dma_start3A_122 = tpu.memref_slice %arg16[%add3A_38, %dma_start3A_121] : memref<10000x64xf32, #tpu.memory_space<vmem_shared>> -> memref<125x64xf32, #tpu.memory_space<vmem_shared>>
      tpu.enqueue_dma source(%arg8 : memref<125x64xf32, #tpu.memory_space<vmem>>) target(%dma_start3A_122 : memref<125x64xf32, #tpu.memory_space<vmem_shared>>) target_semaphore(%run_scoped3A : memref<!tpu.dma_semaphore, #tpu.memory_space<semaphore_mem>>)
      %dma_wait3A_123 = arith.constant 0 : i32
      %dma_wait3A_124 = tpu.memref_slice %arg16[%add3A_38, %dma_wait3A_123] : memref<10000x64xf32, #tpu.memory_space<vmem_shared>> -> memref<125x64xf32, #tpu.memory_space<vmem_shared>>
      %dma_wait3A_125 = arith.constant 0 : i32
      %dma_wait3A_126 = tpu.memref_slice %arg16[%add3A_38, %dma_wait3A_125] : memref<10000x64xf32, #tpu.memory_space<vmem_shared>> -> memref<125x64xf32, #tpu.memory_space<vmem_shared>>
      tpu.wait_dma2 semaphore(%run_scoped3A : memref<!tpu.dma_semaphore, #tpu.memory_space<semaphore_mem>>) src(%arg8 : memref<125x64xf32, #tpu.memory_space<vmem>>) dst(%dma_wait3A_126 : memref<125x64xf32, #tpu.memory_space<vmem_shared>>)
      tpu.yield
    }) : () -> ()
    %mul3A_39 = arith.constant 625 : i32
    %mul3A_40 = arith.muli %arg1, %mul3A_39 : i32
    %add3A_41 = arith.constant 125 : i32
    %add3A_42 = arith.addi %mul3A_40, %add3A_41 : i32
    "tpu.region"() ({
      %run_scoped3A = tpu.sem_alloc : memref<!tpu.dma_semaphore, #tpu.memory_space<semaphore_mem>>
      %dma_start3A_119 = arith.constant 0 : i32
      %dma_start3A_120 = tpu.memref_slice %arg16[%add3A_42, %dma_start3A_119] : memref<10000x64xf32, #tpu.memory_space<vmem_shared>> -> memref<125x64xf32, #tpu.memory_space<vmem_shared>>
      %dma_start3A_121 = arith.constant 0 : i32
      %dma_start3A_122 = tpu.memref_slice %arg16[%add3A_42, %dma_start3A_121] : memref<10000x64xf32, #tpu.memory_space<vmem_shared>> -> memref<125x64xf32, #tpu.memory_space<vmem_shared>>
      tpu.enqueue_dma source(%arg8 : memref<125x64xf32, #tpu.memory_space<vmem>>) target(%dma_start3A_122 : memref<125x64xf32, #tpu.memory_space<vmem_shared>>) target_semaphore(%run_scoped3A : memref<!tpu.dma_semaphore, #tpu.memory_space<semaphore_mem>>)
      %dma_wait3A_123 = arith.constant 0 : i32
      %dma_wait3A_124 = tpu.memref_slice %arg16[%add3A_42, %dma_wait3A_123] : memref<10000x64xf32, #tpu.memory_space<vmem_shared>> -> memref<125x64xf32, #tpu.memory_space<vmem_shared>>
      %dma_wait3A_125 = arith.constant 0 : i32
      %dma_wait3A_126 = tpu.memref_slice %arg16[%add3A_42, %dma_wait3A_125] : memref<10000x64xf32, #tpu.memory_space<vmem_shared>> -> memref<125x64xf32, #tpu.memory_space<vmem_shared>>
      tpu.wait_dma2 semaphore(%run_scoped3A : memref<!tpu.dma_semaphore, #tpu.memory_space<semaphore_mem>>) src(%arg8 : memref<125x64xf32, #tpu.memory_space<vmem>>) dst(%dma_wait3A_126 : memref<125x64xf32, #tpu.memory_space<vmem_shared>>)
      tpu.yield
    }) : () -> ()
    %mul3A_43 = arith.constant 625 : i32
    %mul3A_44 = arith.muli %arg1, %mul3A_43 : i32
    %add3A_45 = arith.constant 250 : i32
    %add3A_46 = arith.addi %mul3A_44, %add3A_45 : i32
    "tpu.region"() ({
      %run_scoped3A = tpu.sem_alloc : memref<!tpu.dma_semaphore, #tpu.memory_space<semaphore_mem>>
      %dma_start3A_119 = arith.constant 0 : i32
      %dma_start3A_120 = tpu.memref_slice %arg16[%add3A_46, %dma_start3A_119] : memref<10000x64xf32, #tpu.memory_space<vmem_shared>> -> memref<125x64xf32, #tpu.memory_space<vmem_shared>>
      %dma_start3A_121 = arith.constant 0 : i32
      %dma_start3A_122 = tpu.memref_slice %arg16[%add3A_46, %dma_start3A_121] : memref<10000x64xf32, #tpu.memory_space<vmem_shared>> -> memref<125x64xf32, #tpu.memory_space<vmem_shared>>
      tpu.enqueue_dma source(%arg8 : memref<125x64xf32, #tpu.memory_space<vmem>>) target(%dma_start3A_122 : memref<125x64xf32, #tpu.memory_space<vmem_shared>>) target_semaphore(%run_scoped3A : memref<!tpu.dma_semaphore, #tpu.memory_space<semaphore_mem>>)
      %dma_wait3A_123 = arith.constant 0 : i32
      %dma_wait3A_124 = tpu.memref_slice %arg16[%add3A_46, %dma_wait3A_123] : memref<10000x64xf32, #tpu.memory_space<vmem_shared>> -> memref<125x64xf32, #tpu.memory_space<vmem_shared>>
      %dma_wait3A_125 = arith.constant 0 : i32
      %dma_wait3A_126 = tpu.memref_slice %arg16[%add3A_46, %dma_wait3A_125] : memref<10000x64xf32, #tpu.memory_space<vmem_shared>> -> memref<125x64xf32, #tpu.memory_space<vmem_shared>>
      tpu.wait_dma2 semaphore(%run_scoped3A : memref<!tpu.dma_semaphore, #tpu.memory_space<semaphore_mem>>) src(%arg8 : memref<125x64xf32, #tpu.memory_space<vmem>>) dst(%dma_wait3A_126 : memref<125x64xf32, #tpu.memory_space<vmem_shared>>)
      tpu.yield
    }) : () -> ()
    %mul3A_47 = arith.constant 625 : i32
    %mul3A_48 = arith.muli %arg1, %mul3A_47 : i32
    %add3A_49 = arith.constant 375 : i32
    %add3A_50 = arith.addi %mul3A_48, %add3A_49 : i32
    "tpu.region"() ({
      %run_scoped3A = tpu.sem_alloc : memref<!tpu.dma_semaphore, #tpu.memory_space<semaphore_mem>>
      %dma_start3A_119 = arith.constant 0 : i32
      %dma_start3A_120 = tpu.memref_slice %arg16[%add3A_50, %dma_start3A_119] : memref<10000x64xf32, #tpu.memory_space<vmem_shared>> -> memref<125x64xf32, #tpu.memory_space<vmem_shared>>
      %dma_start3A_121 = arith.constant 0 : i32
      %dma_start3A_122 = tpu.memref_slice %arg16[%add3A_50, %dma_start3A_121] : memref<10000x64xf32, #tpu.memory_space<vmem_shared>> -> memref<125x64xf32, #tpu.memory_space<vmem_shared>>
      tpu.enqueue_dma source(%arg8 : memref<125x64xf32, #tpu.memory_space<vmem>>) target(%dma_start3A_122 : memref<125x64xf32, #tpu.memory_space<vmem_shared>>) target_semaphore(%run_scoped3A : memref<!tpu.dma_semaphore, #tpu.memory_space<semaphore_mem>>)
      %dma_wait3A_123 = arith.constant 0 : i32
      %dma_wait3A_124 = tpu.memref_slice %arg16[%add3A_50, %dma_wait3A_123] : memref<10000x64xf32, #tpu.memory_space<vmem_shared>> -> memref<125x64xf32, #tpu.memory_space<vmem_shared>>
      %dma_wait3A_125 = arith.constant 0 : i32
      %dma_wait3A_126 = tpu.memref_slice %arg16[%add3A_50, %dma_wait3A_125] : memref<10000x64xf32, #tpu.memory_space<vmem_shared>> -> memref<125x64xf32, #tpu.memory_space<vmem_shared>>
      tpu.wait_dma2 semaphore(%run_scoped3A : memref<!tpu.dma_semaphore, #tpu.memory_space<semaphore_mem>>) src(%arg8 : memref<125x64xf32, #tpu.memory_space<vmem>>) dst(%dma_wait3A_126 : memref<125x64xf32, #tpu.memory_space<vmem_shared>>)
      tpu.yield
    }) : () -> ()
    %mul3A_51 = arith.constant 625 : i32
    %mul3A_52 = arith.muli %arg1, %mul3A_51 : i32
    %add3A_53 = arith.constant 500 : i32
    %add3A_54 = arith.addi %mul3A_52, %add3A_53 : i32
    "tpu.region"() ({
      %run_scoped3A = tpu.sem_alloc : memref<!tpu.dma_semaphore, #tpu.memory_space<semaphore_mem>>
      %dma_start3A_119 = arith.constant 0 : i32
      %dma_start3A_120 = tpu.memref_slice %arg16[%add3A_54, %dma_start3A_119] : memref<10000x64xf32, #tpu.memory_space<vmem_shared>> -> memref<125x64xf32, #tpu.memory_space<vmem_shared>>
      %dma_start3A_121 = arith.constant 0 : i32
      %dma_start3A_122 = tpu.memref_slice %arg16[%add3A_54, %dma_start3A_121] : memref<10000x64xf32, #tpu.memory_space<vmem_shared>> -> memref<125x64xf32, #tpu.memory_space<vmem_shared>>
      tpu.enqueue_dma source(%arg8 : memref<125x64xf32, #tpu.memory_space<vmem>>) target(%dma_start3A_122 : memref<125x64xf32, #tpu.memory_space<vmem_shared>>) target_semaphore(%run_scoped3A : memref<!tpu.dma_semaphore, #tpu.memory_space<semaphore_mem>>)
      %dma_wait3A_123 = arith.constant 0 : i32
      %dma_wait3A_124 = tpu.memref_slice %arg16[%add3A_54, %dma_wait3A_123] : memref<10000x64xf32, #tpu.memory_space<vmem_shared>> -> memref<125x64xf32, #tpu.memory_space<vmem_shared>>
      %dma_wait3A_125 = arith.constant 0 : i32
      %dma_wait3A_126 = tpu.memref_slice %arg16[%add3A_54, %dma_wait3A_125] : memref<10000x64xf32, #tpu.memory_space<vmem_shared>> -> memref<125x64xf32, #tpu.memory_space<vmem_shared>>
      tpu.wait_dma2 semaphore(%run_scoped3A : memref<!tpu.dma_semaphore, #tpu.memory_space<semaphore_mem>>) src(%arg8 : memref<125x64xf32, #tpu.memory_space<vmem>>) dst(%dma_wait3A_126 : memref<125x64xf32, #tpu.memory_space<vmem_shared>>)
      tpu.yield
    }) : () -> ()
    %barrier3A = arith.constant 0 : index
    tpu.barrier barrier_id(%barrier3A)
    %dma_start3A_55 = arith.constant 0 : i32
    %dma_start3A_56 = arith.constant 0 : i32
    %dma_start3A_57 = tpu.memref_slice %arg6[%dma_start3A_55, %dma_start3A_56] : memref<80x125xi32, #tpu.memory_space<vmem>> -> memref<1x125xi32, #tpu.memory_space<vmem>>
    %dma_start3A_58 = tpu.memref_squeeze %dma_start3A_57 : memref<1x125xi32, #tpu.memory_space<vmem>> -> memref<125xi32, #tpu.memory_space<vmem>>
    %dma_start3A_59 = arith.constant 0 : i32
    %dma_start3A_60 = arith.constant 0 : i32
    %dma_start3A_61 = tpu.memref_slice %arg2[%dma_start3A_59, %dma_start3A_60] : memref<10000x64xf32, #tpu.memory_space<hbm>> -> memref<10000x64xf32, #tpu.memory_space<hbm>>
    tpu.enqueue_indirect_dma source(%dma_start3A_61 : memref<10000x64xf32, #tpu.memory_space<hbm>>) target(%arg8 : memref<125x64xf32, #tpu.memory_space<vmem>>) offsets(%dma_start3A_58 : memref<125xi32, #tpu.memory_space<vmem>>) semaphore(%arg17 : memref<!tpu.dma_semaphore, #tpu.memory_space<semaphore_mem>>)
    %dma_start3A_62 = arith.constant 1 : i32
    %dma_start3A_63 = arith.constant 0 : i32
    %dma_start3A_64 = tpu.memref_slice %arg6[%dma_start3A_62, %dma_start3A_63] : memref<80x125xi32, #tpu.memory_space<vmem>> -> memref<1x125xi32, #tpu.memory_space<vmem>>
    %dma_start3A_65 = tpu.memref_squeeze %dma_start3A_64 : memref<1x125xi32, #tpu.memory_space<vmem>> -> memref<125xi32, #tpu.memory_space<vmem>>
    %dma_start3A_66 = arith.constant 0 : i32
    %dma_start3A_67 = arith.constant 0 : i32
    %dma_start3A_68 = tpu.memref_slice %arg2[%dma_start3A_66, %dma_start3A_67] : memref<10000x64xf32, #tpu.memory_space<hbm>> -> memref<10000x64xf32, #tpu.memory_space<hbm>>
    tpu.enqueue_indirect_dma source(%dma_start3A_68 : memref<10000x64xf32, #tpu.memory_space<hbm>>) target(%arg9 : memref<125x64xf32, #tpu.memory_space<vmem>>) offsets(%dma_start3A_65 : memref<125xi32, #tpu.memory_space<vmem>>) semaphore(%arg18 : memref<!tpu.dma_semaphore, #tpu.memory_space<semaphore_mem>>)
    %dma_start3A_69 = arith.constant 2 : i32
    %dma_start3A_70 = arith.constant 0 : i32
    %dma_start3A_71 = tpu.memref_slice %arg6[%dma_start3A_69, %dma_start3A_70] : memref<80x125xi32, #tpu.memory_space<vmem>> -> memref<1x125xi32, #tpu.memory_space<vmem>>
    %dma_start3A_72 = tpu.memref_squeeze %dma_start3A_71 : memref<1x125xi32, #tpu.memory_space<vmem>> -> memref<125xi32, #tpu.memory_space<vmem>>
    %dma_start3A_73 = arith.constant 0 : i32
    %dma_start3A_74 = arith.constant 0 : i32
    %dma_start3A_75 = tpu.memref_slice %arg2[%dma_start3A_73, %dma_start3A_74] : memref<10000x64xf32, #tpu.memory_space<hbm>> -> memref<10000x64xf32, #tpu.memory_space<hbm>>
    tpu.enqueue_indirect_dma source(%dma_start3A_75 : memref<10000x64xf32, #tpu.memory_space<hbm>>) target(%arg10 : memref<125x64xf32, #tpu.memory_space<vmem>>) offsets(%dma_start3A_72 : memref<125xi32, #tpu.memory_space<vmem>>) semaphore(%arg19 : memref<!tpu.dma_semaphore, #tpu.memory_space<semaphore_mem>>)
    %dma_start3A_76 = arith.constant 3 : i32
    %dma_start3A_77 = arith.constant 0 : i32
    %dma_start3A_78 = tpu.memref_slice %arg6[%dma_start3A_76, %dma_start3A_77] : memref<80x125xi32, #tpu.memory_space<vmem>> -> memref<1x125xi32, #tpu.memory_space<vmem>>
    %dma_start3A_79 = tpu.memref_squeeze %dma_start3A_78 : memref<1x125xi32, #tpu.memory_space<vmem>> -> memref<125xi32, #tpu.memory_space<vmem>>
    %dma_start3A_80 = arith.constant 0 : i32
    %dma_start3A_81 = arith.constant 0 : i32
    %dma_start3A_82 = tpu.memref_slice %arg2[%dma_start3A_80, %dma_start3A_81] : memref<10000x64xf32, #tpu.memory_space<hbm>> -> memref<10000x64xf32, #tpu.memory_space<hbm>>
    tpu.enqueue_indirect_dma source(%dma_start3A_82 : memref<10000x64xf32, #tpu.memory_space<hbm>>) target(%arg11 : memref<125x64xf32, #tpu.memory_space<vmem>>) offsets(%dma_start3A_79 : memref<125xi32, #tpu.memory_space<vmem>>) semaphore(%arg20 : memref<!tpu.dma_semaphore, #tpu.memory_space<semaphore_mem>>)
    %scan3A_83 = arith.constant 0 : i32
    %scan3A_84 = arith.constant 10 : i32
    %scan3A_85 = arith.addi %scan3A_83, %scan3A_84 : i32
    %scan3A_86 = arith.constant 1 : i32
    scf.for %scan3A_119 = %scan3A_83 to %scan3A_85 step %scan3A_86  : i32 {
      %mul3A_120 = arith.constant 8 : i32
      %mul3A_121 = arith.muli %scan3A_119, %mul3A_120 : i32
      %add3A_122 = arith.constant 0 : i32
      %add3A_123 = arith.addi %add3A_122, %mul3A_121 : i32
      %add3A_124 = arith.constant 0 : i32
      %add3A_125 = arith.addi %add3A_123, %add3A_124 : i32
      %ge3A = arith.constant 4 : i32
      %ge3A_126 = arith.cmpi sge, %add3A_125, %ge3A : i32
      %convert_element_type3A = arith.extui %ge3A_126 : i1 to i32
      %cond3A = arith.constant 0 : i32
      %cond3A_127 = arith.cmpi ne, %convert_element_type3A, %cond3A : i32
      scf.if %cond3A_127 {
        %sub3A_343 = arith.constant 4 : i32
        %sub3A_344 = arith.subi %add3A_125, %sub3A_343 : i32
        %dma_wait3A_345 = arith.constant 0 : i32
        %dma_wait3A_346 = tpu.memref_slice %arg7[%sub3A_344, %dma_wait3A_345] : memref<80x125xi32, #tpu.memory_space<vmem>> -> memref<1x125xi32, #tpu.memory_space<vmem>>
        %dma_wait3A_347 = tpu.memref_squeeze %dma_wait3A_346 : memref<1x125xi32, #tpu.memory_space<vmem>> -> memref<125xi32, #tpu.memory_space<vmem>>
        %dma_wait3A_348 = arith.constant 0 : i32
        %dma_wait3A_349 = arith.constant 0 : i32
        %dma_wait3A_350 = tpu.memref_slice %arg16[%dma_wait3A_348, %dma_wait3A_349] : memref<10000x64xf32, #tpu.memory_space<vmem_shared>> -> memref<10000x64xf32, #tpu.memory_space<vmem_shared>>
        tpu.wait_indirect_dma semaphore(%arg29 : memref<!tpu.dma_semaphore, #tpu.memory_space<semaphore_mem>>) src(%arg12 : memref<125x64xf32, #tpu.memory_space<vmem>>) dst(%dma_wait3A_350 : memref<10000x64xf32, #tpu.memory_space<vmem_shared>>)
      } else {
      }
      %add3A_128 = arith.constant 4 : i32
      %add3A_129 = arith.addi %add3A_125, %add3A_128 : i32
      %dma_start3A_130 = arith.constant 0 : i32
      %dma_start3A_131 = tpu.memref_slice %arg6[%add3A_129, %dma_start3A_130] : memref<80x125xi32, #tpu.memory_space<vmem>> -> memref<1x125xi32, #tpu.memory_space<vmem>>
      %dma_start3A_132 = tpu.memref_squeeze %dma_start3A_131 : memref<1x125xi32, #tpu.memory_space<vmem>> -> memref<125xi32, #tpu.memory_space<vmem>>
      %dma_start3A_133 = arith.constant 0 : i32
      %dma_start3A_134 = arith.constant 0 : i32
      %dma_start3A_135 = tpu.memref_slice %arg2[%dma_start3A_133, %dma_start3A_134] : memref<10000x64xf32, #tpu.memory_space<hbm>> -> memref<10000x64xf32, #tpu.memory_space<hbm>>
      tpu.enqueue_indirect_dma source(%dma_start3A_135 : memref<10000x64xf32, #tpu.memory_space<hbm>>) target(%arg12 : memref<125x64xf32, #tpu.memory_space<vmem>>) offsets(%dma_start3A_132 : memref<125xi32, #tpu.memory_space<vmem>>) semaphore(%arg21 : memref<!tpu.dma_semaphore, #tpu.memory_space<semaphore_mem>>)
      %dma_wait3A_136 = arith.constant 0 : i32
      %dma_wait3A_137 = tpu.memref_slice %arg6[%add3A_125, %dma_wait3A_136] : memref<80x125xi32, #tpu.memory_space<vmem>> -> memref<1x125xi32, #tpu.memory_space<vmem>>
      %dma_wait3A_138 = tpu.memref_squeeze %dma_wait3A_137 : memref<1x125xi32, #tpu.memory_space<vmem>> -> memref<125xi32, #tpu.memory_space<vmem>>
      %dma_wait3A_139 = arith.constant 0 : i32
      %dma_wait3A_140 = arith.constant 0 : i32
      %dma_wait3A_141 = tpu.memref_slice %arg2[%dma_wait3A_139, %dma_wait3A_140] : memref<10000x64xf32, #tpu.memory_space<hbm>> -> memref<10000x64xf32, #tpu.memory_space<hbm>>
      tpu.wait_indirect_dma semaphore(%arg17 : memref<!tpu.dma_semaphore, #tpu.memory_space<semaphore_mem>>) src(%dma_wait3A_141 : memref<10000x64xf32, #tpu.memory_space<hbm>>) dst(%arg8 : memref<125x64xf32, #tpu.memory_space<vmem>>)
      %dma_start3A_142 = arith.constant 0 : i32
      %dma_start3A_143 = tpu.memref_slice %arg7[%add3A_125, %dma_start3A_142] : memref<80x125xi32, #tpu.memory_space<vmem>> -> memref<1x125xi32, #tpu.memory_space<vmem>>
      %dma_start3A_144 = tpu.memref_squeeze %dma_start3A_143 : memref<1x125xi32, #tpu.memory_space<vmem>> -> memref<125xi32, #tpu.memory_space<vmem>>
      %dma_start3A_145 = arith.constant 0 : i32
      %dma_start3A_146 = arith.constant 0 : i32
      %dma_start3A_147 = tpu.memref_slice %arg16[%dma_start3A_145, %dma_start3A_146] : memref<10000x64xf32, #tpu.memory_space<vmem_shared>> -> memref<10000x64xf32, #tpu.memory_space<vmem_shared>>
      tpu.enqueue_indirect_dma source(%arg8 : memref<125x64xf32, #tpu.memory_space<vmem>>) target(%dma_start3A_147 : memref<10000x64xf32, #tpu.memory_space<vmem_shared>>) offsets(%dma_start3A_144 : memref<125xi32, #tpu.memory_space<vmem>>) semaphore(%arg25 : memref<!tpu.dma_semaphore, #tpu.memory_space<semaphore_mem>>) {add = true}
      %add3A_148 = arith.constant 1 : i32
      %add3A_149 = arith.addi %add3A_123, %add3A_148 : i32
      %ge3A_150 = arith.constant 4 : i32
      %ge3A_151 = arith.cmpi sge, %add3A_149, %ge3A_150 : i32
      %convert_element_type3A_152 = arith.extui %ge3A_151 : i1 to i32
      %cond3A_153 = arith.constant 0 : i32
      %cond3A_154 = arith.cmpi ne, %convert_element_type3A_152, %cond3A_153 : i32
      scf.if %cond3A_154 {
        %sub3A_343 = arith.constant 4 : i32
        %sub3A_344 = arith.subi %add3A_149, %sub3A_343 : i32
        %dma_wait3A_345 = arith.constant 0 : i32
        %dma_wait3A_346 = tpu.memref_slice %arg7[%sub3A_344, %dma_wait3A_345] : memref<80x125xi32, #tpu.memory_space<vmem>> -> memref<1x125xi32, #tpu.memory_space<vmem>>
        %dma_wait3A_347 = tpu.memref_squeeze %dma_wait3A_346 : memref<1x125xi32, #tpu.memory_space<vmem>> -> memref<125xi32, #tpu.memory_space<vmem>>
        %dma_wait3A_348 = arith.constant 0 : i32
        %dma_wait3A_349 = arith.constant 0 : i32
        %dma_wait3A_350 = tpu.memref_slice %arg16[%dma_wait3A_348, %dma_wait3A_349] : memref<10000x64xf32, #tpu.memory_space<vmem_shared>> -> memref<10000x64xf32, #tpu.memory_space<vmem_shared>>
        tpu.wait_indirect_dma semaphore(%arg30 : memref<!tpu.dma_semaphore, #tpu.memory_space<semaphore_mem>>) src(%arg13 : memref<125x64xf32, #tpu.memory_space<vmem>>) dst(%dma_wait3A_350 : memref<10000x64xf32, #tpu.memory_space<vmem_shared>>)
      } else {
      }
      %add3A_155 = arith.constant 4 : i32
      %add3A_156 = arith.addi %add3A_149, %add3A_155 : i32
      %dma_start3A_157 = arith.constant 0 : i32
      %dma_start3A_158 = tpu.memref_slice %arg6[%add3A_156, %dma_start3A_157] : memref<80x125xi32, #tpu.memory_space<vmem>> -> memref<1x125xi32, #tpu.memory_space<vmem>>
      %dma_start3A_159 = tpu.memref_squeeze %dma_start3A_158 : memref<1x125xi32, #tpu.memory_space<vmem>> -> memref<125xi32, #tpu.memory_space<vmem>>
      %dma_start3A_160 = arith.constant 0 : i32
      %dma_start3A_161 = arith.constant 0 : i32
      %dma_start3A_162 = tpu.memref_slice %arg2[%dma_start3A_160, %dma_start3A_161] : memref<10000x64xf32, #tpu.memory_space<hbm>> -> memref<10000x64xf32, #tpu.memory_space<hbm>>
      tpu.enqueue_indirect_dma source(%dma_start3A_162 : memref<10000x64xf32, #tpu.memory_space<hbm>>) target(%arg13 : memref<125x64xf32, #tpu.memory_space<vmem>>) offsets(%dma_start3A_159 : memref<125xi32, #tpu.memory_space<vmem>>) semaphore(%arg22 : memref<!tpu.dma_semaphore, #tpu.memory_space<semaphore_mem>>)
      %dma_wait3A_163 = arith.constant 0 : i32
      %dma_wait3A_164 = tpu.memref_slice %arg6[%add3A_149, %dma_wait3A_163] : memref<80x125xi32, #tpu.memory_space<vmem>> -> memref<1x125xi32, #tpu.memory_space<vmem>>
      %dma_wait3A_165 = tpu.memref_squeeze %dma_wait3A_164 : memref<1x125xi32, #tpu.memory_space<vmem>> -> memref<125xi32, #tpu.memory_space<vmem>>
      %dma_wait3A_166 = arith.constant 0 : i32
      %dma_wait3A_167 = arith.constant 0 : i32
      %dma_wait3A_168 = tpu.memref_slice %arg2[%dma_wait3A_166, %dma_wait3A_167] : memref<10000x64xf32, #tpu.memory_space<hbm>> -> memref<10000x64xf32, #tpu.memory_space<hbm>>
      tpu.wait_indirect_dma semaphore(%arg18 : memref<!tpu.dma_semaphore, #tpu.memory_space<semaphore_mem>>) src(%dma_wait3A_168 : memref<10000x64xf32, #tpu.memory_space<hbm>>) dst(%arg9 : memref<125x64xf32, #tpu.memory_space<vmem>>)
      %dma_start3A_169 = arith.constant 0 : i32
      %dma_start3A_170 = tpu.memref_slice %arg7[%add3A_149, %dma_start3A_169] : memref<80x125xi32, #tpu.memory_space<vmem>> -> memref<1x125xi32, #tpu.memory_space<vmem>>
      %dma_start3A_171 = tpu.memref_squeeze %dma_start3A_170 : memref<1x125xi32, #tpu.memory_space<vmem>> -> memref<125xi32, #tpu.memory_space<vmem>>
      %dma_start3A_172 = arith.constant 0 : i32
      %dma_start3A_173 = arith.constant 0 : i32
      %dma_start3A_174 = tpu.memref_slice %arg16[%dma_start3A_172, %dma_start3A_173] : memref<10000x64xf32, #tpu.memory_space<vmem_shared>> -> memref<10000x64xf32, #tpu.memory_space<vmem_shared>>
      tpu.enqueue_indirect_dma source(%arg9 : memref<125x64xf32, #tpu.memory_space<vmem>>) target(%dma_start3A_174 : memref<10000x64xf32, #tpu.memory_space<vmem_shared>>) offsets(%dma_start3A_171 : memref<125xi32, #tpu.memory_space<vmem>>) semaphore(%arg26 : memref<!tpu.dma_semaphore, #tpu.memory_space<semaphore_mem>>) {add = true}
      %add3A_175 = arith.constant 2 : i32
      %add3A_176 = arith.addi %add3A_123, %add3A_175 : i32
      %ge3A_177 = arith.constant 4 : i32
      %ge3A_178 = arith.cmpi sge, %add3A_176, %ge3A_177 : i32
      %convert_element_type3A_179 = arith.extui %ge3A_178 : i1 to i32
      %cond3A_180 = arith.constant 0 : i32
      %cond3A_181 = arith.cmpi ne, %convert_element_type3A_179, %cond3A_180 : i32
      scf.if %cond3A_181 {
        %sub3A_343 = arith.constant 4 : i32
        %sub3A_344 = arith.subi %add3A_176, %sub3A_343 : i32
        %dma_wait3A_345 = arith.constant 0 : i32
        %dma_wait3A_346 = tpu.memref_slice %arg7[%sub3A_344, %dma_wait3A_345] : memref<80x125xi32, #tpu.memory_space<vmem>> -> memref<1x125xi32, #tpu.memory_space<vmem>>
        %dma_wait3A_347 = tpu.memref_squeeze %dma_wait3A_346 : memref<1x125xi32, #tpu.memory_space<vmem>> -> memref<125xi32, #tpu.memory_space<vmem>>
        %dma_wait3A_348 = arith.constant 0 : i32
        %dma_wait3A_349 = arith.constant 0 : i32
        %dma_wait3A_350 = tpu.memref_slice %arg16[%dma_wait3A_348, %dma_wait3A_349] : memref<10000x64xf32, #tpu.memory_space<vmem_shared>> -> memref<10000x64xf32, #tpu.memory_space<vmem_shared>>
        tpu.wait_indirect_dma semaphore(%arg31 : memref<!tpu.dma_semaphore, #tpu.memory_space<semaphore_mem>>) src(%arg14 : memref<125x64xf32, #tpu.memory_space<vmem>>) dst(%dma_wait3A_350 : memref<10000x64xf32, #tpu.memory_space<vmem_shared>>)
      } else {
      }
      %add3A_182 = arith.constant 4 : i32
      %add3A_183 = arith.addi %add3A_176, %add3A_182 : i32
      %dma_start3A_184 = arith.constant 0 : i32
      %dma_start3A_185 = tpu.memref_slice %arg6[%add3A_183, %dma_start3A_184] : memref<80x125xi32, #tpu.memory_space<vmem>> -> memref<1x125xi32, #tpu.memory_space<vmem>>
      %dma_start3A_186 = tpu.memref_squeeze %dma_start3A_185 : memref<1x125xi32, #tpu.memory_space<vmem>> -> memref<125xi32, #tpu.memory_space<vmem>>
      %dma_start3A_187 = arith.constant 0 : i32
      %dma_start3A_188 = arith.constant 0 : i32
      %dma_start3A_189 = tpu.memref_slice %arg2[%dma_start3A_187, %dma_start3A_188] : memref<10000x64xf32, #tpu.memory_space<hbm>> -> memref<10000x64xf32, #tpu.memory_space<hbm>>
      tpu.enqueue_indirect_dma source(%dma_start3A_189 : memref<10000x64xf32, #tpu.memory_space<hbm>>) target(%arg14 : memref<125x64xf32, #tpu.memory_space<vmem>>) offsets(%dma_start3A_186 : memref<125xi32, #tpu.memory_space<vmem>>) semaphore(%arg23 : memref<!tpu.dma_semaphore, #tpu.memory_space<semaphore_mem>>)
      %dma_wait3A_190 = arith.constant 0 : i32
      %dma_wait3A_191 = tpu.memref_slice %arg6[%add3A_176, %dma_wait3A_190] : memref<80x125xi32, #tpu.memory_space<vmem>> -> memref<1x125xi32, #tpu.memory_space<vmem>>
      %dma_wait3A_192 = tpu.memref_squeeze %dma_wait3A_191 : memref<1x125xi32, #tpu.memory_space<vmem>> -> memref<125xi32, #tpu.memory_space<vmem>>
      %dma_wait3A_193 = arith.constant 0 : i32
      %dma_wait3A_194 = arith.constant 0 : i32
      %dma_wait3A_195 = tpu.memref_slice %arg2[%dma_wait3A_193, %dma_wait3A_194] : memref<10000x64xf32, #tpu.memory_space<hbm>> -> memref<10000x64xf32, #tpu.memory_space<hbm>>
      tpu.wait_indirect_dma semaphore(%arg19 : memref<!tpu.dma_semaphore, #tpu.memory_space<semaphore_mem>>) src(%dma_wait3A_195 : memref<10000x64xf32, #tpu.memory_space<hbm>>) dst(%arg10 : memref<125x64xf32, #tpu.memory_space<vmem>>)
      %dma_start3A_196 = arith.constant 0 : i32
      %dma_start3A_197 = tpu.memref_slice %arg7[%add3A_176, %dma_start3A_196] : memref<80x125xi32, #tpu.memory_space<vmem>> -> memref<1x125xi32, #tpu.memory_space<vmem>>
      %dma_start3A_198 = tpu.memref_squeeze %dma_start3A_197 : memref<1x125xi32, #tpu.memory_space<vmem>> -> memref<125xi32, #tpu.memory_space<vmem>>
      %dma_start3A_199 = arith.constant 0 : i32
      %dma_start3A_200 = arith.constant 0 : i32
      %dma_start3A_201 = tpu.memref_slice %arg16[%dma_start3A_199, %dma_start3A_200] : memref<10000x64xf32, #tpu.memory_space<vmem_shared>> -> memref<10000x64xf32, #tpu.memory_space<vmem_shared>>
      tpu.enqueue_indirect_dma source(%arg10 : memref<125x64xf32, #tpu.memory_space<vmem>>) target(%dma_start3A_201 : memref<10000x64xf32, #tpu.memory_space<vmem_shared>>) offsets(%dma_start3A_198 : memref<125xi32, #tpu.memory_space<vmem>>) semaphore(%arg27 : memref<!tpu.dma_semaphore, #tpu.memory_space<semaphore_mem>>) {add = true}
      %add3A_202 = arith.constant 3 : i32
      %add3A_203 = arith.addi %add3A_123, %add3A_202 : i32
      %ge3A_204 = arith.constant 4 : i32
      %ge3A_205 = arith.cmpi sge, %add3A_203, %ge3A_204 : i32
      %convert_element_type3A_206 = arith.extui %ge3A_205 : i1 to i32
      %cond3A_207 = arith.constant 0 : i32
      %cond3A_208 = arith.cmpi ne, %convert_element_type3A_206, %cond3A_207 : i32
      scf.if %cond3A_208 {
        %sub3A_343 = arith.constant 4 : i32
        %sub3A_344 = arith.subi %add3A_203, %sub3A_343 : i32
        %dma_wait3A_345 = arith.constant 0 : i32
        %dma_wait3A_346 = tpu.memref_slice %arg7[%sub3A_344, %dma_wait3A_345] : memref<80x125xi32, #tpu.memory_space<vmem>> -> memref<1x125xi32, #tpu.memory_space<vmem>>
        %dma_wait3A_347 = tpu.memref_squeeze %dma_wait3A_346 : memref<1x125xi32, #tpu.memory_space<vmem>> -> memref<125xi32, #tpu.memory_space<vmem>>
        %dma_wait3A_348 = arith.constant 0 : i32
        %dma_wait3A_349 = arith.constant 0 : i32
        %dma_wait3A_350 = tpu.memref_slice %arg16[%dma_wait3A_348, %dma_wait3A_349] : memref<10000x64xf32, #tpu.memory_space<vmem_shared>> -> memref<10000x64xf32, #tpu.memory_space<vmem_shared>>
        tpu.wait_indirect_dma semaphore(%arg32 : memref<!tpu.dma_semaphore, #tpu.memory_space<semaphore_mem>>) src(%arg15 : memref<125x64xf32, #tpu.memory_space<vmem>>) dst(%dma_wait3A_350 : memref<10000x64xf32, #tpu.memory_space<vmem_shared>>)
      } else {
      }
      %add3A_209 = arith.constant 4 : i32
      %add3A_210 = arith.addi %add3A_203, %add3A_209 : i32
      %dma_start3A_211 = arith.constant 0 : i32
      %dma_start3A_212 = tpu.memref_slice %arg6[%add3A_210, %dma_start3A_211] : memref<80x125xi32, #tpu.memory_space<vmem>> -> memref<1x125xi32, #tpu.memory_space<vmem>>
      %dma_start3A_213 = tpu.memref_squeeze %dma_start3A_212 : memref<1x125xi32, #tpu.memory_space<vmem>> -> memref<125xi32, #tpu.memory_space<vmem>>
      %dma_start3A_214 = arith.constant 0 : i32
      %dma_start3A_215 = arith.constant 0 : i32
      %dma_start3A_216 = tpu.memref_slice %arg2[%dma_start3A_214, %dma_start3A_215] : memref<10000x64xf32, #tpu.memory_space<hbm>> -> memref<10000x64xf32, #tpu.memory_space<hbm>>
      tpu.enqueue_indirect_dma source(%dma_start3A_216 : memref<10000x64xf32, #tpu.memory_space<hbm>>) target(%arg15 : memref<125x64xf32, #tpu.memory_space<vmem>>) offsets(%dma_start3A_213 : memref<125xi32, #tpu.memory_space<vmem>>) semaphore(%arg24 : memref<!tpu.dma_semaphore, #tpu.memory_space<semaphore_mem>>)
      %dma_wait3A_217 = arith.constant 0 : i32
      %dma_wait3A_218 = tpu.memref_slice %arg6[%add3A_203, %dma_wait3A_217] : memref<80x125xi32, #tpu.memory_space<vmem>> -> memref<1x125xi32, #tpu.memory_space<vmem>>
      %dma_wait3A_219 = tpu.memref_squeeze %dma_wait3A_218 : memref<1x125xi32, #tpu.memory_space<vmem>> -> memref<125xi32, #tpu.memory_space<vmem>>
      %dma_wait3A_220 = arith.constant 0 : i32
      %dma_wait3A_221 = arith.constant 0 : i32
      %dma_wait3A_222 = tpu.memref_slice %arg2[%dma_wait3A_220, %dma_wait3A_221] : memref<10000x64xf32, #tpu.memory_space<hbm>> -> memref<10000x64xf32, #tpu.memory_space<hbm>>
      tpu.wait_indirect_dma semaphore(%arg20 : memref<!tpu.dma_semaphore, #tpu.memory_space<semaphore_mem>>) src(%dma_wait3A_222 : memref<10000x64xf32, #tpu.memory_space<hbm>>) dst(%arg11 : memref<125x64xf32, #tpu.memory_space<vmem>>)
      %dma_start3A_223 = arith.constant 0 : i32
      %dma_start3A_224 = tpu.memref_slice %arg7[%add3A_203, %dma_start3A_223] : memref<80x125xi32, #tpu.memory_space<vmem>> -> memref<1x125xi32, #tpu.memory_space<vmem>>
      %dma_start3A_225 = tpu.memref_squeeze %dma_start3A_224 : memref<1x125xi32, #tpu.memory_space<vmem>> -> memref<125xi32, #tpu.memory_space<vmem>>
      %dma_start3A_226 = arith.constant 0 : i32
      %dma_start3A_227 = arith.constant 0 : i32
      %dma_start3A_228 = tpu.memref_slice %arg16[%dma_start3A_226, %dma_start3A_227] : memref<10000x64xf32, #tpu.memory_space<vmem_shared>> -> memref<10000x64xf32, #tpu.memory_space<vmem_shared>>
      tpu.enqueue_indirect_dma source(%arg11 : memref<125x64xf32, #tpu.memory_space<vmem>>) target(%dma_start3A_228 : memref<10000x64xf32, #tpu.memory_space<vmem_shared>>) offsets(%dma_start3A_225 : memref<125xi32, #tpu.memory_space<vmem>>) semaphore(%arg28 : memref<!tpu.dma_semaphore, #tpu.memory_space<semaphore_mem>>) {add = true}
      %add3A_229 = arith.constant 4 : i32
      %add3A_230 = arith.addi %add3A_123, %add3A_229 : i32
      %sub3A = arith.constant 4 : i32
      %sub3A_231 = arith.subi %add3A_230, %sub3A : i32
      %dma_wait3A_232 = arith.constant 0 : i32
      %dma_wait3A_233 = tpu.memref_slice %arg7[%sub3A_231, %dma_wait3A_232] : memref<80x125xi32, #tpu.memory_space<vmem>> -> memref<1x125xi32, #tpu.memory_space<vmem>>
      %dma_wait3A_234 = tpu.memref_squeeze %dma_wait3A_233 : memref<1x125xi32, #tpu.memory_space<vmem>> -> memref<125xi32, #tpu.memory_space<vmem>>
      %dma_wait3A_235 = arith.constant 0 : i32
      %dma_wait3A_236 = arith.constant 0 : i32
      %dma_wait3A_237 = tpu.memref_slice %arg16[%dma_wait3A_235, %dma_wait3A_236] : memref<10000x64xf32, #tpu.memory_space<vmem_shared>> -> memref<10000x64xf32, #tpu.memory_space<vmem_shared>>
      tpu.wait_indirect_dma semaphore(%arg25 : memref<!tpu.dma_semaphore, #tpu.memory_space<semaphore_mem>>) src(%arg8 : memref<125x64xf32, #tpu.memory_space<vmem>>) dst(%dma_wait3A_237 : memref<10000x64xf32, #tpu.memory_space<vmem_shared>>)
      %add3A_238 = arith.constant 4 : i32
      %add3A_239 = arith.addi %add3A_230, %add3A_238 : i32
      %lt3A = arith.constant 80 : i32
      %lt3A_240 = arith.cmpi slt, %add3A_239, %lt3A : i32
      %convert_element_type3A_241 = arith.extui %lt3A_240 : i1 to i32
      %cond3A_242 = arith.constant 0 : i32
      %cond3A_243 = arith.cmpi ne, %convert_element_type3A_241, %cond3A_242 : i32
      scf.if %cond3A_243 {
        %add3A_343 = arith.constant 4 : i32
        %add3A_344 = arith.addi %add3A_230, %add3A_343 : i32
        %dma_start3A_345 = arith.constant 0 : i32
        %dma_start3A_346 = tpu.memref_slice %arg6[%add3A_344, %dma_start3A_345] : memref<80x125xi32, #tpu.memory_space<vmem>> -> memref<1x125xi32, #tpu.memory_space<vmem>>
        %dma_start3A_347 = tpu.memref_squeeze %dma_start3A_346 : memref<1x125xi32, #tpu.memory_space<vmem>> -> memref<125xi32, #tpu.memory_space<vmem>>
        %dma_start3A_348 = arith.constant 0 : i32
        %dma_start3A_349 = arith.constant 0 : i32
        %dma_start3A_350 = tpu.memref_slice %arg2[%dma_start3A_348, %dma_start3A_349] : memref<10000x64xf32, #tpu.memory_space<hbm>> -> memref<10000x64xf32, #tpu.memory_space<hbm>>
        tpu.enqueue_indirect_dma source(%dma_start3A_350 : memref<10000x64xf32, #tpu.memory_space<hbm>>) target(%arg8 : memref<125x64xf32, #tpu.memory_space<vmem>>) offsets(%dma_start3A_347 : memref<125xi32, #tpu.memory_space<vmem>>) semaphore(%arg17 : memref<!tpu.dma_semaphore, #tpu.memory_space<semaphore_mem>>)
      } else {
      }
      %dma_wait3A_244 = arith.constant 0 : i32
      %dma_wait3A_245 = tpu.memref_slice %arg6[%add3A_230, %dma_wait3A_244] : memref<80x125xi32, #tpu.memory_space<vmem>> -> memref<1x125xi32, #tpu.memory_space<vmem>>
      %dma_wait3A_246 = tpu.memref_squeeze %dma_wait3A_245 : memref<1x125xi32, #tpu.memory_space<vmem>> -> memref<125xi32, #tpu.memory_space<vmem>>
      %dma_wait3A_247 = arith.constant 0 : i32
      %dma_wait3A_248 = arith.constant 0 : i32
      %dma_wait3A_249 = tpu.memref_slice %arg2[%dma_wait3A_247, %dma_wait3A_248] : memref<10000x64xf32, #tpu.memory_space<hbm>> -> memref<10000x64xf32, #tpu.memory_space<hbm>>
      tpu.wait_indirect_dma semaphore(%arg21 : memref<!tpu.dma_semaphore, #tpu.memory_space<semaphore_mem>>) src(%dma_wait3A_249 : memref<10000x64xf32, #tpu.memory_space<hbm>>) dst(%arg12 : memref<125x64xf32, #tpu.memory_space<vmem>>)
      %dma_start3A_250 = arith.constant 0 : i32
      %dma_start3A_251 = tpu.memref_slice %arg7[%add3A_230, %dma_start3A_250] : memref<80x125xi32, #tpu.memory_space<vmem>> -> memref<1x125xi32, #tpu.memory_space<vmem>>
      %dma_start3A_252 = tpu.memref_squeeze %dma_start3A_251 : memref<1x125xi32, #tpu.memory_space<vmem>> -> memref<125xi32, #tpu.memory_space<vmem>>
      %dma_start3A_253 = arith.constant 0 : i32
      %dma_start3A_254 = arith.constant 0 : i32
      %dma_start3A_255 = tpu.memref_slice %arg16[%dma_start3A_253, %dma_start3A_254] : memref<10000x64xf32, #tpu.memory_space<vmem_shared>> -> memref<10000x64xf32, #tpu.memory_space<vmem_shared>>
      tpu.enqueue_indirect_dma source(%arg12 : memref<125x64xf32, #tpu.memory_space<vmem>>) target(%dma_start3A_255 : memref<10000x64xf32, #tpu.memory_space<vmem_shared>>) offsets(%dma_start3A_252 : memref<125xi32, #tpu.memory_space<vmem>>) semaphore(%arg29 : memref<!tpu.dma_semaphore, #tpu.memory_space<semaphore_mem>>) {add = true}
      %add3A_256 = arith.constant 5 : i32
      %add3A_257 = arith.addi %add3A_123, %add3A_256 : i32
      %sub3A_258 = arith.constant 4 : i32
      %sub3A_259 = arith.subi %add3A_257, %sub3A_258 : i32
      %dma_wait3A_260 = arith.constant 0 : i32
      %dma_wait3A_261 = tpu.memref_slice %arg7[%sub3A_259, %dma_wait3A_260] : memref<80x125xi32, #tpu.memory_space<vmem>> -> memref<1x125xi32, #tpu.memory_space<vmem>>
      %dma_wait3A_262 = tpu.memref_squeeze %dma_wait3A_261 : memref<1x125xi32, #tpu.memory_space<vmem>> -> memref<125xi32, #tpu.memory_space<vmem>>
      %dma_wait3A_263 = arith.constant 0 : i32
      %dma_wait3A_264 = arith.constant 0 : i32
      %dma_wait3A_265 = tpu.memref_slice %arg16[%dma_wait3A_263, %dma_wait3A_264] : memref<10000x64xf32, #tpu.memory_space<vmem_shared>> -> memref<10000x64xf32, #tpu.memory_space<vmem_shared>>
      tpu.wait_indirect_dma semaphore(%arg26 : memref<!tpu.dma_semaphore, #tpu.memory_space<semaphore_mem>>) src(%arg9 : memref<125x64xf32, #tpu.memory_space<vmem>>) dst(%dma_wait3A_265 : memref<10000x64xf32, #tpu.memory_space<vmem_shared>>)
      %add3A_266 = arith.constant 4 : i32
      %add3A_267 = arith.addi %add3A_257, %add3A_266 : i32
      %lt3A_268 = arith.constant 80 : i32
      %lt3A_269 = arith.cmpi slt, %add3A_267, %lt3A_268 : i32
      %convert_element_type3A_270 = arith.extui %lt3A_269 : i1 to i32
      %cond3A_271 = arith.constant 0 : i32
      %cond3A_272 = arith.cmpi ne, %convert_element_type3A_270, %cond3A_271 : i32
      scf.if %cond3A_272 {
        %add3A_343 = arith.constant 4 : i32
        %add3A_344 = arith.addi %add3A_257, %add3A_343 : i32
        %dma_start3A_345 = arith.constant 0 : i32
        %dma_start3A_346 = tpu.memref_slice %arg6[%add3A_344, %dma_start3A_345] : memref<80x125xi32, #tpu.memory_space<vmem>> -> memref<1x125xi32, #tpu.memory_space<vmem>>
        %dma_start3A_347 = tpu.memref_squeeze %dma_start3A_346 : memref<1x125xi32, #tpu.memory_space<vmem>> -> memref<125xi32, #tpu.memory_space<vmem>>
        %dma_start3A_348 = arith.constant 0 : i32
        %dma_start3A_349 = arith.constant 0 : i32
        %dma_start3A_350 = tpu.memref_slice %arg2[%dma_start3A_348, %dma_start3A_349] : memref<10000x64xf32, #tpu.memory_space<hbm>> -> memref<10000x64xf32, #tpu.memory_space<hbm>>
        tpu.enqueue_indirect_dma source(%dma_start3A_350 : memref<10000x64xf32, #tpu.memory_space<hbm>>) target(%arg9 : memref<125x64xf32, #tpu.memory_space<vmem>>) offsets(%dma_start3A_347 : memref<125xi32, #tpu.memory_space<vmem>>) semaphore(%arg18 : memref<!tpu.dma_semaphore, #tpu.memory_space<semaphore_mem>>)
      } else {
      }
      %dma_wait3A_273 = arith.constant 0 : i32
      %dma_wait3A_274 = tpu.memref_slice %arg6[%add3A_257, %dma_wait3A_273] : memref<80x125xi32, #tpu.memory_space<vmem>> -> memref<1x125xi32, #tpu.memory_space<vmem>>
      %dma_wait3A_275 = tpu.memref_squeeze %dma_wait3A_274 : memref<1x125xi32, #tpu.memory_space<vmem>> -> memref<125xi32, #tpu.memory_space<vmem>>
      %dma_wait3A_276 = arith.constant 0 : i32
      %dma_wait3A_277 = arith.constant 0 : i32
      %dma_wait3A_278 = tpu.memref_slice %arg2[%dma_wait3A_276, %dma_wait3A_277] : memref<10000x64xf32, #tpu.memory_space<hbm>> -> memref<10000x64xf32, #tpu.memory_space<hbm>>
      tpu.wait_indirect_dma semaphore(%arg22 : memref<!tpu.dma_semaphore, #tpu.memory_space<semaphore_mem>>) src(%dma_wait3A_278 : memref<10000x64xf32, #tpu.memory_space<hbm>>) dst(%arg13 : memref<125x64xf32, #tpu.memory_space<vmem>>)
      %dma_start3A_279 = arith.constant 0 : i32
      %dma_start3A_280 = tpu.memref_slice %arg7[%add3A_257, %dma_start3A_279] : memref<80x125xi32, #tpu.memory_space<vmem>> -> memref<1x125xi32, #tpu.memory_space<vmem>>
      %dma_start3A_281 = tpu.memref_squeeze %dma_start3A_280 : memref<1x125xi32, #tpu.memory_space<vmem>> -> memref<125xi32, #tpu.memory_space<vmem>>
      %dma_start3A_282 = arith.constant 0 : i32
      %dma_start3A_283 = arith.constant 0 : i32
      %dma_start3A_284 = tpu.memref_slice %arg16[%dma_start3A_282, %dma_start3A_283] : memref<10000x64xf32, #tpu.memory_space<vmem_shared>> -> memref<10000x64xf32, #tpu.memory_space<vmem_shared>>
      tpu.enqueue_indirect_dma source(%arg13 : memref<125x64xf32, #tpu.memory_space<vmem>>) target(%dma_start3A_284 : memref<10000x64xf32, #tpu.memory_space<vmem_shared>>) offsets(%dma_start3A_281 : memref<125xi32, #tpu.memory_space<vmem>>) semaphore(%arg30 : memref<!tpu.dma_semaphore, #tpu.memory_space<semaphore_mem>>) {add = true}
      %add3A_285 = arith.constant 6 : i32
      %add3A_286 = arith.addi %add3A_123, %add3A_285 : i32
      %sub3A_287 = arith.constant 4 : i32
      %sub3A_288 = arith.subi %add3A_286, %sub3A_287 : i32
      %dma_wait3A_289 = arith.constant 0 : i32
      %dma_wait3A_290 = tpu.memref_slice %arg7[%sub3A_288, %dma_wait3A_289] : memref<80x125xi32, #tpu.memory_space<vmem>> -> memref<1x125xi32, #tpu.memory_space<vmem>>
      %dma_wait3A_291 = tpu.memref_squeeze %dma_wait3A_290 : memref<1x125xi32, #tpu.memory_space<vmem>> -> memref<125xi32, #tpu.memory_space<vmem>>
      %dma_wait3A_292 = arith.constant 0 : i32
      %dma_wait3A_293 = arith.constant 0 : i32
      %dma_wait3A_294 = tpu.memref_slice %arg16[%dma_wait3A_292, %dma_wait3A_293] : memref<10000x64xf32, #tpu.memory_space<vmem_shared>> -> memref<10000x64xf32, #tpu.memory_space<vmem_shared>>
      tpu.wait_indirect_dma semaphore(%arg27 : memref<!tpu.dma_semaphore, #tpu.memory_space<semaphore_mem>>) src(%arg10 : memref<125x64xf32, #tpu.memory_space<vmem>>) dst(%dma_wait3A_294 : memref<10000x64xf32, #tpu.memory_space<vmem_shared>>)
      %add3A_295 = arith.constant 4 : i32
      %add3A_296 = arith.addi %add3A_286, %add3A_295 : i32
      %lt3A_297 = arith.constant 80 : i32
      %lt3A_298 = arith.cmpi slt, %add3A_296, %lt3A_297 : i32
      %convert_element_type3A_299 = arith.extui %lt3A_298 : i1 to i32
      %cond3A_300 = arith.constant 0 : i32
      %cond3A_301 = arith.cmpi ne, %convert_element_type3A_299, %cond3A_300 : i32
      scf.if %cond3A_301 {
        %add3A_343 = arith.constant 4 : i32
        %add3A_344 = arith.addi %add3A_286, %add3A_343 : i32
        %dma_start3A_345 = arith.constant 0 : i32
        %dma_start3A_346 = tpu.memref_slice %arg6[%add3A_344, %dma_start3A_345] : memref<80x125xi32, #tpu.memory_space<vmem>> -> memref<1x125xi32, #tpu.memory_space<vmem>>
        %dma_start3A_347 = tpu.memref_squeeze %dma_start3A_346 : memref<1x125xi32, #tpu.memory_space<vmem>> -> memref<125xi32, #tpu.memory_space<vmem>>
        %dma_start3A_348 = arith.constant 0 : i32
        %dma_start3A_349 = arith.constant 0 : i32
        %dma_start3A_350 = tpu.memref_slice %arg2[%dma_start3A_348, %dma_start3A_349] : memref<10000x64xf32, #tpu.memory_space<hbm>> -> memref<10000x64xf32, #tpu.memory_space<hbm>>
        tpu.enqueue_indirect_dma source(%dma_start3A_350 : memref<10000x64xf32, #tpu.memory_space<hbm>>) target(%arg10 : memref<125x64xf32, #tpu.memory_space<vmem>>) offsets(%dma_start3A_347 : memref<125xi32, #tpu.memory_space<vmem>>) semaphore(%arg19 : memref<!tpu.dma_semaphore, #tpu.memory_space<semaphore_mem>>)
      } else {
      }
      %dma_wait3A_302 = arith.constant 0 : i32
      %dma_wait3A_303 = tpu.memref_slice %arg6[%add3A_286, %dma_wait3A_302] : memref<80x125xi32, #tpu.memory_space<vmem>> -> memref<1x125xi32, #tpu.memory_space<vmem>>
      %dma_wait3A_304 = tpu.memref_squeeze %dma_wait3A_303 : memref<1x125xi32, #tpu.memory_space<vmem>> -> memref<125xi32, #tpu.memory_space<vmem>>
      %dma_wait3A_305 = arith.constant 0 : i32
      %dma_wait3A_306 = arith.constant 0 : i32
      %dma_wait3A_307 = tpu.memref_slice %arg2[%dma_wait3A_305, %dma_wait3A_306] : memref<10000x64xf32, #tpu.memory_space<hbm>> -> memref<10000x64xf32, #tpu.memory_space<hbm>>
      tpu.wait_indirect_dma semaphore(%arg23 : memref<!tpu.dma_semaphore, #tpu.memory_space<semaphore_mem>>) src(%dma_wait3A_307 : memref<10000x64xf32, #tpu.memory_space<hbm>>) dst(%arg14 : memref<125x64xf32, #tpu.memory_space<vmem>>)
      %dma_start3A_308 = arith.constant 0 : i32
      %dma_start3A_309 = tpu.memref_slice %arg7[%add3A_286, %dma_start3A_308] : memref<80x125xi32, #tpu.memory_space<vmem>> -> memref<1x125xi32, #tpu.memory_space<vmem>>
      %dma_start3A_310 = tpu.memref_squeeze %dma_start3A_309 : memref<1x125xi32, #tpu.memory_space<vmem>> -> memref<125xi32, #tpu.memory_space<vmem>>
      %dma_start3A_311 = arith.constant 0 : i32
      %dma_start3A_312 = arith.constant 0 : i32
      %dma_start3A_313 = tpu.memref_slice %arg16[%dma_start3A_311, %dma_start3A_312] : memref<10000x64xf32, #tpu.memory_space<vmem_shared>> -> memref<10000x64xf32, #tpu.memory_space<vmem_shared>>
      tpu.enqueue_indirect_dma source(%arg14 : memref<125x64xf32, #tpu.memory_space<vmem>>) target(%dma_start3A_313 : memref<10000x64xf32, #tpu.memory_space<vmem_shared>>) offsets(%dma_start3A_310 : memref<125xi32, #tpu.memory_space<vmem>>) semaphore(%arg31 : memref<!tpu.dma_semaphore, #tpu.memory_space<semaphore_mem>>) {add = true}
      %add3A_314 = arith.constant 7 : i32
      %add3A_315 = arith.addi %add3A_123, %add3A_314 : i32
      %sub3A_316 = arith.constant 4 : i32
      %sub3A_317 = arith.subi %add3A_315, %sub3A_316 : i32
      %dma_wait3A_318 = arith.constant 0 : i32
      %dma_wait3A_319 = tpu.memref_slice %arg7[%sub3A_317, %dma_wait3A_318] : memref<80x125xi32, #tpu.memory_space<vmem>> -> memref<1x125xi32, #tpu.memory_space<vmem>>
      %dma_wait3A_320 = tpu.memref_squeeze %dma_wait3A_319 : memref<1x125xi32, #tpu.memory_space<vmem>> -> memref<125xi32, #tpu.memory_space<vmem>>
      %dma_wait3A_321 = arith.constant 0 : i32
      %dma_wait3A_322 = arith.constant 0 : i32
      %dma_wait3A_323 = tpu.memref_slice %arg16[%dma_wait3A_321, %dma_wait3A_322] : memref<10000x64xf32, #tpu.memory_space<vmem_shared>> -> memref<10000x64xf32, #tpu.memory_space<vmem_shared>>
      tpu.wait_indirect_dma semaphore(%arg28 : memref<!tpu.dma_semaphore, #tpu.memory_space<semaphore_mem>>) src(%arg11 : memref<125x64xf32, #tpu.memory_space<vmem>>) dst(%dma_wait3A_323 : memref<10000x64xf32, #tpu.memory_space<vmem_shared>>)
      %add3A_324 = arith.constant 4 : i32
      %add3A_325 = arith.addi %add3A_315, %add3A_324 : i32
      %lt3A_326 = arith.constant 80 : i32
      %lt3A_327 = arith.cmpi slt, %add3A_325, %lt3A_326 : i32
      %convert_element_type3A_328 = arith.extui %lt3A_327 : i1 to i32
      %cond3A_329 = arith.constant 0 : i32
      %cond3A_330 = arith.cmpi ne, %convert_element_type3A_328, %cond3A_329 : i32
      scf.if %cond3A_330 {
        %add3A_343 = arith.constant 4 : i32
        %add3A_344 = arith.addi %add3A_315, %add3A_343 : i32
        %dma_start3A_345 = arith.constant 0 : i32
        %dma_start3A_346 = tpu.memref_slice %arg6[%add3A_344, %dma_start3A_345] : memref<80x125xi32, #tpu.memory_space<vmem>> -> memref<1x125xi32, #tpu.memory_space<vmem>>
        %dma_start3A_347 = tpu.memref_squeeze %dma_start3A_346 : memref<1x125xi32, #tpu.memory_space<vmem>> -> memref<125xi32, #tpu.memory_space<vmem>>
        %dma_start3A_348 = arith.constant 0 : i32
        %dma_start3A_349 = arith.constant 0 : i32
        %dma_start3A_350 = tpu.memref_slice %arg2[%dma_start3A_348, %dma_start3A_349] : memref<10000x64xf32, #tpu.memory_space<hbm>> -> memref<10000x64xf32, #tpu.memory_space<hbm>>
        tpu.enqueue_indirect_dma source(%dma_start3A_350 : memref<10000x64xf32, #tpu.memory_space<hbm>>) target(%arg11 : memref<125x64xf32, #tpu.memory_space<vmem>>) offsets(%dma_start3A_347 : memref<125xi32, #tpu.memory_space<vmem>>) semaphore(%arg20 : memref<!tpu.dma_semaphore, #tpu.memory_space<semaphore_mem>>)
      } else {
      }
      %dma_wait3A_331 = arith.constant 0 : i32
      %dma_wait3A_332 = tpu.memref_slice %arg6[%add3A_315, %dma_wait3A_331] : memref<80x125xi32, #tpu.memory_space<vmem>> -> memref<1x125xi32, #tpu.memory_space<vmem>>
      %dma_wait3A_333 = tpu.memref_squeeze %dma_wait3A_332 : memref<1x125xi32, #tpu.memory_space<vmem>> -> memref<125xi32, #tpu.memory_space<vmem>>
      %dma_wait3A_334 = arith.constant 0 : i32
      %dma_wait3A_335 = arith.constant 0 : i32
      %dma_wait3A_336 = tpu.memref_slice %arg2[%dma_wait3A_334, %dma_wait3A_335] : memref<10000x64xf32, #tpu.memory_space<hbm>> -> memref<10000x64xf32, #tpu.memory_space<hbm>>
      tpu.wait_indirect_dma semaphore(%arg24 : memref<!tpu.dma_semaphore, #tpu.memory_space<semaphore_mem>>) src(%dma_wait3A_336 : memref<10000x64xf32, #tpu.memory_space<hbm>>) dst(%arg15 : memref<125x64xf32, #tpu.memory_space<vmem>>)
      %dma_start3A_337 = arith.constant 0 : i32
      %dma_start3A_338 = tpu.memref_slice %arg7[%add3A_315, %dma_start3A_337] : memref<80x125xi32, #tpu.memory_space<vmem>> -> memref<1x125xi32, #tpu.memory_space<vmem>>
      %dma_start3A_339 = tpu.memref_squeeze %dma_start3A_338 : memref<1x125xi32, #tpu.memory_space<vmem>> -> memref<125xi32, #tpu.memory_space<vmem>>
      %dma_start3A_340 = arith.constant 0 : i32
      %dma_start3A_341 = arith.constant 0 : i32
      %dma_start3A_342 = tpu.memref_slice %arg16[%dma_start3A_340, %dma_start3A_341] : memref<10000x64xf32, #tpu.memory_space<vmem_shared>> -> memref<10000x64xf32, #tpu.memory_space<vmem_shared>>
      tpu.enqueue_indirect_dma source(%arg15 : memref<125x64xf32, #tpu.memory_space<vmem>>) target(%dma_start3A_342 : memref<10000x64xf32, #tpu.memory_space<vmem_shared>>) offsets(%dma_start3A_339 : memref<125xi32, #tpu.memory_space<vmem>>) semaphore(%arg32 : memref<!tpu.dma_semaphore, #tpu.memory_space<semaphore_mem>>) {add = true}
    }
    %scan3A_87 = arith.constant 10 : i32
    %dma_wait3A_88 = arith.constant 76 : i32
    %dma_wait3A_89 = arith.constant 0 : i32
    %dma_wait3A_90 = tpu.memref_slice %arg7[%dma_wait3A_88, %dma_wait3A_89] : memref<80x125xi32, #tpu.memory_space<vmem>> -> memref<1x125xi32, #tpu.memory_space<vmem>>
    %dma_wait3A_91 = tpu.memref_squeeze %dma_wait3A_90 : memref<1x125xi32, #tpu.memory_space<vmem>> -> memref<125xi32, #tpu.memory_space<vmem>>
    %dma_wait3A_92 = arith.constant 0 : i32
    %dma_wait3A_93 = arith.constant 0 : i32
    %dma_wait3A_94 = tpu.memref_slice %arg16[%dma_wait3A_92, %dma_wait3A_93] : memref<10000x64xf32, #tpu.memory_space<vmem_shared>> -> memref<10000x64xf32, #tpu.memory_space<vmem_shared>>
    tpu.wait_indirect_dma semaphore(%arg29 : memref<!tpu.dma_semaphore, #tpu.memory_space<semaphore_mem>>) src(%arg12 : memref<125x64xf32, #tpu.memory_space<vmem>>) dst(%dma_wait3A_94 : memref<10000x64xf32, #tpu.memory_space<vmem_shared>>)
    %dma_wait3A_95 = arith.constant 77 : i32
    %dma_wait3A_96 = arith.constant 0 : i32
    %dma_wait3A_97 = tpu.memref_slice %arg7[%dma_wait3A_95, %dma_wait3A_96] : memref<80x125xi32, #tpu.memory_space<vmem>> -> memref<1x125xi32, #tpu.memory_space<vmem>>
    %dma_wait3A_98 = tpu.memref_squeeze %dma_wait3A_97 : memref<1x125xi32, #tpu.memory_space<vmem>> -> memref<125xi32, #tpu.memory_space<vmem>>
    %dma_wait3A_99 = arith.constant 0 : i32
    %dma_wait3A_100 = arith.constant 0 : i32
    %dma_wait3A_101 = tpu.memref_slice %arg16[%dma_wait3A_99, %dma_wait3A_100] : memref<10000x64xf32, #tpu.memory_space<vmem_shared>> -> memref<10000x64xf32, #tpu.memory_space<vmem_shared>>
    tpu.wait_indirect_dma semaphore(%arg30 : memref<!tpu.dma_semaphore, #tpu.memory_space<semaphore_mem>>) src(%arg13 : memref<125x64xf32, #tpu.memory_space<vmem>>) dst(%dma_wait3A_101 : memref<10000x64xf32, #tpu.memory_space<vmem_shared>>)
    %dma_wait3A_102 = arith.constant 78 : i32
    %dma_wait3A_103 = arith.constant 0 : i32
    %dma_wait3A_104 = tpu.memref_slice %arg7[%dma_wait3A_102, %dma_wait3A_103] : memref<80x125xi32, #tpu.memory_space<vmem>> -> memref<1x125xi32, #tpu.memory_space<vmem>>
    %dma_wait3A_105 = tpu.memref_squeeze %dma_wait3A_104 : memref<1x125xi32, #tpu.memory_space<vmem>> -> memref<125xi32, #tpu.memory_space<vmem>>
    %dma_wait3A_106 = arith.constant 0 : i32
    %dma_wait3A_107 = arith.constant 0 : i32
    %dma_wait3A_108 = tpu.memref_slice %arg16[%dma_wait3A_106, %dma_wait3A_107] : memref<10000x64xf32, #tpu.memory_space<vmem_shared>> -> memref<10000x64xf32, #tpu.memory_space<vmem_shared>>
    tpu.wait_indirect_dma semaphore(%arg31 : memref<!tpu.dma_semaphore, #tpu.memory_space<semaphore_mem>>) src(%arg14 : memref<125x64xf32, #tpu.memory_space<vmem>>) dst(%dma_wait3A_108 : memref<10000x64xf32, #tpu.memory_space<vmem_shared>>)
    %dma_wait3A_109 = arith.constant 79 : i32
    %dma_wait3A_110 = arith.constant 0 : i32
    %dma_wait3A_111 = tpu.memref_slice %arg7[%dma_wait3A_109, %dma_wait3A_110] : memref<80x125xi32, #tpu.memory_space<vmem>> -> memref<1x125xi32, #tpu.memory_space<vmem>>
    %dma_wait3A_112 = tpu.memref_squeeze %dma_wait3A_111 : memref<1x125xi32, #tpu.memory_space<vmem>> -> memref<125xi32, #tpu.memory_space<vmem>>
    %dma_wait3A_113 = arith.constant 0 : i32
    %dma_wait3A_114 = arith.constant 0 : i32
    %dma_wait3A_115 = tpu.memref_slice %arg16[%dma_wait3A_113, %dma_wait3A_114] : memref<10000x64xf32, #tpu.memory_space<vmem_shared>> -> memref<10000x64xf32, #tpu.memory_space<vmem_shared>>
    tpu.wait_indirect_dma semaphore(%arg32 : memref<!tpu.dma_semaphore, #tpu.memory_space<semaphore_mem>>) src(%arg15 : memref<125x64xf32, #tpu.memory_space<vmem>>) dst(%dma_wait3A_115 : memref<10000x64xf32, #tpu.memory_space<vmem_shared>>)
    %barrier3A_116 = arith.constant 0 : index
    tpu.barrier barrier_id(%barrier3A_116)
    %mul3A_117 = arith.constant 625 : i32
    %mul3A_118 = arith.muli %arg1, %mul3A_117 : i32
    "tpu.region"() ({
      %run_scoped3A = tpu.sem_alloc : memref<!tpu.dma_semaphore, #tpu.memory_space<semaphore_mem>>
      %dma_start3A_119 = arith.constant 0 : i32
      %dma_start3A_120 = arith.constant 0 : i32
      %dma_start3A_121 = tpu.memref_slice %arg5[%arg0, %dma_start3A_119, %dma_start3A_120] : memref<2x10000x64xf32, #tpu.memory_space<hbm>> -> memref<1x10000x64xf32, #tpu.memory_space<hbm>>
      %dma_start3A_122 = tpu.memref_squeeze %dma_start3A_121 : memref<1x10000x64xf32, #tpu.memory_space<hbm>> -> memref<10000x64xf32, #tpu.memory_space<hbm>>
      %dma_start3A_123 = arith.constant 0 : i32
      %dma_start3A_124 = tpu.memref_slice %dma_start3A_122[%mul3A_118, %dma_start3A_123] : memref<10000x64xf32, #tpu.memory_space<hbm>> -> memref<625x64xf32, #tpu.memory_space<hbm>>
      %dma_start3A_125 = arith.constant 0 : i32
      %dma_start3A_126 = tpu.memref_slice %arg16[%mul3A_118, %dma_start3A_125] : memref<10000x64xf32, #tpu.memory_space<vmem_shared>> -> memref<625x64xf32, #tpu.memory_space<vmem_shared>>
      tpu.enqueue_dma source(%dma_start3A_126 : memref<625x64xf32, #tpu.memory_space<vmem_shared>>) target(%dma_start3A_124 : memref<625x64xf32, #tpu.memory_space<hbm>>) target_semaphore(%run_scoped3A : memref<!tpu.dma_semaphore, #tpu.memory_space<semaphore_mem>>)
      %dma_wait3A_127 = arith.constant 0 : i32
      %dma_wait3A_128 = arith.constant 0 : i32
      %dma_wait3A_129 = tpu.memref_slice %arg5[%arg0, %dma_wait3A_127, %dma_wait3A_128] : memref<2x10000x64xf32, #tpu.memory_space<hbm>> -> memref<1x10000x64xf32, #tpu.memory_space<hbm>>
      %dma_wait3A_130 = tpu.memref_squeeze %dma_wait3A_129 : memref<1x10000x64xf32, #tpu.memory_space<hbm>> -> memref<10000x64xf32, #tpu.memory_space<hbm>>
      %dma_wait3A_131 = arith.constant 0 : i32
      %dma_wait3A_132 = tpu.memref_slice %dma_wait3A_130[%mul3A_118, %dma_wait3A_131] : memref<10000x64xf32, #tpu.memory_space<hbm>> -> memref<625x64xf32, #tpu.memory_space<hbm>>
      %dma_wait3A_133 = arith.constant 0 : i32
      %dma_wait3A_134 = tpu.memref_slice %arg16[%mul3A_118, %dma_wait3A_133] : memref<10000x64xf32, #tpu.memory_space<vmem_shared>> -> memref<625x64xf32, #tpu.memory_space<vmem_shared>>
      tpu.wait_dma2 semaphore(%run_scoped3A : memref<!tpu.dma_semaphore, #tpu.memory_space<semaphore_mem>>) src(%dma_wait3A_134 : memref<625x64xf32, #tpu.memory_space<vmem_shared>>) dst(%dma_wait3A_132 : memref<625x64xf32, #tpu.memory_space<hbm>>)
      tpu.yield
    }) : () -> ()
    return
  }
}

#map = affine_map<(d0, d1) -> (0, 0)>
#map1 = affine_map<(d0, d1) -> (0, 0, 0)>
module attributes {stable_mosaic.version = 14 : i64} {
  func.func @k(%arg0: i32, %arg1: i32, %arg2: memref<10000x64xf32, #tpu.memory_space<hbm>>, %arg3: memref<32x80x125xi32, #tpu.memory_space<hbm>>, %arg4: memref<32x80x125xi32, #tpu.memory_space<hbm>>, %arg5: memref<2x10000x64xf32, #tpu.memory_space<hbm>>, %arg6: memref<80x125xi32, #tpu.memory_space<vmem>>, %arg7: memref<80x125xi32, #tpu.memory_space<vmem>>, %arg8: memref<125x64xf32, #tpu.memory_space<vmem>>, %arg9: memref<125x64xf32, #tpu.memory_space<vmem>>, %arg10: memref<125x64xf32, #tpu.memory_space<vmem>>, %arg11: memref<125x64xf32, #tpu.memory_space<vmem>>, %arg12: memref<125x64xf32, #tpu.memory_space<vmem>>, %arg13: memref<125x64xf32, #tpu.memory_space<vmem>>, %arg14: memref<125x64xf32, #tpu.memory_space<vmem>>, %arg15: memref<125x64xf32, #tpu.memory_space<vmem>>, %arg16: memref<10000x64xf32, #tpu.memory_space<vmem_shared>>, %arg17: memref<!tpu.dma_semaphore, #tpu.memory_space<semaphore_mem>>, %arg18: memref<!tpu.dma_semaphore, #tpu.memory_space<semaphore_mem>>, %arg19: memref<!tpu.dma_semaphore, #tpu.memory_space<semaphore_mem>>, %arg20: memref<!tpu.dma_semaphore, #tpu.memory_space<semaphore_mem>>, %arg21: memref<!tpu.dma_semaphore, #tpu.memory_space<semaphore_mem>>, %arg22: memref<!tpu.dma_semaphore, #tpu.memory_space<semaphore_mem>>, %arg23: memref<!tpu.dma_semaphore, #tpu.memory_space<semaphore_mem>>, %arg24: memref<!tpu.dma_semaphore, #tpu.memory_space<semaphore_mem>>, %arg25: memref<!tpu.dma_semaphore, #tpu.memory_space<semaphore_mem>>, %arg26: memref<!tpu.dma_semaphore, #tpu.memory_space<semaphore_mem>>, %arg27: memref<!tpu.dma_semaphore, #tpu.memory_space<semaphore_mem>>, %arg28: memref<!tpu.dma_semaphore, #tpu.memory_space<semaphore_mem>>, %arg29: memref<!tpu.dma_semaphore, #tpu.memory_space<semaphore_mem>>, %arg30: memref<!tpu.dma_semaphore, #tpu.memory_space<semaphore_mem>>, %arg31: memref<!tpu.dma_semaphore, #tpu.memory_space<semaphore_mem>>, %arg32: memref<!tpu.dma_semaphore, #tpu.memory_space<semaphore_mem>>, %arg33: memref<!tpu.dma_semaphore, #tpu.memory_space<semaphore_mem>>) attributes {dimension_semantics = [#tpu.dimension_semantics<core_parallel>, #tpu.dimension_semantics<subcore_parallel>], iteration_bounds = array<i64: 2, 16>, scalar_prefetch = 0 : i64, scratch_operands = 28 : i64, tpu.core_type = #tpu.core_type<sc_vector_subcore>, window_params = [{transform_indices = #map}, {transform_indices = #map1}, {transform_indices = #map1}, {transform_indices = #map1}]} {
    %mul3A = arith.constant 16 : i32
    %mul3A_0 = arith.muli %arg0, %mul3A : i32
    %add3A = arith.addi %mul3A_0, %arg1 : i32
    %dma_start3A = arith.constant 0 : i32
    %dma_start3A_1 = arith.constant 0 : i32
    %dma_start3A_2 = tpu.memref_slice %arg3[%add3A, %dma_start3A, %dma_start3A_1] : memref<32x80x125xi32, #tpu.memory_space<hbm>> -> memref<1x80x125xi32, #tpu.memory_space<hbm>>
    %dma_start3A_3 = tpu.memref_squeeze %dma_start3A_2 : memref<1x80x125xi32, #tpu.memory_space<hbm>> -> memref<80x125xi32, #tpu.memory_space<hbm>>
    %dma_start3A_4 = arith.constant 0 : i32
    %dma_start3A_5 = arith.constant 0 : i32
    %dma_start3A_6 = tpu.memref_slice %arg3[%add3A, %dma_start3A_4, %dma_start3A_5] : memref<32x80x125xi32, #tpu.memory_space<hbm>> -> memref<1x80x125xi32, #tpu.memory_space<hbm>>
    %dma_start3A_7 = tpu.memref_squeeze %dma_start3A_6 : memref<1x80x125xi32, #tpu.memory_space<hbm>> -> memref<80x125xi32, #tpu.memory_space<hbm>>
    tpu.enqueue_dma source(%dma_start3A_7 : memref<80x125xi32, #tpu.memory_space<hbm>>) target(%arg6 : memref<80x125xi32, #tpu.memory_space<vmem>>) target_semaphore(%arg33 : memref<!tpu.dma_semaphore, #tpu.memory_space<semaphore_mem>>)
    %dma_wait3A = arith.constant 0 : i32
    %dma_wait3A_8 = arith.constant 0 : i32
    %dma_wait3A_9 = tpu.memref_slice %arg3[%add3A, %dma_wait3A, %dma_wait3A_8] : memref<32x80x125xi32, #tpu.memory_space<hbm>> -> memref<1x80x125xi32, #tpu.memory_space<hbm>>
    %dma_wait3A_10 = tpu.memref_squeeze %dma_wait3A_9 : memref<1x80x125xi32, #tpu.memory_space<hbm>> -> memref<80x125xi32, #tpu.memory_space<hbm>>
    %dma_wait3A_11 = arith.constant 0 : i32
    %dma_wait3A_12 = arith.constant 0 : i32
    %dma_wait3A_13 = tpu.memref_slice %arg3[%add3A, %dma_wait3A_11, %dma_wait3A_12] : memref<32x80x125xi32, #tpu.memory_space<hbm>> -> memref<1x80x125xi32, #tpu.memory_space<hbm>>
    %dma_wait3A_14 = tpu.memref_squeeze %dma_wait3A_13 : memref<1x80x125xi32, #tpu.memory_space<hbm>> -> memref<80x125xi32, #tpu.memory_space<hbm>>
    tpu.wait_dma2 semaphore(%arg33 : memref<!tpu.dma_semaphore, #tpu.memory_space<semaphore_mem>>) src(%dma_wait3A_14 : memref<80x125xi32, #tpu.memory_space<hbm>>) dst(%arg6 : memref<80x125xi32, #tpu.memory_space<vmem>>)
    %dma_start3A_15 = arith.constant 0 : i32
    %dma_start3A_16 = arith.constant 0 : i32
    %dma_start3A_17 = tpu.memref_slice %arg4[%add3A, %dma_start3A_15, %dma_start3A_16] : memref<32x80x125xi32, #tpu.memory_space<hbm>> -> memref<1x80x125xi32, #tpu.memory_space<hbm>>
    %dma_start3A_18 = tpu.memref_squeeze %dma_start3A_17 : memref<1x80x125xi32, #tpu.memory_space<hbm>> -> memref<80x125xi32, #tpu.memory_space<hbm>>
    %dma_start3A_19 = arith.constant 0 : i32
    %dma_start3A_20 = arith.constant 0 : i32
    %dma_start3A_21 = tpu.memref_slice %arg4[%add3A, %dma_start3A_19, %dma_start3A_20] : memref<32x80x125xi32, #tpu.memory_space<hbm>> -> memref<1x80x125xi32, #tpu.memory_space<hbm>>
    %dma_start3A_22 = tpu.memref_squeeze %dma_start3A_21 : memref<1x80x125xi32, #tpu.memory_space<hbm>> -> memref<80x125xi32, #tpu.memory_space<hbm>>
    tpu.enqueue_dma source(%dma_start3A_22 : memref<80x125xi32, #tpu.memory_space<hbm>>) target(%arg7 : memref<80x125xi32, #tpu.memory_space<vmem>>) target_semaphore(%arg33 : memref<!tpu.dma_semaphore, #tpu.memory_space<semaphore_mem>>)
    %dma_wait3A_23 = arith.constant 0 : i32
    %dma_wait3A_24 = arith.constant 0 : i32
    %dma_wait3A_25 = tpu.memref_slice %arg4[%add3A, %dma_wait3A_23, %dma_wait3A_24] : memref<32x80x125xi32, #tpu.memory_space<hbm>> -> memref<1x80x125xi32, #tpu.memory_space<hbm>>
    %dma_wait3A_26 = tpu.memref_squeeze %dma_wait3A_25 : memref<1x80x125xi32, #tpu.memory_space<hbm>> -> memref<80x125xi32, #tpu.memory_space<hbm>>
    %dma_wait3A_27 = arith.constant 0 : i32
    %dma_wait3A_28 = arith.constant 0 : i32
    %dma_wait3A_29 = tpu.memref_slice %arg4[%add3A, %dma_wait3A_27, %dma_wait3A_28] : memref<32x80x125xi32, #tpu.memory_space<hbm>> -> memref<1x80x125xi32, #tpu.memory_space<hbm>>
    %dma_wait3A_30 = tpu.memref_squeeze %dma_wait3A_29 : memref<1x80x125xi32, #tpu.memory_space<hbm>> -> memref<80x125xi32, #tpu.memory_space<hbm>>
    tpu.wait_dma2 semaphore(%arg33 : memref<!tpu.dma_semaphore, #tpu.memory_space<semaphore_mem>>) src(%dma_wait3A_30 : memref<80x125xi32, #tpu.memory_space<hbm>>) dst(%arg7 : memref<80x125xi32, #tpu.memory_space<vmem>>)
    %scan3A = arith.constant 0 : i32
    %scan3A_31 = arith.constant 125 : i32
    %scan3A_32 = arith.addi %scan3A, %scan3A_31 : i32
    %scan3A_33 = arith.constant 1 : i32
    scf.for %scan3A_119 = %scan3A to %scan3A_32 step %scan3A_33  : i32 {
      %mul3A_120 = arith.constant 1 : i32
      %mul3A_121 = arith.muli %scan3A_119, %mul3A_120 : i32
      %add3A_122 = arith.constant 0 : i32
      %add3A_123 = arith.addi %add3A_122, %mul3A_121 : i32
      %broadcast_in_dim3A = arith.constant 0.000000e+00 : f32
      %broadcast_in_dim3A_124 = vector.broadcast %broadcast_in_dim3A : f32 to vector<16xf32>
      %swap3A = arith.index_cast %add3A_123 : i32 to index
      %swap3A_125 = arith.constant 0 : index
      %swap3A_126 = tpu.vector_load %arg8[%swap3A, %swap3A_125] {strides = array<i32>} : memref<125x64xf32, #tpu.memory_space<vmem>>, vector<1x16xf32>,
      %swap3A_127 = vector.shape_cast %swap3A_126 : vector<1x16xf32> to vector<16xf32>
      %swap3A_128 = vector.shape_cast %broadcast_in_dim3A_124 : vector<16xf32> to vector<1x16xf32>
      tpu.vector_store %arg8[%swap3A, %swap3A_125], %swap3A_128 {strides = array<i32>} : memref<125x64xf32, #tpu.memory_space<vmem>>, vector<1x16xf32>,
      %broadcast_in_dim3A_129 = arith.constant 0.000000e+00 : f32
      %broadcast_in_dim3A_130 = vector.broadcast %broadcast_in_dim3A_129 : f32 to vector<16xf32>
      %swap3A_131 = arith.index_cast %add3A_123 : i32 to index
      %swap3A_132 = arith.constant 16 : index
      %swap3A_133 = tpu.vector_load %arg8[%swap3A_131, %swap3A_132] {strides = array<i32>} : memref<125x64xf32, #tpu.memory_space<vmem>>, vector<1x16xf32>,
      %swap3A_134 = vector.shape_cast %swap3A_133 : vector<1x16xf32> to vector<16xf32>
      %swap3A_135 = vector.shape_cast %broadcast_in_dim3A_130 : vector<16xf32> to vector<1x16xf32>
      tpu.vector_store %arg8[%swap3A_131, %swap3A_132], %swap3A_135 {strides = array<i32>} : memref<125x64xf32, #tpu.memory_space<vmem>>, vector<1x16xf32>,
      %broadcast_in_dim3A_136 = arith.constant 0.000000e+00 : f32
      %broadcast_in_dim3A_137 = vector.broadcast %broadcast_in_dim3A_136 : f32 to vector<16xf32>
      %swap3A_138 = arith.index_cast %add3A_123 : i32 to index
      %swap3A_139 = arith.constant 32 : index
      %swap3A_140 = tpu.vector_load %arg8[%swap3A_138, %swap3A_139] {strides = array<i32>} : memref<125x64xf32, #tpu.memory_space<vmem>>, vector<1x16xf32>,
      %swap3A_141 = vector.shape_cast %swap3A_140 : vector<1x16xf32> to vector<16xf32>
      %swap3A_142 = vector.shape_cast %broadcast_in_dim3A_137 : vector<16xf32> to vector<1x16xf32>
      tpu.vector_store %arg8[%swap3A_138, %swap3A_139], %swap3A_142 {strides = array<i32>} : memref<125x64xf32, #tpu.memory_space<vmem>>, vector<1x16xf32>,
      %broadcast_in_dim3A_143 = arith.constant 0.000000e+00 : f32
      %broadcast_in_dim3A_144 = vector.broadcast %broadcast_in_dim3A_143 : f32 to vector<16xf32>
      %swap3A_145 = arith.index_cast %add3A_123 : i32 to index
      %swap3A_146 = arith.constant 48 : index
      %swap3A_147 = tpu.vector_load %arg8[%swap3A_145, %swap3A_146] {strides = array<i32>} : memref<125x64xf32, #tpu.memory_space<vmem>>, vector<1x16xf32>,
      %swap3A_148 = vector.shape_cast %swap3A_147 : vector<1x16xf32> to vector<16xf32>
      %swap3A_149 = vector.shape_cast %broadcast_in_dim3A_144 : vector<16xf32> to vector<1x16xf32>
      tpu.vector_store %arg8[%swap3A_145, %swap3A_146], %swap3A_149 {strides = array<i32>} : memref<125x64xf32, #tpu.memory_space<vmem>>, vector<1x16xf32>,
    }
    %scan3A_34 = arith.constant 125 : i32
    %mul3A_35 = arith.constant 625 : i32
    %mul3A_36 = arith.muli %arg1, %mul3A_35 : i32
    %add3A_37 = arith.constant 0 : i32
    %add3A_38 = arith.addi %mul3A_36, %add3A_37 : i32
    "tpu.region"() ({
      %run_scoped3A = tpu.sem_alloc : memref<!tpu.dma_semaphore, #tpu.memory_space<semaphore_mem>>
      %dma_start3A_119 = arith.constant 0 : i32
      %dma_start3A_120 = tpu.memref_slice %arg16[%add3A_38, %dma_start3A_119] : memref<10000x64xf32, #tpu.memory_space<vmem_shared>> -> memref<125x64xf32, #tpu.memory_space<vmem_shared>>
      %dma_start3A_121 = arith.constant 0 : i32
      %dma_start3A_122 = tpu.memref_slice %arg16[%add3A_38, %dma_start3A_121] : memref<10000x64xf32, #tpu.memory_space<vmem_shared>> -> memref<125x64xf32, #tpu.memory_space<vmem_shared>>
      tpu.enqueue_dma source(%arg8 : memref<125x64xf32, #tpu.memory_space<vmem>>) target(%dma_start3A_122 : memref<125x64xf32, #tpu.memory_space<vmem_shared>>) target_semaphore(%run_scoped3A : memref<!tpu.dma_semaphore, #tpu.memory_space<semaphore_mem>>)
      %dma_wait3A_123 = arith.constant 0 : i32
      %dma_wait3A_124 = tpu.memref_slice %arg16[%add3A_38, %dma_wait3A_123] : memref<10000x64xf32, #tpu.memory_space<vmem_shared>> -> memref<125x64xf32, #tpu.memory_space<vmem_shared>>
      %dma_wait3A_125 = arith.constant 0 : i32
      %dma_wait3A_126 = tpu.memref_slice %arg16[%add3A_38, %dma_wait3A_125] : memref<10000x64xf32, #tpu.memory_space<vmem_shared>> -> memref<125x64xf32, #tpu.memory_space<vmem_shared>>
      tpu.wait_dma2 semaphore(%run_scoped3A : memref<!tpu.dma_semaphore, #tpu.memory_space<semaphore_mem>>) src(%arg8 : memref<125x64xf32, #tpu.memory_space<vmem>>) dst(%dma_wait3A_126 : memref<125x64xf32, #tpu.memory_space<vmem_shared>>)
      tpu.yield
    }) : () -> ()
    %mul3A_39 = arith.constant 625 : i32
    %mul3A_40 = arith.muli %arg1, %mul3A_39 : i32
    %add3A_41 = arith.constant 125 : i32
    %add3A_42 = arith.addi %mul3A_40, %add3A_41 : i32
    "tpu.region"() ({
      %run_scoped3A = tpu.sem_alloc : memref<!tpu.dma_semaphore, #tpu.memory_space<semaphore_mem>>
      %dma_start3A_119 = arith.constant 0 : i32
      %dma_start3A_120 = tpu.memref_slice %arg16[%add3A_42, %dma_start3A_119] : memref<10000x64xf32, #tpu.memory_space<vmem_shared>> -> memref<125x64xf32, #tpu.memory_space<vmem_shared>>
      %dma_start3A_121 = arith.constant 0 : i32
      %dma_start3A_122 = tpu.memref_slice %arg16[%add3A_42, %dma_start3A_121] : memref<10000x64xf32, #tpu.memory_space<vmem_shared>> -> memref<125x64xf32, #tpu.memory_space<vmem_shared>>
      tpu.enqueue_dma source(%arg8 : memref<125x64xf32, #tpu.memory_space<vmem>>) target(%dma_start3A_122 : memref<125x64xf32, #tpu.memory_space<vmem_shared>>) target_semaphore(%run_scoped3A : memref<!tpu.dma_semaphore, #tpu.memory_space<semaphore_mem>>)
      %dma_wait3A_123 = arith.constant 0 : i32
      %dma_wait3A_124 = tpu.memref_slice %arg16[%add3A_42, %dma_wait3A_123] : memref<10000x64xf32, #tpu.memory_space<vmem_shared>> -> memref<125x64xf32, #tpu.memory_space<vmem_shared>>
      %dma_wait3A_125 = arith.constant 0 : i32
      %dma_wait3A_126 = tpu.memref_slice %arg16[%add3A_42, %dma_wait3A_125] : memref<10000x64xf32, #tpu.memory_space<vmem_shared>> -> memref<125x64xf32, #tpu.memory_space<vmem_shared>>
      tpu.wait_dma2 semaphore(%run_scoped3A : memref<!tpu.dma_semaphore, #tpu.memory_space<semaphore_mem>>) src(%arg8 : memref<125x64xf32, #tpu.memory_space<vmem>>) dst(%dma_wait3A_126 : memref<125x64xf32, #tpu.memory_space<vmem_shared>>)
      tpu.yield
    }) : () -> ()
    %mul3A_43 = arith.constant 625 : i32
    %mul3A_44 = arith.muli %arg1, %mul3A_43 : i32
    %add3A_45 = arith.constant 250 : i32
    %add3A_46 = arith.addi %mul3A_44, %add3A_45 : i32
    "tpu.region"() ({
      %run_scoped3A = tpu.sem_alloc : memref<!tpu.dma_semaphore, #tpu.memory_space<semaphore_mem>>
      %dma_start3A_119 = arith.constant 0 : i32
      %dma_start3A_120 = tpu.memref_slice %arg16[%add3A_46, %dma_start3A_119] : memref<10000x64xf32, #tpu.memory_space<vmem_shared>> -> memref<125x64xf32, #tpu.memory_space<vmem_shared>>
      %dma_start3A_121 = arith.constant 0 : i32
      %dma_start3A_122 = tpu.memref_slice %arg16[%add3A_46, %dma_start3A_121] : memref<10000x64xf32, #tpu.memory_space<vmem_shared>> -> memref<125x64xf32, #tpu.memory_space<vmem_shared>>
      tpu.enqueue_dma source(%arg8 : memref<125x64xf32, #tpu.memory_space<vmem>>) target(%dma_start3A_122 : memref<125x64xf32, #tpu.memory_space<vmem_shared>>) target_semaphore(%run_scoped3A : memref<!tpu.dma_semaphore, #tpu.memory_space<semaphore_mem>>)
      %dma_wait3A_123 = arith.constant 0 : i32
      %dma_wait3A_124 = tpu.memref_slice %arg16[%add3A_46, %dma_wait3A_123] : memref<10000x64xf32, #tpu.memory_space<vmem_shared>> -> memref<125x64xf32, #tpu.memory_space<vmem_shared>>
      %dma_wait3A_125 = arith.constant 0 : i32
      %dma_wait3A_126 = tpu.memref_slice %arg16[%add3A_46, %dma_wait3A_125] : memref<10000x64xf32, #tpu.memory_space<vmem_shared>> -> memref<125x64xf32, #tpu.memory_space<vmem_shared>>
      tpu.wait_dma2 semaphore(%run_scoped3A : memref<!tpu.dma_semaphore, #tpu.memory_space<semaphore_mem>>) src(%arg8 : memref<125x64xf32, #tpu.memory_space<vmem>>) dst(%dma_wait3A_126 : memref<125x64xf32, #tpu.memory_space<vmem_shared>>)
      tpu.yield
    }) : () -> ()
    %mul3A_47 = arith.constant 625 : i32
    %mul3A_48 = arith.muli %arg1, %mul3A_47 : i32
    %add3A_49 = arith.constant 375 : i32
    %add3A_50 = arith.addi %mul3A_48, %add3A_49 : i32
    "tpu.region"() ({
      %run_scoped3A = tpu.sem_alloc : memref<!tpu.dma_semaphore, #tpu.memory_space<semaphore_mem>>
      %dma_start3A_119 = arith.constant 0 : i32
      %dma_start3A_120 = tpu.memref_slice %arg16[%add3A_50, %dma_start3A_119] : memref<10000x64xf32, #tpu.memory_space<vmem_shared>> -> memref<125x64xf32, #tpu.memory_space<vmem_shared>>
      %dma_start3A_121 = arith.constant 0 : i32
      %dma_start3A_122 = tpu.memref_slice %arg16[%add3A_50, %dma_start3A_121] : memref<10000x64xf32, #tpu.memory_space<vmem_shared>> -> memref<125x64xf32, #tpu.memory_space<vmem_shared>>
      tpu.enqueue_dma source(%arg8 : memref<125x64xf32, #tpu.memory_space<vmem>>) target(%dma_start3A_122 : memref<125x64xf32, #tpu.memory_space<vmem_shared>>) target_semaphore(%run_scoped3A : memref<!tpu.dma_semaphore, #tpu.memory_space<semaphore_mem>>)
      %dma_wait3A_123 = arith.constant 0 : i32
      %dma_wait3A_124 = tpu.memref_slice %arg16[%add3A_50, %dma_wait3A_123] : memref<10000x64xf32, #tpu.memory_space<vmem_shared>> -> memref<125x64xf32, #tpu.memory_space<vmem_shared>>
      %dma_wait3A_125 = arith.constant 0 : i32
      %dma_wait3A_126 = tpu.memref_slice %arg16[%add3A_50, %dma_wait3A_125] : memref<10000x64xf32, #tpu.memory_space<vmem_shared>> -> memref<125x64xf32, #tpu.memory_space<vmem_shared>>
      tpu.wait_dma2 semaphore(%run_scoped3A : memref<!tpu.dma_semaphore, #tpu.memory_space<semaphore_mem>>) src(%arg8 : memref<125x64xf32, #tpu.memory_space<vmem>>) dst(%dma_wait3A_126 : memref<125x64xf32, #tpu.memory_space<vmem_shared>>)
      tpu.yield
    }) : () -> ()
    %mul3A_51 = arith.constant 625 : i32
    %mul3A_52 = arith.muli %arg1, %mul3A_51 : i32
    %add3A_53 = arith.constant 500 : i32
    %add3A_54 = arith.addi %mul3A_52, %add3A_53 : i32
    "tpu.region"() ({
      %run_scoped3A = tpu.sem_alloc : memref<!tpu.dma_semaphore, #tpu.memory_space<semaphore_mem>>
      %dma_start3A_119 = arith.constant 0 : i32
      %dma_start3A_120 = tpu.memref_slice %arg16[%add3A_54, %dma_start3A_119] : memref<10000x64xf32, #tpu.memory_space<vmem_shared>> -> memref<125x64xf32, #tpu.memory_space<vmem_shared>>
      %dma_start3A_121 = arith.constant 0 : i32
      %dma_start3A_122 = tpu.memref_slice %arg16[%add3A_54, %dma_start3A_121] : memref<10000x64xf32, #tpu.memory_space<vmem_shared>> -> memref<125x64xf32, #tpu.memory_space<vmem_shared>>
      tpu.enqueue_dma source(%arg8 : memref<125x64xf32, #tpu.memory_space<vmem>>) target(%dma_start3A_122 : memref<125x64xf32, #tpu.memory_space<vmem_shared>>) target_semaphore(%run_scoped3A : memref<!tpu.dma_semaphore, #tpu.memory_space<semaphore_mem>>)
      %dma_wait3A_123 = arith.constant 0 : i32
      %dma_wait3A_124 = tpu.memref_slice %arg16[%add3A_54, %dma_wait3A_123] : memref<10000x64xf32, #tpu.memory_space<vmem_shared>> -> memref<125x64xf32, #tpu.memory_space<vmem_shared>>
      %dma_wait3A_125 = arith.constant 0 : i32
      %dma_wait3A_126 = tpu.memref_slice %arg16[%add3A_54, %dma_wait3A_125] : memref<10000x64xf32, #tpu.memory_space<vmem_shared>> -> memref<125x64xf32, #tpu.memory_space<vmem_shared>>
      tpu.wait_dma2 semaphore(%run_scoped3A : memref<!tpu.dma_semaphore, #tpu.memory_space<semaphore_mem>>) src(%arg8 : memref<125x64xf32, #tpu.memory_space<vmem>>) dst(%dma_wait3A_126 : memref<125x64xf32, #tpu.memory_space<vmem_shared>>)
      tpu.yield
    }) : () -> ()
    %barrier3A = arith.constant 0 : index
    tpu.barrier barrier_id(%barrier3A)
    %dma_start3A_55 = arith.constant 0 : i32
    %dma_start3A_56 = arith.constant 0 : i32
    %dma_start3A_57 = tpu.memref_slice %arg6[%dma_start3A_55, %dma_start3A_56] : memref<80x125xi32, #tpu.memory_space<vmem>> -> memref<1x125xi32, #tpu.memory_space<vmem>>
    %dma_start3A_58 = tpu.memref_squeeze %dma_start3A_57 : memref<1x125xi32, #tpu.memory_space<vmem>> -> memref<125xi32, #tpu.memory_space<vmem>>
    %dma_start3A_59 = arith.constant 0 : i32
    %dma_start3A_60 = arith.constant 0 : i32
    %dma_start3A_61 = tpu.memref_slice %arg2[%dma_start3A_59, %dma_start3A_60] : memref<10000x64xf32, #tpu.memory_space<hbm>> -> memref<10000x64xf32, #tpu.memory_space<hbm>>
    tpu.enqueue_indirect_dma source(%dma_start3A_61 : memref<10000x64xf32, #tpu.memory_space<hbm>>) target(%arg8 : memref<125x64xf32, #tpu.memory_space<vmem>>) offsets(%dma_start3A_58 : memref<125xi32, #tpu.memory_space<vmem>>) semaphore(%arg17 : memref<!tpu.dma_semaphore, #tpu.memory_space<semaphore_mem>>)
    %dma_start3A_62 = arith.constant 1 : i32
    %dma_start3A_63 = arith.constant 0 : i32
    %dma_start3A_64 = tpu.memref_slice %arg6[%dma_start3A_62, %dma_start3A_63] : memref<80x125xi32, #tpu.memory_space<vmem>> -> memref<1x125xi32, #tpu.memory_space<vmem>>
    %dma_start3A_65 = tpu.memref_squeeze %dma_start3A_64 : memref<1x125xi32, #tpu.memory_space<vmem>> -> memref<125xi32, #tpu.memory_space<vmem>>
    %dma_start3A_66 = arith.constant 0 : i32
    %dma_start3A_67 = arith.constant 0 : i32
    %dma_start3A_68 = tpu.memref_slice %arg2[%dma_start3A_66, %dma_start3A_67] : memref<10000x64xf32, #tpu.memory_space<hbm>> -> memref<10000x64xf32, #tpu.memory_space<hbm>>
    tpu.enqueue_indirect_dma source(%dma_start3A_68 : memref<10000x64xf32, #tpu.memory_space<hbm>>) target(%arg9 : memref<125x64xf32, #tpu.memory_space<vmem>>) offsets(%dma_start3A_65 : memref<125xi32, #tpu.memory_space<vmem>>) semaphore(%arg18 : memref<!tpu.dma_semaphore, #tpu.memory_space<semaphore_mem>>)
    %dma_start3A_69 = arith.constant 2 : i32
    %dma_start3A_70 = arith.constant 0 : i32
    %dma_start3A_71 = tpu.memref_slice %arg6[%dma_start3A_69, %dma_start3A_70] : memref<80x125xi32, #tpu.memory_space<vmem>> -> memref<1x125xi32, #tpu.memory_space<vmem>>
    %dma_start3A_72 = tpu.memref_squeeze %dma_start3A_71 : memref<1x125xi32, #tpu.memory_space<vmem>> -> memref<125xi32, #tpu.memory_space<vmem>>
    %dma_start3A_73 = arith.constant 0 : i32
    %dma_start3A_74 = arith.constant 0 : i32
    %dma_start3A_75 = tpu.memref_slice %arg2[%dma_start3A_73, %dma_start3A_74] : memref<10000x64xf32, #tpu.memory_space<hbm>> -> memref<10000x64xf32, #tpu.memory_space<hbm>>
    tpu.enqueue_indirect_dma source(%dma_start3A_75 : memref<10000x64xf32, #tpu.memory_space<hbm>>) target(%arg10 : memref<125x64xf32, #tpu.memory_space<vmem>>) offsets(%dma_start3A_72 : memref<125xi32, #tpu.memory_space<vmem>>) semaphore(%arg19 : memref<!tpu.dma_semaphore, #tpu.memory_space<semaphore_mem>>)
    %dma_start3A_76 = arith.constant 3 : i32
    %dma_start3A_77 = arith.constant 0 : i32
    %dma_start3A_78 = tpu.memref_slice %arg6[%dma_start3A_76, %dma_start3A_77] : memref<80x125xi32, #tpu.memory_space<vmem>> -> memref<1x125xi32, #tpu.memory_space<vmem>>
    %dma_start3A_79 = tpu.memref_squeeze %dma_start3A_78 : memref<1x125xi32, #tpu.memory_space<vmem>> -> memref<125xi32, #tpu.memory_space<vmem>>
    %dma_start3A_80 = arith.constant 0 : i32
    %dma_start3A_81 = arith.constant 0 : i32
    %dma_start3A_82 = tpu.memref_slice %arg2[%dma_start3A_80, %dma_start3A_81] : memref<10000x64xf32, #tpu.memory_space<hbm>> -> memref<10000x64xf32, #tpu.memory_space<hbm>>
    tpu.enqueue_indirect_dma source(%dma_start3A_82 : memref<10000x64xf32, #tpu.memory_space<hbm>>) target(%arg11 : memref<125x64xf32, #tpu.memory_space<vmem>>) offsets(%dma_start3A_79 : memref<125xi32, #tpu.memory_space<vmem>>) semaphore(%arg20 : memref<!tpu.dma_semaphore, #tpu.memory_space<semaphore_mem>>)
    %scan3A_83 = arith.constant 0 : i32
    %scan3A_84 = arith.constant 10 : i32
    %scan3A_85 = arith.addi %scan3A_83, %scan3A_84 : i32
    %scan3A_86 = arith.constant 1 : i32
    scf.for %scan3A_119 = %scan3A_83 to %scan3A_85 step %scan3A_86  : i32 {
      %mul3A_120 = arith.constant 8 : i32
      %mul3A_121 = arith.muli %scan3A_119, %mul3A_120 : i32
      %add3A_122 = arith.constant 0 : i32
      %add3A_123 = arith.addi %add3A_122, %mul3A_121 : i32
      %add3A_124 = arith.constant 0 : i32
      %add3A_125 = arith.addi %add3A_123, %add3A_124 : i32
      %ge3A = arith.constant 4 : i32
      %ge3A_126 = arith.cmpi sge, %add3A_125, %ge3A : i32
      %convert_element_type3A = arith.extui %ge3A_126 : i1 to i32
      %cond3A = arith.constant 0 : i32
      %cond3A_127 = arith.cmpi ne, %convert_element_type3A, %cond3A : i32
      scf.if %cond3A_127 {
        %sub3A_343 = arith.constant 4 : i32
        %sub3A_344 = arith.subi %add3A_125, %sub3A_343 : i32
        %dma_wait3A_345 = arith.constant 0 : i32
        %dma_wait3A_346 = tpu.memref_slice %arg7[%sub3A_344, %dma_wait3A_345] : memref<80x125xi32, #tpu.memory_space<vmem>> -> memref<1x125xi32, #tpu.memory_space<vmem>>
        %dma_wait3A_347 = tpu.memref_squeeze %dma_wait3A_346 : memref<1x125xi32, #tpu.memory_space<vmem>> -> memref<125xi32, #tpu.memory_space<vmem>>
        %dma_wait3A_348 = arith.constant 0 : i32
        %dma_wait3A_349 = arith.constant 0 : i32
        %dma_wait3A_350 = tpu.memref_slice %arg16[%dma_wait3A_348, %dma_wait3A_349] : memref<10000x64xf32, #tpu.memory_space<vmem_shared>> -> memref<10000x64xf32, #tpu.memory_space<vmem_shared>>
        tpu.wait_indirect_dma semaphore(%arg29 : memref<!tpu.dma_semaphore, #tpu.memory_space<semaphore_mem>>) src(%arg12 : memref<125x64xf32, #tpu.memory_space<vmem>>) dst(%dma_wait3A_350 : memref<10000x64xf32, #tpu.memory_space<vmem_shared>>)
      } else {
      }
      %add3A_128 = arith.constant 4 : i32
      %add3A_129 = arith.addi %add3A_125, %add3A_128 : i32
      %dma_start3A_130 = arith.constant 0 : i32
      %dma_start3A_131 = tpu.memref_slice %arg6[%add3A_129, %dma_start3A_130] : memref<80x125xi32, #tpu.memory_space<vmem>> -> memref<1x125xi32, #tpu.memory_space<vmem>>
      %dma_start3A_132 = tpu.memref_squeeze %dma_start3A_131 : memref<1x125xi32, #tpu.memory_space<vmem>> -> memref<125xi32, #tpu.memory_space<vmem>>
      %dma_start3A_133 = arith.constant 0 : i32
      %dma_start3A_134 = arith.constant 0 : i32
      %dma_start3A_135 = tpu.memref_slice %arg2[%dma_start3A_133, %dma_start3A_134] : memref<10000x64xf32, #tpu.memory_space<hbm>> -> memref<10000x64xf32, #tpu.memory_space<hbm>>
      tpu.enqueue_indirect_dma source(%dma_start3A_135 : memref<10000x64xf32, #tpu.memory_space<hbm>>) target(%arg12 : memref<125x64xf32, #tpu.memory_space<vmem>>) offsets(%dma_start3A_132 : memref<125xi32, #tpu.memory_space<vmem>>) semaphore(%arg21 : memref<!tpu.dma_semaphore, #tpu.memory_space<semaphore_mem>>)
      %dma_wait3A_136 = arith.constant 0 : i32
      %dma_wait3A_137 = tpu.memref_slice %arg6[%add3A_125, %dma_wait3A_136] : memref<80x125xi32, #tpu.memory_space<vmem>> -> memref<1x125xi32, #tpu.memory_space<vmem>>
      %dma_wait3A_138 = tpu.memref_squeeze %dma_wait3A_137 : memref<1x125xi32, #tpu.memory_space<vmem>> -> memref<125xi32, #tpu.memory_space<vmem>>
      %dma_wait3A_139 = arith.constant 0 : i32
      %dma_wait3A_140 = arith.constant 0 : i32
      %dma_wait3A_141 = tpu.memref_slice %arg2[%dma_wait3A_139, %dma_wait3A_140] : memref<10000x64xf32, #tpu.memory_space<hbm>> -> memref<10000x64xf32, #tpu.memory_space<hbm>>
      tpu.wait_indirect_dma semaphore(%arg17 : memref<!tpu.dma_semaphore, #tpu.memory_space<semaphore_mem>>) src(%dma_wait3A_141 : memref<10000x64xf32, #tpu.memory_space<hbm>>) dst(%arg8 : memref<125x64xf32, #tpu.memory_space<vmem>>)
      %dma_start3A_142 = arith.constant 0 : i32
      %dma_start3A_143 = tpu.memref_slice %arg7[%add3A_125, %dma_start3A_142] : memref<80x125xi32, #tpu.memory_space<vmem>> -> memref<1x125xi32, #tpu.memory_space<vmem>>
      %dma_start3A_144 = tpu.memref_squeeze %dma_start3A_143 : memref<1x125xi32, #tpu.memory_space<vmem>> -> memref<125xi32, #tpu.memory_space<vmem>>
      %dma_start3A_145 = arith.constant 0 : i32
      %dma_start3A_146 = arith.constant 0 : i32
      %dma_start3A_147 = tpu.memref_slice %arg16[%dma_start3A_145, %dma_start3A_146] : memref<10000x64xf32, #tpu.memory_space<vmem_shared>> -> memref<10000x64xf32, #tpu.memory_space<vmem_shared>>
      tpu.enqueue_indirect_dma source(%arg8 : memref<125x64xf32, #tpu.memory_space<vmem>>) target(%dma_start3A_147 : memref<10000x64xf32, #tpu.memory_space<vmem_shared>>) offsets(%dma_start3A_144 : memref<125xi32, #tpu.memory_space<vmem>>) semaphore(%arg25 : memref<!tpu.dma_semaphore, #tpu.memory_space<semaphore_mem>>) {add = true}
      %add3A_148 = arith.constant 1 : i32
      %add3A_149 = arith.addi %add3A_123, %add3A_148 : i32
      %ge3A_150 = arith.constant 4 : i32
      %ge3A_151 = arith.cmpi sge, %add3A_149, %ge3A_150 : i32
      %convert_element_type3A_152 = arith.extui %ge3A_151 : i1 to i32
      %cond3A_153 = arith.constant 0 : i32
      %cond3A_154 = arith.cmpi ne, %convert_element_type3A_152, %cond3A_153 : i32
      scf.if %cond3A_154 {
        %sub3A_343 = arith.constant 4 : i32
        %sub3A_344 = arith.subi %add3A_149, %sub3A_343 : i32
        %dma_wait3A_345 = arith.constant 0 : i32
        %dma_wait3A_346 = tpu.memref_slice %arg7[%sub3A_344, %dma_wait3A_345] : memref<80x125xi32, #tpu.memory_space<vmem>> -> memref<1x125xi32, #tpu.memory_space<vmem>>
        %dma_wait3A_347 = tpu.memref_squeeze %dma_wait3A_346 : memref<1x125xi32, #tpu.memory_space<vmem>> -> memref<125xi32, #tpu.memory_space<vmem>>
        %dma_wait3A_348 = arith.constant 0 : i32
        %dma_wait3A_349 = arith.constant 0 : i32
        %dma_wait3A_350 = tpu.memref_slice %arg16[%dma_wait3A_348, %dma_wait3A_349] : memref<10000x64xf32, #tpu.memory_space<vmem_shared>> -> memref<10000x64xf32, #tpu.memory_space<vmem_shared>>
        tpu.wait_indirect_dma semaphore(%arg30 : memref<!tpu.dma_semaphore, #tpu.memory_space<semaphore_mem>>) src(%arg13 : memref<125x64xf32, #tpu.memory_space<vmem>>) dst(%dma_wait3A_350 : memref<10000x64xf32, #tpu.memory_space<vmem_shared>>)
      } else {
      }
      %add3A_155 = arith.constant 4 : i32
      %add3A_156 = arith.addi %add3A_149, %add3A_155 : i32
      %dma_start3A_157 = arith.constant 0 : i32
      %dma_start3A_158 = tpu.memref_slice %arg6[%add3A_156, %dma_start3A_157] : memref<80x125xi32, #tpu.memory_space<vmem>> -> memref<1x125xi32, #tpu.memory_space<vmem>>
      %dma_start3A_159 = tpu.memref_squeeze %dma_start3A_158 : memref<1x125xi32, #tpu.memory_space<vmem>> -> memref<125xi32, #tpu.memory_space<vmem>>
      %dma_start3A_160 = arith.constant 0 : i32
      %dma_start3A_161 = arith.constant 0 : i32
      %dma_start3A_162 = tpu.memref_slice %arg2[%dma_start3A_160, %dma_start3A_161] : memref<10000x64xf32, #tpu.memory_space<hbm>> -> memref<10000x64xf32, #tpu.memory_space<hbm>>
      tpu.enqueue_indirect_dma source(%dma_start3A_162 : memref<10000x64xf32, #tpu.memory_space<hbm>>) target(%arg13 : memref<125x64xf32, #tpu.memory_space<vmem>>) offsets(%dma_start3A_159 : memref<125xi32, #tpu.memory_space<vmem>>) semaphore(%arg22 : memref<!tpu.dma_semaphore, #tpu.memory_space<semaphore_mem>>)
      %dma_wait3A_163 = arith.constant 0 : i32
      %dma_wait3A_164 = tpu.memref_slice %arg6[%add3A_149, %dma_wait3A_163] : memref<80x125xi32, #tpu.memory_space<vmem>> -> memref<1x125xi32, #tpu.memory_space<vmem>>
      %dma_wait3A_165 = tpu.memref_squeeze %dma_wait3A_164 : memref<1x125xi32, #tpu.memory_space<vmem>> -> memref<125xi32, #tpu.memory_space<vmem>>
      %dma_wait3A_166 = arith.constant 0 : i32
      %dma_wait3A_167 = arith.constant 0 : i32
      %dma_wait3A_168 = tpu.memref_slice %arg2[%dma_wait3A_166, %dma_wait3A_167] : memref<10000x64xf32, #tpu.memory_space<hbm>> -> memref<10000x64xf32, #tpu.memory_space<hbm>>
      tpu.wait_indirect_dma semaphore(%arg18 : memref<!tpu.dma_semaphore, #tpu.memory_space<semaphore_mem>>) src(%dma_wait3A_168 : memref<10000x64xf32, #tpu.memory_space<hbm>>) dst(%arg9 : memref<125x64xf32, #tpu.memory_space<vmem>>)
      %dma_start3A_169 = arith.constant 0 : i32
      %dma_start3A_170 = tpu.memref_slice %arg7[%add3A_149, %dma_start3A_169] : memref<80x125xi32, #tpu.memory_space<vmem>> -> memref<1x125xi32, #tpu.memory_space<vmem>>
      %dma_start3A_171 = tpu.memref_squeeze %dma_start3A_170 : memref<1x125xi32, #tpu.memory_space<vmem>> -> memref<125xi32, #tpu.memory_space<vmem>>
      %dma_start3A_172 = arith.constant 0 : i32
      %dma_start3A_173 = arith.constant 0 : i32
      %dma_start3A_174 = tpu.memref_slice %arg16[%dma_start3A_172, %dma_start3A_173] : memref<10000x64xf32, #tpu.memory_space<vmem_shared>> -> memref<10000x64xf32, #tpu.memory_space<vmem_shared>>
      tpu.enqueue_indirect_dma source(%arg9 : memref<125x64xf32, #tpu.memory_space<vmem>>) target(%dma_start3A_174 : memref<10000x64xf32, #tpu.memory_space<vmem_shared>>) offsets(%dma_start3A_171 : memref<125xi32, #tpu.memory_space<vmem>>) semaphore(%arg26 : memref<!tpu.dma_semaphore, #tpu.memory_space<semaphore_mem>>) {add = true}
      %add3A_175 = arith.constant 2 : i32
      %add3A_176 = arith.addi %add3A_123, %add3A_175 : i32
      %ge3A_177 = arith.constant 4 : i32
      %ge3A_178 = arith.cmpi sge, %add3A_176, %ge3A_177 : i32
      %convert_element_type3A_179 = arith.extui %ge3A_178 : i1 to i32
      %cond3A_180 = arith.constant 0 : i32
      %cond3A_181 = arith.cmpi ne, %convert_element_type3A_179, %cond3A_180 : i32
      scf.if %cond3A_181 {
        %sub3A_343 = arith.constant 4 : i32
        %sub3A_344 = arith.subi %add3A_176, %sub3A_343 : i32
        %dma_wait3A_345 = arith.constant 0 : i32
        %dma_wait3A_346 = tpu.memref_slice %arg7[%sub3A_344, %dma_wait3A_345] : memref<80x125xi32, #tpu.memory_space<vmem>> -> memref<1x125xi32, #tpu.memory_space<vmem>>
        %dma_wait3A_347 = tpu.memref_squeeze %dma_wait3A_346 : memref<1x125xi32, #tpu.memory_space<vmem>> -> memref<125xi32, #tpu.memory_space<vmem>>
        %dma_wait3A_348 = arith.constant 0 : i32
        %dma_wait3A_349 = arith.constant 0 : i32
        %dma_wait3A_350 = tpu.memref_slice %arg16[%dma_wait3A_348, %dma_wait3A_349] : memref<10000x64xf32, #tpu.memory_space<vmem_shared>> -> memref<10000x64xf32, #tpu.memory_space<vmem_shared>>
        tpu.wait_indirect_dma semaphore(%arg31 : memref<!tpu.dma_semaphore, #tpu.memory_space<semaphore_mem>>) src(%arg14 : memref<125x64xf32, #tpu.memory_space<vmem>>) dst(%dma_wait3A_350 : memref<10000x64xf32, #tpu.memory_space<vmem_shared>>)
      } else {
      }
      %add3A_182 = arith.constant 4 : i32
      %add3A_183 = arith.addi %add3A_176, %add3A_182 : i32
      %dma_start3A_184 = arith.constant 0 : i32
      %dma_start3A_185 = tpu.memref_slice %arg6[%add3A_183, %dma_start3A_184] : memref<80x125xi32, #tpu.memory_space<vmem>> -> memref<1x125xi32, #tpu.memory_space<vmem>>
      %dma_start3A_186 = tpu.memref_squeeze %dma_start3A_185 : memref<1x125xi32, #tpu.memory_space<vmem>> -> memref<125xi32, #tpu.memory_space<vmem>>
      %dma_start3A_187 = arith.constant 0 : i32
      %dma_start3A_188 = arith.constant 0 : i32
      %dma_start3A_189 = tpu.memref_slice %arg2[%dma_start3A_187, %dma_start3A_188] : memref<10000x64xf32, #tpu.memory_space<hbm>> -> memref<10000x64xf32, #tpu.memory_space<hbm>>
      tpu.enqueue_indirect_dma source(%dma_start3A_189 : memref<10000x64xf32, #tpu.memory_space<hbm>>) target(%arg14 : memref<125x64xf32, #tpu.memory_space<vmem>>) offsets(%dma_start3A_186 : memref<125xi32, #tpu.memory_space<vmem>>) semaphore(%arg23 : memref<!tpu.dma_semaphore, #tpu.memory_space<semaphore_mem>>)
      %dma_wait3A_190 = arith.constant 0 : i32
      %dma_wait3A_191 = tpu.memref_slice %arg6[%add3A_176, %dma_wait3A_190] : memref<80x125xi32, #tpu.memory_space<vmem>> -> memref<1x125xi32, #tpu.memory_space<vmem>>
      %dma_wait3A_192 = tpu.memref_squeeze %dma_wait3A_191 : memref<1x125xi32, #tpu.memory_space<vmem>> -> memref<125xi32, #tpu.memory_space<vmem>>
      %dma_wait3A_193 = arith.constant 0 : i32
      %dma_wait3A_194 = arith.constant 0 : i32
      %dma_wait3A_195 = tpu.memref_slice %arg2[%dma_wait3A_193, %dma_wait3A_194] : memref<10000x64xf32, #tpu.memory_space<hbm>> -> memref<10000x64xf32, #tpu.memory_space<hbm>>
      tpu.wait_indirect_dma semaphore(%arg19 : memref<!tpu.dma_semaphore, #tpu.memory_space<semaphore_mem>>) src(%dma_wait3A_195 : memref<10000x64xf32, #tpu.memory_space<hbm>>) dst(%arg10 : memref<125x64xf32, #tpu.memory_space<vmem>>)
      %dma_start3A_196 = arith.constant 0 : i32
      %dma_start3A_197 = tpu.memref_slice %arg7[%add3A_176, %dma_start3A_196] : memref<80x125xi32, #tpu.memory_space<vmem>> -> memref<1x125xi32, #tpu.memory_space<vmem>>
      %dma_start3A_198 = tpu.memref_squeeze %dma_start3A_197 : memref<1x125xi32, #tpu.memory_space<vmem>> -> memref<125xi32, #tpu.memory_space<vmem>>
      %dma_start3A_199 = arith.constant 0 : i32
      %dma_start3A_200 = arith.constant 0 : i32
      %dma_start3A_201 = tpu.memref_slice %arg16[%dma_start3A_199, %dma_start3A_200] : memref<10000x64xf32, #tpu.memory_space<vmem_shared>> -> memref<10000x64xf32, #tpu.memory_space<vmem_shared>>
      tpu.enqueue_indirect_dma source(%arg10 : memref<125x64xf32, #tpu.memory_space<vmem>>) target(%dma_start3A_201 : memref<10000x64xf32, #tpu.memory_space<vmem_shared>>) offsets(%dma_start3A_198 : memref<125xi32, #tpu.memory_space<vmem>>) semaphore(%arg27 : memref<!tpu.dma_semaphore, #tpu.memory_space<semaphore_mem>>) {add = true}
      %add3A_202 = arith.constant 3 : i32
      %add3A_203 = arith.addi %add3A_123, %add3A_202 : i32
      %ge3A_204 = arith.constant 4 : i32
      %ge3A_205 = arith.cmpi sge, %add3A_203, %ge3A_204 : i32
      %convert_element_type3A_206 = arith.extui %ge3A_205 : i1 to i32
      %cond3A_207 = arith.constant 0 : i32
      %cond3A_208 = arith.cmpi ne, %convert_element_type3A_206, %cond3A_207 : i32
      scf.if %cond3A_208 {
        %sub3A_343 = arith.constant 4 : i32
        %sub3A_344 = arith.subi %add3A_203, %sub3A_343 : i32
        %dma_wait3A_345 = arith.constant 0 : i32
        %dma_wait3A_346 = tpu.memref_slice %arg7[%sub3A_344, %dma_wait3A_345] : memref<80x125xi32, #tpu.memory_space<vmem>> -> memref<1x125xi32, #tpu.memory_space<vmem>>
        %dma_wait3A_347 = tpu.memref_squeeze %dma_wait3A_346 : memref<1x125xi32, #tpu.memory_space<vmem>> -> memref<125xi32, #tpu.memory_space<vmem>>
        %dma_wait3A_348 = arith.constant 0 : i32
        %dma_wait3A_349 = arith.constant 0 : i32
        %dma_wait3A_350 = tpu.memref_slice %arg16[%dma_wait3A_348, %dma_wait3A_349] : memref<10000x64xf32, #tpu.memory_space<vmem_shared>> -> memref<10000x64xf32, #tpu.memory_space<vmem_shared>>
        tpu.wait_indirect_dma semaphore(%arg32 : memref<!tpu.dma_semaphore, #tpu.memory_space<semaphore_mem>>) src(%arg15 : memref<125x64xf32, #tpu.memory_space<vmem>>) dst(%dma_wait3A_350 : memref<10000x64xf32, #tpu.memory_space<vmem_shared>>)
      } else {
      }
      %add3A_209 = arith.constant 4 : i32
      %add3A_210 = arith.addi %add3A_203, %add3A_209 : i32
      %dma_start3A_211 = arith.constant 0 : i32
      %dma_start3A_212 = tpu.memref_slice %arg6[%add3A_210, %dma_start3A_211] : memref<80x125xi32, #tpu.memory_space<vmem>> -> memref<1x125xi32, #tpu.memory_space<vmem>>
      %dma_start3A_213 = tpu.memref_squeeze %dma_start3A_212 : memref<1x125xi32, #tpu.memory_space<vmem>> -> memref<125xi32, #tpu.memory_space<vmem>>
      %dma_start3A_214 = arith.constant 0 : i32
      %dma_start3A_215 = arith.constant 0 : i32
      %dma_start3A_216 = tpu.memref_slice %arg2[%dma_start3A_214, %dma_start3A_215] : memref<10000x64xf32, #tpu.memory_space<hbm>> -> memref<10000x64xf32, #tpu.memory_space<hbm>>
      tpu.enqueue_indirect_dma source(%dma_start3A_216 : memref<10000x64xf32, #tpu.memory_space<hbm>>) target(%arg15 : memref<125x64xf32, #tpu.memory_space<vmem>>) offsets(%dma_start3A_213 : memref<125xi32, #tpu.memory_space<vmem>>) semaphore(%arg24 : memref<!tpu.dma_semaphore, #tpu.memory_space<semaphore_mem>>)
      %dma_wait3A_217 = arith.constant 0 : i32
      %dma_wait3A_218 = tpu.memref_slice %arg6[%add3A_203, %dma_wait3A_217] : memref<80x125xi32, #tpu.memory_space<vmem>> -> memref<1x125xi32, #tpu.memory_space<vmem>>
      %dma_wait3A_219 = tpu.memref_squeeze %dma_wait3A_218 : memref<1x125xi32, #tpu.memory_space<vmem>> -> memref<125xi32, #tpu.memory_space<vmem>>
      %dma_wait3A_220 = arith.constant 0 : i32
      %dma_wait3A_221 = arith.constant 0 : i32
      %dma_wait3A_222 = tpu.memref_slice %arg2[%dma_wait3A_220, %dma_wait3A_221] : memref<10000x64xf32, #tpu.memory_space<hbm>> -> memref<10000x64xf32, #tpu.memory_space<hbm>>
      tpu.wait_indirect_dma semaphore(%arg20 : memref<!tpu.dma_semaphore, #tpu.memory_space<semaphore_mem>>) src(%dma_wait3A_222 : memref<10000x64xf32, #tpu.memory_space<hbm>>) dst(%arg11 : memref<125x64xf32, #tpu.memory_space<vmem>>)
      %dma_start3A_223 = arith.constant 0 : i32
      %dma_start3A_224 = tpu.memref_slice %arg7[%add3A_203, %dma_start3A_223] : memref<80x125xi32, #tpu.memory_space<vmem>> -> memref<1x125xi32, #tpu.memory_space<vmem>>
      %dma_start3A_225 = tpu.memref_squeeze %dma_start3A_224 : memref<1x125xi32, #tpu.memory_space<vmem>> -> memref<125xi32, #tpu.memory_space<vmem>>
      %dma_start3A_226 = arith.constant 0 : i32
      %dma_start3A_227 = arith.constant 0 : i32
      %dma_start3A_228 = tpu.memref_slice %arg16[%dma_start3A_226, %dma_start3A_227] : memref<10000x64xf32, #tpu.memory_space<vmem_shared>> -> memref<10000x64xf32, #tpu.memory_space<vmem_shared>>
      tpu.enqueue_indirect_dma source(%arg11 : memref<125x64xf32, #tpu.memory_space<vmem>>) target(%dma_start3A_228 : memref<10000x64xf32, #tpu.memory_space<vmem_shared>>) offsets(%dma_start3A_225 : memref<125xi32, #tpu.memory_space<vmem>>) semaphore(%arg28 : memref<!tpu.dma_semaphore, #tpu.memory_space<semaphore_mem>>) {add = true}
      %add3A_229 = arith.constant 4 : i32
      %add3A_230 = arith.addi %add3A_123, %add3A_229 : i32
      %sub3A = arith.constant 4 : i32
      %sub3A_231 = arith.subi %add3A_230, %sub3A : i32
      %dma_wait3A_232 = arith.constant 0 : i32
      %dma_wait3A_233 = tpu.memref_slice %arg7[%sub3A_231, %dma_wait3A_232] : memref<80x125xi32, #tpu.memory_space<vmem>> -> memref<1x125xi32, #tpu.memory_space<vmem>>
      %dma_wait3A_234 = tpu.memref_squeeze %dma_wait3A_233 : memref<1x125xi32, #tpu.memory_space<vmem>> -> memref<125xi32, #tpu.memory_space<vmem>>
      %dma_wait3A_235 = arith.constant 0 : i32
      %dma_wait3A_236 = arith.constant 0 : i32
      %dma_wait3A_237 = tpu.memref_slice %arg16[%dma_wait3A_235, %dma_wait3A_236] : memref<10000x64xf32, #tpu.memory_space<vmem_shared>> -> memref<10000x64xf32, #tpu.memory_space<vmem_shared>>
      tpu.wait_indirect_dma semaphore(%arg25 : memref<!tpu.dma_semaphore, #tpu.memory_space<semaphore_mem>>) src(%arg8 : memref<125x64xf32, #tpu.memory_space<vmem>>) dst(%dma_wait3A_237 : memref<10000x64xf32, #tpu.memory_space<vmem_shared>>)
      %add3A_238 = arith.constant 4 : i32
      %add3A_239 = arith.addi %add3A_230, %add3A_238 : i32
      %lt3A = arith.constant 80 : i32
      %lt3A_240 = arith.cmpi slt, %add3A_239, %lt3A : i32
      %convert_element_type3A_241 = arith.extui %lt3A_240 : i1 to i32
      %cond3A_242 = arith.constant 0 : i32
      %cond3A_243 = arith.cmpi ne, %convert_element_type3A_241, %cond3A_242 : i32
      scf.if %cond3A_243 {
        %add3A_343 = arith.constant 4 : i32
        %add3A_344 = arith.addi %add3A_230, %add3A_343 : i32
        %dma_start3A_345 = arith.constant 0 : i32
        %dma_start3A_346 = tpu.memref_slice %arg6[%add3A_344, %dma_start3A_345] : memref<80x125xi32, #tpu.memory_space<vmem>> -> memref<1x125xi32, #tpu.memory_space<vmem>>
        %dma_start3A_347 = tpu.memref_squeeze %dma_start3A_346 : memref<1x125xi32, #tpu.memory_space<vmem>> -> memref<125xi32, #tpu.memory_space<vmem>>
        %dma_start3A_348 = arith.constant 0 : i32
        %dma_start3A_349 = arith.constant 0 : i32
        %dma_start3A_350 = tpu.memref_slice %arg2[%dma_start3A_348, %dma_start3A_349] : memref<10000x64xf32, #tpu.memory_space<hbm>> -> memref<10000x64xf32, #tpu.memory_space<hbm>>
        tpu.enqueue_indirect_dma source(%dma_start3A_350 : memref<10000x64xf32, #tpu.memory_space<hbm>>) target(%arg8 : memref<125x64xf32, #tpu.memory_space<vmem>>) offsets(%dma_start3A_347 : memref<125xi32, #tpu.memory_space<vmem>>) semaphore(%arg17 : memref<!tpu.dma_semaphore, #tpu.memory_space<semaphore_mem>>)
      } else {
      }
      %dma_wait3A_244 = arith.constant 0 : i32
      %dma_wait3A_245 = tpu.memref_slice %arg6[%add3A_230, %dma_wait3A_244] : memref<80x125xi32, #tpu.memory_space<vmem>> -> memref<1x125xi32, #tpu.memory_space<vmem>>
      %dma_wait3A_246 = tpu.memref_squeeze %dma_wait3A_245 : memref<1x125xi32, #tpu.memory_space<vmem>> -> memref<125xi32, #tpu.memory_space<vmem>>
      %dma_wait3A_247 = arith.constant 0 : i32
      %dma_wait3A_248 = arith.constant 0 : i32
      %dma_wait3A_249 = tpu.memref_slice %arg2[%dma_wait3A_247, %dma_wait3A_248] : memref<10000x64xf32, #tpu.memory_space<hbm>> -> memref<10000x64xf32, #tpu.memory_space<hbm>>
      tpu.wait_indirect_dma semaphore(%arg21 : memref<!tpu.dma_semaphore, #tpu.memory_space<semaphore_mem>>) src(%dma_wait3A_249 : memref<10000x64xf32, #tpu.memory_space<hbm>>) dst(%arg12 : memref<125x64xf32, #tpu.memory_space<vmem>>)
      %dma_start3A_250 = arith.constant 0 : i32
      %dma_start3A_251 = tpu.memref_slice %arg7[%add3A_230, %dma_start3A_250] : memref<80x125xi32, #tpu.memory_space<vmem>> -> memref<1x125xi32, #tpu.memory_space<vmem>>
      %dma_start3A_252 = tpu.memref_squeeze %dma_start3A_251 : memref<1x125xi32, #tpu.memory_space<vmem>> -> memref<125xi32, #tpu.memory_space<vmem>>
      %dma_start3A_253 = arith.constant 0 : i32
      %dma_start3A_254 = arith.constant 0 : i32
      %dma_start3A_255 = tpu.memref_slice %arg16[%dma_start3A_253, %dma_start3A_254] : memref<10000x64xf32, #tpu.memory_space<vmem_shared>> -> memref<10000x64xf32, #tpu.memory_space<vmem_shared>>
      tpu.enqueue_indirect_dma source(%arg12 : memref<125x64xf32, #tpu.memory_space<vmem>>) target(%dma_start3A_255 : memref<10000x64xf32, #tpu.memory_space<vmem_shared>>) offsets(%dma_start3A_252 : memref<125xi32, #tpu.memory_space<vmem>>) semaphore(%arg29 : memref<!tpu.dma_semaphore, #tpu.memory_space<semaphore_mem>>) {add = true}
      %add3A_256 = arith.constant 5 : i32
      %add3A_257 = arith.addi %add3A_123, %add3A_256 : i32
      %sub3A_258 = arith.constant 4 : i32
      %sub3A_259 = arith.subi %add3A_257, %sub3A_258 : i32
      %dma_wait3A_260 = arith.constant 0 : i32
      %dma_wait3A_261 = tpu.memref_slice %arg7[%sub3A_259, %dma_wait3A_260] : memref<80x125xi32, #tpu.memory_space<vmem>> -> memref<1x125xi32, #tpu.memory_space<vmem>>
      %dma_wait3A_262 = tpu.memref_squeeze %dma_wait3A_261 : memref<1x125xi32, #tpu.memory_space<vmem>> -> memref<125xi32, #tpu.memory_space<vmem>>
      %dma_wait3A_263 = arith.constant 0 : i32
      %dma_wait3A_264 = arith.constant 0 : i32
      %dma_wait3A_265 = tpu.memref_slice %arg16[%dma_wait3A_263, %dma_wait3A_264] : memref<10000x64xf32, #tpu.memory_space<vmem_shared>> -> memref<10000x64xf32, #tpu.memory_space<vmem_shared>>
      tpu.wait_indirect_dma semaphore(%arg26 : memref<!tpu.dma_semaphore, #tpu.memory_space<semaphore_mem>>) src(%arg9 : memref<125x64xf32, #tpu.memory_space<vmem>>) dst(%dma_wait3A_265 : memref<10000x64xf32, #tpu.memory_space<vmem_shared>>)
      %add3A_266 = arith.constant 4 : i32
      %add3A_267 = arith.addi %add3A_257, %add3A_266 : i32
      %lt3A_268 = arith.constant 80 : i32
      %lt3A_269 = arith.cmpi slt, %add3A_267, %lt3A_268 : i32
      %convert_element_type3A_270 = arith.extui %lt3A_269 : i1 to i32
      %cond3A_271 = arith.constant 0 : i32
      %cond3A_272 = arith.cmpi ne, %convert_element_type3A_270, %cond3A_271 : i32
      scf.if %cond3A_272 {
        %add3A_343 = arith.constant 4 : i32
        %add3A_344 = arith.addi %add3A_257, %add3A_343 : i32
        %dma_start3A_345 = arith.constant 0 : i32
        %dma_start3A_346 = tpu.memref_slice %arg6[%add3A_344, %dma_start3A_345] : memref<80x125xi32, #tpu.memory_space<vmem>> -> memref<1x125xi32, #tpu.memory_space<vmem>>
        %dma_start3A_347 = tpu.memref_squeeze %dma_start3A_346 : memref<1x125xi32, #tpu.memory_space<vmem>> -> memref<125xi32, #tpu.memory_space<vmem>>
        %dma_start3A_348 = arith.constant 0 : i32
        %dma_start3A_349 = arith.constant 0 : i32
        %dma_start3A_350 = tpu.memref_slice %arg2[%dma_start3A_348, %dma_start3A_349] : memref<10000x64xf32, #tpu.memory_space<hbm>> -> memref<10000x64xf32, #tpu.memory_space<hbm>>
        tpu.enqueue_indirect_dma source(%dma_start3A_350 : memref<10000x64xf32, #tpu.memory_space<hbm>>) target(%arg9 : memref<125x64xf32, #tpu.memory_space<vmem>>) offsets(%dma_start3A_347 : memref<125xi32, #tpu.memory_space<vmem>>) semaphore(%arg18 : memref<!tpu.dma_semaphore, #tpu.memory_space<semaphore_mem>>)
      } else {
      }
      %dma_wait3A_273 = arith.constant 0 : i32
      %dma_wait3A_274 = tpu.memref_slice %arg6[%add3A_257, %dma_wait3A_273] : memref<80x125xi32, #tpu.memory_space<vmem>> -> memref<1x125xi32, #tpu.memory_space<vmem>>
      %dma_wait3A_275 = tpu.memref_squeeze %dma_wait3A_274 : memref<1x125xi32, #tpu.memory_space<vmem>> -> memref<125xi32, #tpu.memory_space<vmem>>
      %dma_wait3A_276 = arith.constant 0 : i32
      %dma_wait3A_277 = arith.constant 0 : i32
      %dma_wait3A_278 = tpu.memref_slice %arg2[%dma_wait3A_276, %dma_wait3A_277] : memref<10000x64xf32, #tpu.memory_space<hbm>> -> memref<10000x64xf32, #tpu.memory_space<hbm>>
      tpu.wait_indirect_dma semaphore(%arg22 : memref<!tpu.dma_semaphore, #tpu.memory_space<semaphore_mem>>) src(%dma_wait3A_278 : memref<10000x64xf32, #tpu.memory_space<hbm>>) dst(%arg13 : memref<125x64xf32, #tpu.memory_space<vmem>>)
      %dma_start3A_279 = arith.constant 0 : i32
      %dma_start3A_280 = tpu.memref_slice %arg7[%add3A_257, %dma_start3A_279] : memref<80x125xi32, #tpu.memory_space<vmem>> -> memref<1x125xi32, #tpu.memory_space<vmem>>
      %dma_start3A_281 = tpu.memref_squeeze %dma_start3A_280 : memref<1x125xi32, #tpu.memory_space<vmem>> -> memref<125xi32, #tpu.memory_space<vmem>>
      %dma_start3A_282 = arith.constant 0 : i32
      %dma_start3A_283 = arith.constant 0 : i32
      %dma_start3A_284 = tpu.memref_slice %arg16[%dma_start3A_282, %dma_start3A_283] : memref<10000x64xf32, #tpu.memory_space<vmem_shared>> -> memref<10000x64xf32, #tpu.memory_space<vmem_shared>>
      tpu.enqueue_indirect_dma source(%arg13 : memref<125x64xf32, #tpu.memory_space<vmem>>) target(%dma_start3A_284 : memref<10000x64xf32, #tpu.memory_space<vmem_shared>>) offsets(%dma_start3A_281 : memref<125xi32, #tpu.memory_space<vmem>>) semaphore(%arg30 : memref<!tpu.dma_semaphore, #tpu.memory_space<semaphore_mem>>) {add = true}
      %add3A_285 = arith.constant 6 : i32
      %add3A_286 = arith.addi %add3A_123, %add3A_285 : i32
      %sub3A_287 = arith.constant 4 : i32
      %sub3A_288 = arith.subi %add3A_286, %sub3A_287 : i32
      %dma_wait3A_289 = arith.constant 0 : i32
      %dma_wait3A_290 = tpu.memref_slice %arg7[%sub3A_288, %dma_wait3A_289] : memref<80x125xi32, #tpu.memory_space<vmem>> -> memref<1x125xi32, #tpu.memory_space<vmem>>
      %dma_wait3A_291 = tpu.memref_squeeze %dma_wait3A_290 : memref<1x125xi32, #tpu.memory_space<vmem>> -> memref<125xi32, #tpu.memory_space<vmem>>
      %dma_wait3A_292 = arith.constant 0 : i32
      %dma_wait3A_293 = arith.constant 0 : i32
      %dma_wait3A_294 = tpu.memref_slice %arg16[%dma_wait3A_292, %dma_wait3A_293] : memref<10000x64xf32, #tpu.memory_space<vmem_shared>> -> memref<10000x64xf32, #tpu.memory_space<vmem_shared>>
      tpu.wait_indirect_dma semaphore(%arg27 : memref<!tpu.dma_semaphore, #tpu.memory_space<semaphore_mem>>) src(%arg10 : memref<125x64xf32, #tpu.memory_space<vmem>>) dst(%dma_wait3A_294 : memref<10000x64xf32, #tpu.memory_space<vmem_shared>>)
      %add3A_295 = arith.constant 4 : i32
      %add3A_296 = arith.addi %add3A_286, %add3A_295 : i32
      %lt3A_297 = arith.constant 80 : i32
      %lt3A_298 = arith.cmpi slt, %add3A_296, %lt3A_297 : i32
      %convert_element_type3A_299 = arith.extui %lt3A_298 : i1 to i32
      %cond3A_300 = arith.constant 0 : i32
      %cond3A_301 = arith.cmpi ne, %convert_element_type3A_299, %cond3A_300 : i32
      scf.if %cond3A_301 {
        %add3A_343 = arith.constant 4 : i32
        %add3A_344 = arith.addi %add3A_286, %add3A_343 : i32
        %dma_start3A_345 = arith.constant 0 : i32
        %dma_start3A_346 = tpu.memref_slice %arg6[%add3A_344, %dma_start3A_345] : memref<80x125xi32, #tpu.memory_space<vmem>> -> memref<1x125xi32, #tpu.memory_space<vmem>>
        %dma_start3A_347 = tpu.memref_squeeze %dma_start3A_346 : memref<1x125xi32, #tpu.memory_space<vmem>> -> memref<125xi32, #tpu.memory_space<vmem>>
        %dma_start3A_348 = arith.constant 0 : i32
        %dma_start3A_349 = arith.constant 0 : i32
        %dma_start3A_350 = tpu.memref_slice %arg2[%dma_start3A_348, %dma_start3A_349] : memref<10000x64xf32, #tpu.memory_space<hbm>> -> memref<10000x64xf32, #tpu.memory_space<hbm>>
        tpu.enqueue_indirect_dma source(%dma_start3A_350 : memref<10000x64xf32, #tpu.memory_space<hbm>>) target(%arg10 : memref<125x64xf32, #tpu.memory_space<vmem>>) offsets(%dma_start3A_347 : memref<125xi32, #tpu.memory_space<vmem>>) semaphore(%arg19 : memref<!tpu.dma_semaphore, #tpu.memory_space<semaphore_mem>>)
      } else {
      }
      %dma_wait3A_302 = arith.constant 0 : i32
      %dma_wait3A_303 = tpu.memref_slice %arg6[%add3A_286, %dma_wait3A_302] : memref<80x125xi32, #tpu.memory_space<vmem>> -> memref<1x125xi32, #tpu.memory_space<vmem>>
      %dma_wait3A_304 = tpu.memref_squeeze %dma_wait3A_303 : memref<1x125xi32, #tpu.memory_space<vmem>> -> memref<125xi32, #tpu.memory_space<vmem>>
      %dma_wait3A_305 = arith.constant 0 : i32
      %dma_wait3A_306 = arith.constant 0 : i32
      %dma_wait3A_307 = tpu.memref_slice %arg2[%dma_wait3A_305, %dma_wait3A_306] : memref<10000x64xf32, #tpu.memory_space<hbm>> -> memref<10000x64xf32, #tpu.memory_space<hbm>>
      tpu.wait_indirect_dma semaphore(%arg23 : memref<!tpu.dma_semaphore, #tpu.memory_space<semaphore_mem>>) src(%dma_wait3A_307 : memref<10000x64xf32, #tpu.memory_space<hbm>>) dst(%arg14 : memref<125x64xf32, #tpu.memory_space<vmem>>)
      %dma_start3A_308 = arith.constant 0 : i32
      %dma_start3A_309 = tpu.memref_slice %arg7[%add3A_286, %dma_start3A_308] : memref<80x125xi32, #tpu.memory_space<vmem>> -> memref<1x125xi32, #tpu.memory_space<vmem>>
      %dma_start3A_310 = tpu.memref_squeeze %dma_start3A_309 : memref<1x125xi32, #tpu.memory_space<vmem>> -> memref<125xi32, #tpu.memory_space<vmem>>
      %dma_start3A_311 = arith.constant 0 : i32
      %dma_start3A_312 = arith.constant 0 : i32
      %dma_start3A_313 = tpu.memref_slice %arg16[%dma_start3A_311, %dma_start3A_312] : memref<10000x64xf32, #tpu.memory_space<vmem_shared>> -> memref<10000x64xf32, #tpu.memory_space<vmem_shared>>
      tpu.enqueue_indirect_dma source(%arg14 : memref<125x64xf32, #tpu.memory_space<vmem>>) target(%dma_start3A_313 : memref<10000x64xf32, #tpu.memory_space<vmem_shared>>) offsets(%dma_start3A_310 : memref<125xi32, #tpu.memory_space<vmem>>) semaphore(%arg31 : memref<!tpu.dma_semaphore, #tpu.memory_space<semaphore_mem>>) {add = true}
      %add3A_314 = arith.constant 7 : i32
      %add3A_315 = arith.addi %add3A_123, %add3A_314 : i32
      %sub3A_316 = arith.constant 4 : i32
      %sub3A_317 = arith.subi %add3A_315, %sub3A_316 : i32
      %dma_wait3A_318 = arith.constant 0 : i32
      %dma_wait3A_319 = tpu.memref_slice %arg7[%sub3A_317, %dma_wait3A_318] : memref<80x125xi32, #tpu.memory_space<vmem>> -> memref<1x125xi32, #tpu.memory_space<vmem>>
      %dma_wait3A_320 = tpu.memref_squeeze %dma_wait3A_319 : memref<1x125xi32, #tpu.memory_space<vmem>> -> memref<125xi32, #tpu.memory_space<vmem>>
      %dma_wait3A_321 = arith.constant 0 : i32
      %dma_wait3A_322 = arith.constant 0 : i32
      %dma_wait3A_323 = tpu.memref_slice %arg16[%dma_wait3A_321, %dma_wait3A_322] : memref<10000x64xf32, #tpu.memory_space<vmem_shared>> -> memref<10000x64xf32, #tpu.memory_space<vmem_shared>>
      tpu.wait_indirect_dma semaphore(%arg28 : memref<!tpu.dma_semaphore, #tpu.memory_space<semaphore_mem>>) src(%arg11 : memref<125x64xf32, #tpu.memory_space<vmem>>) dst(%dma_wait3A_323 : memref<10000x64xf32, #tpu.memory_space<vmem_shared>>)
      %add3A_324 = arith.constant 4 : i32
      %add3A_325 = arith.addi %add3A_315, %add3A_324 : i32
      %lt3A_326 = arith.constant 80 : i32
      %lt3A_327 = arith.cmpi slt, %add3A_325, %lt3A_326 : i32
      %convert_element_type3A_328 = arith.extui %lt3A_327 : i1 to i32
      %cond3A_329 = arith.constant 0 : i32
      %cond3A_330 = arith.cmpi ne, %convert_element_type3A_328, %cond3A_329 : i32
      scf.if %cond3A_330 {
        %add3A_343 = arith.constant 4 : i32
        %add3A_344 = arith.addi %add3A_315, %add3A_343 : i32
        %dma_start3A_345 = arith.constant 0 : i32
        %dma_start3A_346 = tpu.memref_slice %arg6[%add3A_344, %dma_start3A_345] : memref<80x125xi32, #tpu.memory_space<vmem>> -> memref<1x125xi32, #tpu.memory_space<vmem>>
        %dma_start3A_347 = tpu.memref_squeeze %dma_start3A_346 : memref<1x125xi32, #tpu.memory_space<vmem>> -> memref<125xi32, #tpu.memory_space<vmem>>
        %dma_start3A_348 = arith.constant 0 : i32
        %dma_start3A_349 = arith.constant 0 : i32
        %dma_start3A_350 = tpu.memref_slice %arg2[%dma_start3A_348, %dma_start3A_349] : memref<10000x64xf32, #tpu.memory_space<hbm>> -> memref<10000x64xf32, #tpu.memory_space<hbm>>
        tpu.enqueue_indirect_dma source(%dma_start3A_350 : memref<10000x64xf32, #tpu.memory_space<hbm>>) target(%arg11 : memref<125x64xf32, #tpu.memory_space<vmem>>) offsets(%dma_start3A_347 : memref<125xi32, #tpu.memory_space<vmem>>) semaphore(%arg20 : memref<!tpu.dma_semaphore, #tpu.memory_space<semaphore_mem>>)
      } else {
      }
      %dma_wait3A_331 = arith.constant 0 : i32
      %dma_wait3A_332 = tpu.memref_slice %arg6[%add3A_315, %dma_wait3A_331] : memref<80x125xi32, #tpu.memory_space<vmem>> -> memref<1x125xi32, #tpu.memory_space<vmem>>
      %dma_wait3A_333 = tpu.memref_squeeze %dma_wait3A_332 : memref<1x125xi32, #tpu.memory_space<vmem>> -> memref<125xi32, #tpu.memory_space<vmem>>
      %dma_wait3A_334 = arith.constant 0 : i32
      %dma_wait3A_335 = arith.constant 0 : i32
      %dma_wait3A_336 = tpu.memref_slice %arg2[%dma_wait3A_334, %dma_wait3A_335] : memref<10000x64xf32, #tpu.memory_space<hbm>> -> memref<10000x64xf32, #tpu.memory_space<hbm>>
      tpu.wait_indirect_dma semaphore(%arg24 : memref<!tpu.dma_semaphore, #tpu.memory_space<semaphore_mem>>) src(%dma_wait3A_336 : memref<10000x64xf32, #tpu.memory_space<hbm>>) dst(%arg15 : memref<125x64xf32, #tpu.memory_space<vmem>>)
      %dma_start3A_337 = arith.constant 0 : i32
      %dma_start3A_338 = tpu.memref_slice %arg7[%add3A_315, %dma_start3A_337] : memref<80x125xi32, #tpu.memory_space<vmem>> -> memref<1x125xi32, #tpu.memory_space<vmem>>
      %dma_start3A_339 = tpu.memref_squeeze %dma_start3A_338 : memref<1x125xi32, #tpu.memory_space<vmem>> -> memref<125xi32, #tpu.memory_space<vmem>>
      %dma_start3A_340 = arith.constant 0 : i32
      %dma_start3A_341 = arith.constant 0 : i32
      %dma_start3A_342 = tpu.memref_slice %arg16[%dma_start3A_340, %dma_start3A_341] : memref<10000x64xf32, #tpu.memory_space<vmem_shared>> -> memref<10000x64xf32, #tpu.memory_space<vmem_shared>>
      tpu.enqueue_indirect_dma source(%arg15 : memref<125x64xf32, #tpu.memory_space<vmem>>) target(%dma_start3A_342 : memref<10000x64xf32, #tpu.memory_space<vmem_shared>>) offsets(%dma_start3A_339 : memref<125xi32, #tpu.memory_space<vmem>>) semaphore(%arg32 : memref<!tpu.dma_semaphore, #tpu.memory_space<semaphore_mem>>) {add = true}
    }
    %scan3A_87 = arith.constant 10 : i32
    %dma_wait3A_88 = arith.constant 76 : i32
    %dma_wait3A_89 = arith.constant 0 : i32
    %dma_wait3A_90 = tpu.memref_slice %arg7[%dma_wait3A_88, %dma_wait3A_89] : memref<80x125xi32, #tpu.memory_space<vmem>> -> memref<1x125xi32, #tpu.memory_space<vmem>>
    %dma_wait3A_91 = tpu.memref_squeeze %dma_wait3A_90 : memref<1x125xi32, #tpu.memory_space<vmem>> -> memref<125xi32, #tpu.memory_space<vmem>>
    %dma_wait3A_92 = arith.constant 0 : i32
    %dma_wait3A_93 = arith.constant 0 : i32
    %dma_wait3A_94 = tpu.memref_slice %arg16[%dma_wait3A_92, %dma_wait3A_93] : memref<10000x64xf32, #tpu.memory_space<vmem_shared>> -> memref<10000x64xf32, #tpu.memory_space<vmem_shared>>
    tpu.wait_indirect_dma semaphore(%arg29 : memref<!tpu.dma_semaphore, #tpu.memory_space<semaphore_mem>>) src(%arg12 : memref<125x64xf32, #tpu.memory_space<vmem>>) dst(%dma_wait3A_94 : memref<10000x64xf32, #tpu.memory_space<vmem_shared>>)
    %dma_wait3A_95 = arith.constant 77 : i32
    %dma_wait3A_96 = arith.constant 0 : i32
    %dma_wait3A_97 = tpu.memref_slice %arg7[%dma_wait3A_95, %dma_wait3A_96] : memref<80x125xi32, #tpu.memory_space<vmem>> -> memref<1x125xi32, #tpu.memory_space<vmem>>
    %dma_wait3A_98 = tpu.memref_squeeze %dma_wait3A_97 : memref<1x125xi32, #tpu.memory_space<vmem>> -> memref<125xi32, #tpu.memory_space<vmem>>
    %dma_wait3A_99 = arith.constant 0 : i32
    %dma_wait3A_100 = arith.constant 0 : i32
    %dma_wait3A_101 = tpu.memref_slice %arg16[%dma_wait3A_99, %dma_wait3A_100] : memref<10000x64xf32, #tpu.memory_space<vmem_shared>> -> memref<10000x64xf32, #tpu.memory_space<vmem_shared>>
    tpu.wait_indirect_dma semaphore(%arg30 : memref<!tpu.dma_semaphore, #tpu.memory_space<semaphore_mem>>) src(%arg13 : memref<125x64xf32, #tpu.memory_space<vmem>>) dst(%dma_wait3A_101 : memref<10000x64xf32, #tpu.memory_space<vmem_shared>>)
    %dma_wait3A_102 = arith.constant 78 : i32
    %dma_wait3A_103 = arith.constant 0 : i32
    %dma_wait3A_104 = tpu.memref_slice %arg7[%dma_wait3A_102, %dma_wait3A_103] : memref<80x125xi32, #tpu.memory_space<vmem>> -> memref<1x125xi32, #tpu.memory_space<vmem>>
    %dma_wait3A_105 = tpu.memref_squeeze %dma_wait3A_104 : memref<1x125xi32, #tpu.memory_space<vmem>> -> memref<125xi32, #tpu.memory_space<vmem>>
    %dma_wait3A_106 = arith.constant 0 : i32
    %dma_wait3A_107 = arith.constant 0 : i32
    %dma_wait3A_108 = tpu.memref_slice %arg16[%dma_wait3A_106, %dma_wait3A_107] : memref<10000x64xf32, #tpu.memory_space<vmem_shared>> -> memref<10000x64xf32, #tpu.memory_space<vmem_shared>>
    tpu.wait_indirect_dma semaphore(%arg31 : memref<!tpu.dma_semaphore, #tpu.memory_space<semaphore_mem>>) src(%arg14 : memref<125x64xf32, #tpu.memory_space<vmem>>) dst(%dma_wait3A_108 : memref<10000x64xf32, #tpu.memory_space<vmem_shared>>)
    %dma_wait3A_109 = arith.constant 79 : i32
    %dma_wait3A_110 = arith.constant 0 : i32
    %dma_wait3A_111 = tpu.memref_slice %arg7[%dma_wait3A_109, %dma_wait3A_110] : memref<80x125xi32, #tpu.memory_space<vmem>> -> memref<1x125xi32, #tpu.memory_space<vmem>>
    %dma_wait3A_112 = tpu.memref_squeeze %dma_wait3A_111 : memref<1x125xi32, #tpu.memory_space<vmem>> -> memref<125xi32, #tpu.memory_space<vmem>>
    %dma_wait3A_113 = arith.constant 0 : i32
    %dma_wait3A_114 = arith.constant 0 : i32
    %dma_wait3A_115 = tpu.memref_slice %arg16[%dma_wait3A_113, %dma_wait3A_114] : memref<10000x64xf32, #tpu.memory_space<vmem_shared>> -> memref<10000x64xf32, #tpu.memory_space<vmem_shared>>
    tpu.wait_indirect_dma semaphore(%arg32 : memref<!tpu.dma_semaphore, #tpu.memory_space<semaphore_mem>>) src(%arg15 : memref<125x64xf32, #tpu.memory_space<vmem>>) dst(%dma_wait3A_115 : memref<10000x64xf32, #tpu.memory_space<vmem_shared>>)
    %barrier3A_116 = arith.constant 0 : index
    tpu.barrier barrier_id(%barrier3A_116)
    %mul3A_117 = arith.constant 625 : i32
    %mul3A_118 = arith.muli %arg1, %mul3A_117 : i32
    "tpu.region"() ({
      %run_scoped3A = tpu.sem_alloc : memref<!tpu.dma_semaphore, #tpu.memory_space<semaphore_mem>>
      %dma_start3A_119 = arith.constant 0 : i32
      %dma_start3A_120 = arith.constant 0 : i32
      %dma_start3A_121 = tpu.memref_slice %arg5[%arg0, %dma_start3A_119, %dma_start3A_120] : memref<2x10000x64xf32, #tpu.memory_space<hbm>> -> memref<1x10000x64xf32, #tpu.memory_space<hbm>>
      %dma_start3A_122 = tpu.memref_squeeze %dma_start3A_121 : memref<1x10000x64xf32, #tpu.memory_space<hbm>> -> memref<10000x64xf32, #tpu.memory_space<hbm>>
      %dma_start3A_123 = arith.constant 0 : i32
      %dma_start3A_124 = tpu.memref_slice %dma_start3A_122[%mul3A_118, %dma_start3A_123] : memref<10000x64xf32, #tpu.memory_space<hbm>> -> memref<625x64xf32, #tpu.memory_space<hbm>>
      %dma_start3A_125 = arith.constant 0 : i32
      %dma_start3A_126 = tpu.memref_slice %arg16[%mul3A_118, %dma_start3A_125] : memref<10000x64xf32, #tpu.memory_space<vmem_shared>> -> memref<625x64xf32, #tpu.memory_space<vmem_shared>>
      tpu.enqueue_dma source(%dma_start3A_126 : memref<625x64xf32, #tpu.memory_space<vmem_shared>>) target(%dma_start3A_124 : memref<625x64xf32, #tpu.memory_space<hbm>>) target_semaphore(%run_scoped3A : memref<!tpu.dma_semaphore, #tpu.memory_space<semaphore_mem>>)
      %dma_wait3A_127 = arith.constant 0 : i32
      %dma_wait3A_128 = arith.constant 0 : i32
      %dma_wait3A_129 = tpu.memref_slice %arg5[%arg0, %dma_wait3A_127, %dma_wait3A_128] : memref<2x10000x64xf32, #tpu.memory_space<hbm>> -> memref<1x10000x64xf32, #tpu.memory_space<hbm>>
      %dma_wait3A_130 = tpu.memref_squeeze %dma_wait3A_129 : memref<1x10000x64xf32, #tpu.memory_space<hbm>> -> memref<10000x64xf32, #tpu.memory_space<hbm>>
      %dma_wait3A_131 = arith.constant 0 : i32
      %dma_wait3A_132 = tpu.memref_slice %dma_wait3A_130[%mul3A_118, %dma_wait3A_131] : memref<10000x64xf32, #tpu.memory_space<hbm>> -> memref<625x64xf32, #tpu.memory_space<hbm>>
      %dma_wait3A_133 = arith.constant 0 : i32
      %dma_wait3A_134 = tpu.memref_slice %arg16[%mul3A_118, %dma_wait3A_133] : memref<10000x64xf32, #tpu.memory_space<vmem_shared>> -> memref<625x64xf32, #tpu.memory_space<vmem_shared>>
      tpu.wait_dma2 semaphore(%run_scoped3A : memref<!tpu.dma_semaphore, #tpu.memory_space<semaphore_mem>>) src(%dma_wait3A_134 : memref<625x64xf32, #tpu.memory_space<vmem_shared>>) dst(%dma_wait3A_132 : memref<625x64xf32, #tpu.memory_space<hbm>>)
      tpu.yield
    }) : () -> ()
    return
  }
}

module attributes {stable_mosaic.version = 14 : i64} {
  func.func @_stage1a_body(%arg0: i32, %arg1: memref<1000x256xf32, #tpu.memory_space<vmem>>, %arg2: memref<256x128xf32, #tpu.memory_space<vmem>>, %arg3: memref<1x128xf32, #tpu.memory_space<vmem>>, %arg4: memref<128x128xf32, #tpu.memory_space<vmem>>, %arg5: memref<1000x128xf32, #tpu.memory_space<vmem>>, %arg6: memref<1000x128xf32, #tpu.memory_space<vmem>>) attributes {dimension_semantics = [#tpu.dimension_semantics<arbitrary>], iteration_bounds = array<i64: 5>, scalar_prefetch = 0 : i64, scratch_operands = 0 : i64, tpu.core_type = #tpu.core_type<tc>, window_params = [{transform_indices = @transform_0, window_bounds = array<i64: 1000, 256>}, {pipeline_mode = #tpu.pipeline_mode<synchronous>, transform_indices = @transform_1, window_bounds = array<i64: 256, 128>}, {pipeline_mode = #tpu.pipeline_mode<synchronous>, transform_indices = @transform_2, window_bounds = array<i64: 1, 128>}, {pipeline_mode = #tpu.pipeline_mode<synchronous>, transform_indices = @transform_3, window_bounds = array<i64: 128, 128>}, {transform_indices = @transform_4, window_bounds = array<i64: 1000, 128>}, {transform_indices = @transform_5, window_bounds = array<i64: 1000, 128>}]} {
    %get3A = arith.constant 0 : index
    %get3A_0 = arith.constant 0 : index
    %get3A_1 = vector.load %arg1[%get3A, %get3A_0] : memref<1000x256xf32, #tpu.memory_space<vmem>>, vector<1000x256xf32>
    %get3A_2 = arith.constant 0 : index
    %get3A_3 = arith.constant 0 : index
    %get3A_4 = vector.load %arg2[%get3A_2, %get3A_3] : memref<256x128xf32, #tpu.memory_space<vmem>>, vector<256x128xf32>
    %dot_general3A = arith.constant dense<0.000000e+00> : vector<1000x128xf32>
    %dot_general3A_5 = tpu.matmul %get3A_1, %get3A_4, %dot_general3A {dimension_numbers = #tpu.dot_dimension_numbers<[1], [0], [0], [1], [0, 0, 1, 1], [], []>, transpose_lhs_hint = false} : vector<1000x256xf32>, vector<256x128xf32>, vector<1000x128xf32> -> vector<1000x128xf32>
    %get3A_6 = arith.constant 0 : index
    %get3A_7 = arith.constant 0 : index
    %get3A_8 = vector.load %arg3[%get3A_6, %get3A_7] : memref<1x128xf32, #tpu.memory_space<vmem>>, vector<1x128xf32>
    %add3A = vector.broadcast %get3A_8 : vector<1x128xf32> to vector<1000x128xf32>
    %add3A_9 = arith.addf %dot_general3A_5, %add3A : vector<1000x128xf32>
    %slice3A = vector.extract_strided_slice %add3A_9 {offsets = [0, 0], sizes = [1000, 64], strides = [1, 1]} : vector<1000x128xf32> to vector<1000x64xf32>
    %slice3A_10 = vector.extract_strided_slice %add3A_9 {offsets = [0, 64], sizes = [1000, 64], strides = [1, 1]} : vector<1000x128xf32> to vector<1000x64xf32>
    %mul3A = arith.mulf %slice3A, %slice3A : vector<1000x64xf32>
    %reduce_sum3A = arith.constant dense<0.000000e+00> : vector<1000xf32>
    %reduce_sum3A_11 = vector.multi_reduction <add>, %mul3A, %reduce_sum3A [1] : vector<1000x64xf32> to vector<1000xf32>
    %broadcast_in_dim3A = vector.shape_cast %reduce_sum3A_11 : vector<1000xf32> to vector<1000x1xf32>
    %sqrt3A = math.sqrt %broadcast_in_dim3A : vector<1000x1xf32>
    %mul3A_12 = arith.mulf %slice3A_10, %slice3A_10 : vector<1000x64xf32>
    %reduce_sum3A_13 = arith.constant dense<0.000000e+00> : vector<1000xf32>
    %reduce_sum3A_14 = vector.multi_reduction <add>, %mul3A_12, %reduce_sum3A_13 [1] : vector<1000x64xf32> to vector<1000xf32>
    %broadcast_in_dim3A_15 = vector.shape_cast %reduce_sum3A_14 : vector<1000xf32> to vector<1000x1xf32>
    %sqrt3A_16 = math.sqrt %broadcast_in_dim3A_15 : vector<1000x1xf32>
    %iota3A = tpu.iota {dimensions = array<i32: 1>} : vector<1000x128xi32>
    %lt3A = arith.constant 64 : i32
    %lt3A_17 = vector.broadcast %lt3A : i32 to vector<1000x128xi32>
    %lt3A_18 = arith.cmpi slt, %iota3A, %lt3A_17 : vector<1000x128xi32>
    %broadcast_in_dim3A_19 = vector.shape_cast %sqrt3A : vector<1000x1xf32> to vector<1000x1xf32>
    %broadcast_in_dim3A_20 = vector.broadcast %broadcast_in_dim3A_19 : vector<1000x1xf32> to vector<1000x128xf32>
    %broadcast_in_dim3A_21 = vector.shape_cast %sqrt3A_16 : vector<1000x1xf32> to vector<1000x1xf32>
    %broadcast_in_dim3A_22 = vector.broadcast %broadcast_in_dim3A_21 : vector<1000x1xf32> to vector<1000x128xf32>
    %select_n3A = arith.select %lt3A_18, %broadcast_in_dim3A_20, %broadcast_in_dim3A_22 : vector<1000x128xi1>, vector<1000x128xf32>
    %max3A = arith.constant 9.99999996E-13 : f32
    %max3A_23 = vector.broadcast %max3A : f32 to vector<1000x128xf32>
    %max3A_24 = arith.maximumf %select_n3A, %max3A_23 : vector<1000x128xf32>
    %div3A = arith.divf %add3A_9, %max3A_24 : vector<1000x128xf32>
    %swap3A = arith.constant 0 : index
    %swap3A_25 = arith.constant 0 : index
    %swap3A_26 = vector.load %arg5[%swap3A, %swap3A_25] : memref<1000x128xf32, #tpu.memory_space<vmem>>, vector<1000x128xf32>
    tpu.vector_store %arg5[%swap3A, %swap3A_25], %div3A {strides = array<i32>} : memref<1000x128xf32, #tpu.memory_space<vmem>>, vector<1000x128xf32>,
    %get3A_27 = arith.constant 0 : index
    %get3A_28 = arith.constant 0 : index
    %get3A_29 = vector.load %arg4[%get3A_27, %get3A_28] : memref<128x128xf32, #tpu.memory_space<vmem>>, vector<128x128xf32>
    %dot_general3A_30 = arith.constant dense<0.000000e+00> : vector<1000x128xf32>
    %dot_general3A_31 = tpu.matmul %div3A, %get3A_29, %dot_general3A_30 {dimension_numbers = #tpu.dot_dimension_numbers<[1], [0], [0], [1], [0, 0, 1, 1], [], []>, transpose_lhs_hint = false} : vector<1000x128xf32>, vector<128x128xf32>, vector<1000x128xf32> -> vector<1000x128xf32>
    %swap3A_32 = arith.constant 0 : index
    %swap3A_33 = arith.constant 0 : index
    %swap3A_34 = vector.load %arg6[%swap3A_32, %swap3A_33] : memref<1000x128xf32, #tpu.memory_space<vmem>>, vector<1000x128xf32>
    tpu.vector_store %arg6[%swap3A_32, %swap3A_33], %dot_general3A_31 {strides = array<i32>} : memref<1000x128xf32, #tpu.memory_space<vmem>>, vector<1000x128xf32>,
    return
  }
  func.func @transform_0(%arg0: i32) -> (i32, i32) {
    %c0_i32 = arith.constant 0 : i32
    %c0_i32_0 = arith.constant 0 : i32
    return %arg0, %c0_i32 : i32, i32
  }
  func.func @transform_1(%arg0: i32) -> (i32, i32) {
    %c0_i32 = arith.constant 0 : i32
    %c0_i32_0 = arith.constant 0 : i32
    %c0_i32_1 = arith.constant 0 : i32
    return %c0_i32, %c0_i32_0 : i32, i32
  }
  func.func @transform_2(%arg0: i32) -> (i32, i32) {
    %c0_i32 = arith.constant 0 : i32
    %c0_i32_0 = arith.constant 0 : i32
    %c0_i32_1 = arith.constant 0 : i32
    return %c0_i32, %c0_i32_0 : i32, i32
  }
  func.func @transform_3(%arg0: i32) -> (i32, i32) {
    %c0_i32 = arith.constant 0 : i32
    %c0_i32_0 = arith.constant 0 : i32
    %c0_i32_1 = arith.constant 0 : i32
    return %c0_i32, %c0_i32_0 : i32, i32
  }
  func.func @transform_4(%arg0: i32) -> (i32, i32) {
    %c0_i32 = arith.constant 0 : i32
    %c0_i32_0 = arith.constant 0 : i32
    return %arg0, %c0_i32 : i32, i32
  }
  func.func @transform_5(%arg0: i32) -> (i32, i32) {
    %c0_i32 = arith.constant 0 : i32
    %c0_i32_0 = arith.constant 0 : i32
    return %arg0, %c0_i32 : i32, i32
  }
}

module attributes {stable_mosaic.version = 14 : i64} {
  func.func @_xhat_body(%arg0: i32, %arg1: memref<1000x128xf32, #tpu.memory_space<vmem>>, %arg2: memref<1000x128xf32, #tpu.memory_space<vmem>>, %arg3: memref<128x128xf32, #tpu.memory_space<vmem>>, %arg4: memref<1x128xf32, #tpu.memory_space<vmem>>, %arg5: memref<1000x128xf32, #tpu.memory_space<vmem>>) attributes {dimension_semantics = [#tpu.dimension_semantics<arbitrary>], iteration_bounds = array<i64: 5>, scalar_prefetch = 0 : i64, scratch_operands = 0 : i64, tpu.core_type = #tpu.core_type<tc>, window_params = [{transform_indices = @transform_0, window_bounds = array<i64: 1000, 128>}, {transform_indices = @transform_1, window_bounds = array<i64: 1000, 128>}, {pipeline_mode = #tpu.pipeline_mode<synchronous>, transform_indices = @transform_2, window_bounds = array<i64: 128, 128>}, {pipeline_mode = #tpu.pipeline_mode<synchronous>, transform_indices = @transform_3, window_bounds = array<i64: 1, 128>}, {transform_indices = @transform_4, window_bounds = array<i64: 1000, 128>}]} {
    %get3A = arith.constant 0 : index
    %get3A_0 = arith.constant 0 : index
    %get3A_1 = vector.load %arg1[%get3A, %get3A_0] : memref<1000x128xf32, #tpu.memory_space<vmem>>, vector<1000x128xf32>
    %get3A_2 = arith.constant 0 : index
    %get3A_3 = arith.constant 0 : index
    %get3A_4 = vector.load %arg3[%get3A_2, %get3A_3] : memref<128x128xf32, #tpu.memory_space<vmem>>, vector<128x128xf32>
    %dot_general3A = arith.constant dense<0.000000e+00> : vector<1000x128xf32>
    %dot_general3A_5 = tpu.matmul %get3A_1, %get3A_4, %dot_general3A {dimension_numbers = #tpu.dot_dimension_numbers<[1], [0], [0], [1], [0, 0, 1, 1], [], []>, transpose_lhs_hint = false} : vector<1000x128xf32>, vector<128x128xf32>, vector<1000x128xf32> -> vector<1000x128xf32>
    %get3A_6 = arith.constant 0 : index
    %get3A_7 = arith.constant 0 : index
    %get3A_8 = vector.load %arg4[%get3A_6, %get3A_7] : memref<1x128xf32, #tpu.memory_space<vmem>>, vector<1x128xf32>
    %add3A = vector.broadcast %get3A_8 : vector<1x128xf32> to vector<1000x128xf32>
    %add3A_9 = arith.addf %dot_general3A_5, %add3A : vector<1000x128xf32>
    %ge3A = arith.constant 0.000000e+00 : f32
    %ge3A_10 = vector.broadcast %ge3A : f32 to vector<1000x128xf32>
    %ge3A_11 = arith.cmpf oge, %add3A_9, %ge3A_10 : vector<1000x128xf32>
    %mul3A = arith.constant 0.00999999977 : f32
    %mul3A_12 = vector.broadcast %mul3A : f32 to vector<1000x128xf32>
    %mul3A_13 = arith.mulf %mul3A_12, %add3A_9 : vector<1000x128xf32>
    %select_n3A = arith.select %ge3A_11, %add3A_9, %mul3A_13 : vector<1000x128xi1>, vector<1000x128xf32>
    %get3A_14 = arith.constant 0 : index
    %get3A_15 = arith.constant 0 : index
    %get3A_16 = vector.load %arg2[%get3A_14, %get3A_15] : memref<1000x128xf32, #tpu.memory_space<vmem>>, vector<1000x128xf32>
    %add3A_17 = arith.addf %select_n3A, %get3A_16 : vector<1000x128xf32>
    %swap3A = arith.constant 0 : index
    %swap3A_18 = arith.constant 0 : index
    %swap3A_19 = vector.load %arg5[%swap3A, %swap3A_18] : memref<1000x128xf32, #tpu.memory_space<vmem>>, vector<1000x128xf32>
    tpu.vector_store %arg5[%swap3A, %swap3A_18], %add3A_17 {strides = array<i32>} : memref<1000x128xf32, #tpu.memory_space<vmem>>, vector<1000x128xf32>,
    return
  }
  func.func @transform_0(%arg0: i32) -> (i32, i32) {
    %c0_i32 = arith.constant 0 : i32
    %c0_i32_0 = arith.constant 0 : i32
    return %arg0, %c0_i32 : i32, i32
  }
  func.func @transform_1(%arg0: i32) -> (i32, i32) {
    %c0_i32 = arith.constant 0 : i32
    %c0_i32_0 = arith.constant 0 : i32
    return %arg0, %c0_i32 : i32, i32
  }
  func.func @transform_2(%arg0: i32) -> (i32, i32) {
    %c0_i32 = arith.constant 0 : i32
    %c0_i32_0 = arith.constant 0 : i32
    %c0_i32_1 = arith.constant 0 : i32
    return %c0_i32, %c0_i32_0 : i32, i32
  }
  func.func @transform_3(%arg0: i32) -> (i32, i32) {
    %c0_i32 = arith.constant 0 : i32
    %c0_i32_0 = arith.constant 0 : i32
    %c0_i32_1 = arith.constant 0 : i32
    return %c0_i32, %c0_i32_0 : i32, i32
  }
  func.func @transform_4(%arg0: i32) -> (i32, i32) {
    %c0_i32 = arith.constant 0 : i32
    %c0_i32_0 = arith.constant 0 : i32
    return %arg0, %c0_i32 : i32, i32
  }
}

module attributes {stable_mosaic.version = 14 : i64} {
  func.func @_stage2a_body(%arg0: i32, %arg1: memref<2x1000x128xf32, #tpu.memory_space<vmem>>, %arg2: memref<1000x128xf32, #tpu.memory_space<vmem>>, %arg3: memref<128x128xf32, #tpu.memory_space<vmem>>, %arg4: memref<1x128xf32, #tpu.memory_space<vmem>>, %arg5: memref<128x128xf32, #tpu.memory_space<vmem>>, %arg6: memref<1000x128xf32, #tpu.memory_space<vmem>>, %arg7: memref<1000x128xf32, #tpu.memory_space<vmem>>) attributes {dimension_semantics = [#tpu.dimension_semantics<arbitrary>], iteration_bounds = array<i64: 5>, scalar_prefetch = 0 : i64, scratch_operands = 0 : i64, tpu.core_type = #tpu.core_type<tc>, window_params = [{transform_indices = @transform_0, window_bounds = array<i64: 2, 1000, 128>}, {transform_indices = @transform_1, window_bounds = array<i64: 1000, 128>}, {pipeline_mode = #tpu.pipeline_mode<synchronous>, transform_indices = @transform_2, window_bounds = array<i64: 128, 128>}, {pipeline_mode = #tpu.pipeline_mode<synchronous>, transform_indices = @transform_3, window_bounds = array<i64: 1, 128>}, {pipeline_mode = #tpu.pipeline_mode<synchronous>, transform_indices = @transform_4, window_bounds = array<i64: 128, 128>}, {transform_indices = @transform_5, window_bounds = array<i64: 1000, 128>}, {transform_indices = @transform_6, window_bounds = array<i64: 1000, 128>}]} {
    %get3A = arith.constant 0 : index
    %get3A_0 = arith.constant 0 : index
    %get3A_1 = arith.constant 0 : index
    %get3A_2 = vector.load %arg1[%get3A, %get3A_0, %get3A_1] : memref<2x1000x128xf32, #tpu.memory_space<vmem>>, vector<1x1000x128xf32>
    %get3A_3 = vector.shape_cast %get3A_2 : vector<1x1000x128xf32> to vector<1000x128xf32>
    %get3A_4 = arith.constant 1 : index
    %get3A_5 = arith.constant 0 : index
    %get3A_6 = arith.constant 0 : index
    %get3A_7 = vector.load %arg1[%get3A_4, %get3A_5, %get3A_6] : memref<2x1000x128xf32, #tpu.memory_space<vmem>>, vector<1x1000x128xf32>
    %get3A_8 = vector.shape_cast %get3A_7 : vector<1x1000x128xf32> to vector<1000x128xf32>
    %add3A = arith.addf %get3A_3, %get3A_8 : vector<1000x128xf32>
    %ge3A = arith.constant 0.000000e+00 : f32
    %ge3A_9 = vector.broadcast %ge3A : f32 to vector<1000x128xf32>
    %ge3A_10 = arith.cmpf oge, %add3A, %ge3A_9 : vector<1000x128xf32>
    %mul3A = arith.constant 0.00999999977 : f32
    %mul3A_11 = vector.broadcast %mul3A : f32 to vector<1000x128xf32>
    %mul3A_12 = arith.mulf %mul3A_11, %add3A : vector<1000x128xf32>
    %select_n3A = arith.select %ge3A_10, %add3A, %mul3A_12 : vector<1000x128xi1>, vector<1000x128xf32>
    %get3A_13 = arith.constant 0 : index
    %get3A_14 = arith.constant 0 : index
    %get3A_15 = vector.load %arg3[%get3A_13, %get3A_14] : memref<128x128xf32, #tpu.memory_space<vmem>>, vector<128x128xf32>
    %dot_general3A = arith.constant dense<0.000000e+00> : vector<1000x128xf32>
    %dot_general3A_16 = tpu.matmul %select_n3A, %get3A_15, %dot_general3A {dimension_numbers = #tpu.dot_dimension_numbers<[1], [0], [0], [1], [0, 0, 1, 1], [], []>, transpose_lhs_hint = false} : vector<1000x128xf32>, vector<128x128xf32>, vector<1000x128xf32> -> vector<1000x128xf32>
    %get3A_17 = arith.constant 0 : index
    %get3A_18 = arith.constant 0 : index
    %get3A_19 = vector.load %arg4[%get3A_17, %get3A_18] : memref<1x128xf32, #tpu.memory_space<vmem>>, vector<1x128xf32>
    %add3A_20 = vector.broadcast %get3A_19 : vector<1x128xf32> to vector<1000x128xf32>
    %add3A_21 = arith.addf %dot_general3A_16, %add3A_20 : vector<1000x128xf32>
    %get3A_22 = arith.constant 0 : index
    %get3A_23 = arith.constant 0 : index
    %get3A_24 = vector.load %arg2[%get3A_22, %get3A_23] : memref<1000x128xf32, #tpu.memory_space<vmem>>, vector<1000x128xf32>
    %add3A_25 = arith.addf %add3A_21, %get3A_24 : vector<1000x128xf32>
    %ge3A_26 = arith.constant 0.000000e+00 : f32
    %ge3A_27 = vector.broadcast %ge3A_26 : f32 to vector<1000x128xf32>
    %ge3A_28 = arith.cmpf oge, %add3A_25, %ge3A_27 : vector<1000x128xf32>
    %mul3A_29 = arith.constant 0.00999999977 : f32
    %mul3A_30 = vector.broadcast %mul3A_29 : f32 to vector<1000x128xf32>
    %mul3A_31 = arith.mulf %mul3A_30, %add3A_25 : vector<1000x128xf32>
    %select_n3A_32 = arith.select %ge3A_28, %add3A_25, %mul3A_31 : vector<1000x128xi1>, vector<1000x128xf32>
    %swap3A = arith.constant 0 : index
    %swap3A_33 = arith.constant 0 : index
    %swap3A_34 = vector.load %arg6[%swap3A, %swap3A_33] : memref<1000x128xf32, #tpu.memory_space<vmem>>, vector<1000x128xf32>
    tpu.vector_store %arg6[%swap3A, %swap3A_33], %select_n3A_32 {strides = array<i32>} : memref<1000x128xf32, #tpu.memory_space<vmem>>, vector<1000x128xf32>,
    %get3A_35 = arith.constant 0 : index
    %get3A_36 = arith.constant 0 : index
    %get3A_37 = vector.load %arg5[%get3A_35, %get3A_36] : memref<128x128xf32, #tpu.memory_space<vmem>>, vector<128x128xf32>
    %dot_general3A_38 = arith.constant dense<0.000000e+00> : vector<1000x128xf32>
    %dot_general3A_39 = tpu.matmul %select_n3A_32, %get3A_37, %dot_general3A_38 {dimension_numbers = #tpu.dot_dimension_numbers<[1], [0], [0], [1], [0, 0, 1, 1], [], []>, transpose_lhs_hint = false} : vector<1000x128xf32>, vector<128x128xf32>, vector<1000x128xf32> -> vector<1000x128xf32>
    %swap3A_40 = arith.constant 0 : index
    %swap3A_41 = arith.constant 0 : index
    %swap3A_42 = vector.load %arg7[%swap3A_40, %swap3A_41] : memref<1000x128xf32, #tpu.memory_space<vmem>>, vector<1000x128xf32>
    tpu.vector_store %arg7[%swap3A_40, %swap3A_41], %dot_general3A_39 {strides = array<i32>} : memref<1000x128xf32, #tpu.memory_space<vmem>>, vector<1000x128xf32>,
    return
  }
  func.func @transform_0(%arg0: i32) -> (i32, i32, i32) {
    %c0_i32 = arith.constant 0 : i32
    %c0_i32_0 = arith.constant 0 : i32
    %c0_i32_1 = arith.constant 0 : i32
    return %c0_i32, %arg0, %c0_i32_0 : i32, i32, i32
  }
  func.func @transform_1(%arg0: i32) -> (i32, i32) {
    %c0_i32 = arith.constant 0 : i32
    %c0_i32_0 = arith.constant 0 : i32
    return %arg0, %c0_i32 : i32, i32
  }
  func.func @transform_2(%arg0: i32) -> (i32, i32) {
    %c0_i32 = arith.constant 0 : i32
    %c0_i32_0 = arith.constant 0 : i32
    %c0_i32_1 = arith.constant 0 : i32
    return %c0_i32, %c0_i32_0 : i32, i32
  }
  func.func @transform_3(%arg0: i32) -> (i32, i32) {
    %c0_i32 = arith.constant 0 : i32
    %c0_i32_0 = arith.constant 0 : i32
    %c0_i32_1 = arith.constant 0 : i32
    return %c0_i32, %c0_i32_0 : i32, i32
  }
  func.func @transform_4(%arg0: i32) -> (i32, i32) {
    %c0_i32 = arith.constant 0 : i32
    %c0_i32_0 = arith.constant 0 : i32
    %c0_i32_1 = arith.constant 0 : i32
    return %c0_i32, %c0_i32_0 : i32, i32
  }
  func.func @transform_5(%arg0: i32) -> (i32, i32) {
    %c0_i32 = arith.constant 0 : i32
    %c0_i32_0 = arith.constant 0 : i32
    return %arg0, %c0_i32 : i32, i32
  }
  func.func @transform_6(%arg0: i32) -> (i32, i32) {
    %c0_i32 = arith.constant 0 : i32
    %c0_i32_0 = arith.constant 0 : i32
    return %arg0, %c0_i32 : i32, i32
  }
}

module attributes {stable_mosaic.version = 14 : i64} {
  func.func @_stage3_body(%arg0: i32, %arg1: memref<2x1000x128xf32, #tpu.memory_space<vmem>>, %arg2: memref<1000x128xf32, #tpu.memory_space<vmem>>, %arg3: memref<128x128xf32, #tpu.memory_space<vmem>>, %arg4: memref<1x128xf32, #tpu.memory_space<vmem>>, %arg5: memref<1000x128xf32, #tpu.memory_space<vmem>>) attributes {dimension_semantics = [#tpu.dimension_semantics<arbitrary>], iteration_bounds = array<i64: 5>, scalar_prefetch = 0 : i64, scratch_operands = 0 : i64, tpu.core_type = #tpu.core_type<tc>, window_params = [{transform_indices = @transform_0, window_bounds = array<i64: 2, 1000, 128>}, {transform_indices = @transform_1, window_bounds = array<i64: 1000, 128>}, {pipeline_mode = #tpu.pipeline_mode<synchronous>, transform_indices = @transform_2, window_bounds = array<i64: 128, 128>}, {pipeline_mode = #tpu.pipeline_mode<synchronous>, transform_indices = @transform_3, window_bounds = array<i64: 1, 128>}, {transform_indices = @transform_4, window_bounds = array<i64: 1000, 128>}]} {
    %get3A = arith.constant 0 : index
    %get3A_0 = arith.constant 0 : index
    %get3A_1 = arith.constant 0 : index
    %get3A_2 = vector.load %arg1[%get3A, %get3A_0, %get3A_1] : memref<2x1000x128xf32, #tpu.memory_space<vmem>>, vector<1x1000x128xf32>
    %get3A_3 = vector.shape_cast %get3A_2 : vector<1x1000x128xf32> to vector<1000x128xf32>
    %get3A_4 = arith.constant 1 : index
    %get3A_5 = arith.constant 0 : index
    %get3A_6 = arith.constant 0 : index
    %get3A_7 = vector.load %arg1[%get3A_4, %get3A_5, %get3A_6] : memref<2x1000x128xf32, #tpu.memory_space<vmem>>, vector<1x1000x128xf32>
    %get3A_8 = vector.shape_cast %get3A_7 : vector<1x1000x128xf32> to vector<1000x128xf32>
    %add3A = arith.addf %get3A_3, %get3A_8 : vector<1000x128xf32>
    %ge3A = arith.constant 0.000000e+00 : f32
    %ge3A_9 = vector.broadcast %ge3A : f32 to vector<1000x128xf32>
    %ge3A_10 = arith.cmpf oge, %add3A, %ge3A_9 : vector<1000x128xf32>
    %mul3A = arith.constant 0.00999999977 : f32
    %mul3A_11 = vector.broadcast %mul3A : f32 to vector<1000x128xf32>
    %mul3A_12 = arith.mulf %mul3A_11, %add3A : vector<1000x128xf32>
    %select_n3A = arith.select %ge3A_10, %add3A, %mul3A_12 : vector<1000x128xi1>, vector<1000x128xf32>
    %get3A_13 = arith.constant 0 : index
    %get3A_14 = arith.constant 0 : index
    %get3A_15 = vector.load %arg3[%get3A_13, %get3A_14] : memref<128x128xf32, #tpu.memory_space<vmem>>, vector<128x128xf32>
    %dot_general3A = arith.constant dense<0.000000e+00> : vector<1000x128xf32>
    %dot_general3A_16 = tpu.matmul %select_n3A, %get3A_15, %dot_general3A {dimension_numbers = #tpu.dot_dimension_numbers<[1], [0], [0], [1], [0, 0, 1, 1], [], []>, transpose_lhs_hint = false} : vector<1000x128xf32>, vector<128x128xf32>, vector<1000x128xf32> -> vector<1000x128xf32>
    %get3A_17 = arith.constant 0 : index
    %get3A_18 = arith.constant 0 : index
    %get3A_19 = vector.load %arg4[%get3A_17, %get3A_18] : memref<1x128xf32, #tpu.memory_space<vmem>>, vector<1x128xf32>
    %add3A_20 = vector.broadcast %get3A_19 : vector<1x128xf32> to vector<1000x128xf32>
    %add3A_21 = arith.addf %dot_general3A_16, %add3A_20 : vector<1000x128xf32>
    %get3A_22 = arith.constant 0 : index
    %get3A_23 = arith.constant 0 : index
    %get3A_24 = vector.load %arg2[%get3A_22, %get3A_23] : memref<1000x128xf32, #tpu.memory_space<vmem>>, vector<1000x128xf32>
    %add3A_25 = arith.addf %add3A_21, %get3A_24 : vector<1000x128xf32>
    %ge3A_26 = arith.constant 0.000000e+00 : f32
    %ge3A_27 = vector.broadcast %ge3A_26 : f32 to vector<1000x128xf32>
    %ge3A_28 = arith.cmpf oge, %add3A_25, %ge3A_27 : vector<1000x128xf32>
    %mul3A_29 = arith.constant 0.00999999977 : f32
    %mul3A_30 = vector.broadcast %mul3A_29 : f32 to vector<1000x128xf32>
    %mul3A_31 = arith.mulf %mul3A_30, %add3A_25 : vector<1000x128xf32>
    %select_n3A_32 = arith.select %ge3A_28, %add3A_25, %mul3A_31 : vector<1000x128xi1>, vector<1000x128xf32>
    %swap3A = arith.constant 0 : index
    %swap3A_33 = arith.constant 0 : index
    %swap3A_34 = vector.load %arg5[%swap3A, %swap3A_33] : memref<1000x128xf32, #tpu.memory_space<vmem>>, vector<1000x128xf32>
    tpu.vector_store %arg5[%swap3A, %swap3A_33], %select_n3A_32 {strides = array<i32>} : memref<1000x128xf32, #tpu.memory_space<vmem>>, vector<1000x128xf32>,
    return
  }
  func.func @transform_0(%arg0: i32) -> (i32, i32, i32) {
    %c0_i32 = arith.constant 0 : i32
    %c0_i32_0 = arith.constant 0 : i32
    %c0_i32_1 = arith.constant 0 : i32
    return %c0_i32, %arg0, %c0_i32_0 : i32, i32, i32
  }
  func.func @transform_1(%arg0: i32) -> (i32, i32) {
    %c0_i32 = arith.constant 0 : i32
    %c0_i32_0 = arith.constant 0 : i32
    return %arg0, %c0_i32 : i32, i32
  }
  func.func @transform_2(%arg0: i32) -> (i32, i32) {
    %c0_i32 = arith.constant 0 : i32
    %c0_i32_0 = arith.constant 0 : i32
    %c0_i32_1 = arith.constant 0 : i32
    return %c0_i32, %c0_i32_0 : i32, i32
  }
  func.func @transform_3(%arg0: i32) -> (i32, i32) {
    %c0_i32 = arith.constant 0 : i32
    %c0_i32_0 = arith.constant 0 : i32
    %c0_i32_1 = arith.constant 0 : i32
    return %c0_i32, %c0_i32_0 : i32, i32
  }
  func.func @transform_4(%arg0: i32) -> (i32, i32) {
    %c0_i32 = arith.constant 0 : i32
    %c0_i32_0 = arith.constant 0 : i32
    return %arg0, %c0_i32 : i32, i32
  }
}

</mosaic_0001>

<sc_bundles>
// kernel: _pipeline.12.cloned.1.call-start
scs
__scs_entry_jumppad:
0x0: {  	(pc) =	sbr.rel $0x88, $3  }
0x1: {  	(tag) =	ssettag $0x0;
	lr =	simm.s32 $0x1  }
0x2: {  	[smem:$0x3F92] =	sst lr;
	_ =	strace $0xD0000000  }
0x3: {  	_ = 	snop  }
0x4: {  	_ = 	snop  }
0x5: {  	_ = 	snop  }
0x6: {  	_ = 	snop  }
0x7: {  	_ = 	snop  }
__scs_overlays_trampoline_lowered:
0x8: {  	[smem:$0x3FA1] =	sst s0  }
0x9: {  	[smem:$0x3FA2] =	sst s1  }
0xa: {  	[smem:$0x3FA3] =	sst s2  }
0xb: {  	[smem:$0x3FA4] =	sst s3  }
0xc: {  	[smem:$0x3FA5] =	sst s4  }
0xd: {  	[smem:$0x3FA6] =	sst s5  }
0xe: {  	[smem:$0x3FA7] =	sst s6  }
0xf: {  	[smem:$0x3FA8] =	sst s7  }
0x10: {  	[smem:$0x3FA9] =	sst s8  }
0x11: {  	[smem:$0x3FAA] =	sst s9;
	s0 =	simm.s32 @!p0 $0x0  }
0x12: {  	s1 =	sld [smem:$0x3F90];
	s0 =	simm.s32 @p0 $0x1  }
0x13: {  	[smem:$0x3FAB] =	sst s0;
	s0 =	simm.s32 @!p1 $0x0  }
0x14: {  	s2 =	sld [smem:$0x3F8F];
	s0 =	simm.s32 @p1 $0x1  }
0x15: {  	[smem:$0x3FAC] =	sst s0;
	s0 =	simm.s32 @!p2 $0x0  }
0x16: {  	s3 =	sld [smem:$0x3FDB];
	s0 =	simm.s32 @p2 $0x1  }
0x17: {  	s4 =	simm.s32 $0x1BF5;
	[smem:$0x3FAE] =	sst s0  }
0x18: {  	s0 =	sld [smem:$0x3F91];
	_ =	swait.ge [sflag:s4], $0x0  }
0x19: {  	s7 =	sld [smem:$0x3F92]  }
0x1a: {  	s8 =	sadd.s32 $0xFFFFE003, lr  }
0x1b: {  	s9 =	sadd.s32 $0xFFFFFEF7, lr;
	s5 =	simm.s32 $0xFFFFFFFF;
	p2 =	slt.u32 s8, $0xFFFFF086  }
0x1c: {  	p1 =	slt.u32 s9, $0xF7A;
	s5 =	simm.s32 @!p2 $0x0  }
0x1d: {  	s5 =	simm.s32 @p1 $0x1;
	p0 =	seq.s32 s7, s2  }
0x1e: {  	s7 =	smul.u32 @!p0 $0xF7A, s2;
	p2 =	seq.s32 @!p0 s5, $0x0  }
0x1f: {  	s9 =	smul.u32 $0xF7A, s1;
	s8 =	simm.s32 @!p0 $0x1BF5;
	p2 =	por !p2, p0  }
0x20: {  	[sflag:s8] =	ssyncset.s32 @!p0 $0xFFFFF086;
	s6 =	sadd.s32 @!p0 s3, s7;
	s7 =	simm.s32 @!p0 $0x108  }
0x21: {  	s3 =	sadd.s32 s3, s9;
	s6 =	sadd.s32 @!p0 $0x88, s6;
	s7 =	simm.s32 @p2 $0x1082  }
0x22: {  	[simem:s7], [sflag:s8] =	dma.local @!p0 [hbm:s6], $0xF7A  }
0x23: {  	s9 =	sor.u32 $0xD0000000, s2;
	s6 =	simm.s32 $0x108;
	_ =	swait.ge @!p0 [sflag:s8], $0x0  }
0x24: {  	s3 =	sadd.s32 $0x88, s3;
	s6 =	simm.s32 @!p1 $0x1082;
	[sflag:s4] =	ssyncset.s32 $0xFFFFF086  }
0x25: {  	[simem:s6], [sflag:s4] =	dma.local [hbm:s3], $0xF7A  }
0x26: {  	[smem:$0x3F92] =	sst s1;
	(tag) =	ssettag s2;
	_ =	strace s9  }
0x27: {  	s1 =	sld [smem:$0x3FA2]  }
0x28: {  	s2 =	sld [smem:$0x3FA3]  }
0x29: {  	s4 =	sld [smem:$0x3FA5]  }
0x2a: {  	p0 =	seq.s32 s5, $0x0;
	s5 =	sld [smem:$0x3FA6]  }
0x2b: {  	s6 =	sld [smem:$0x3FA7]  }
0x2c: {  	s7 =	sld [smem:$0x3FA8]  }
0x2d: {  	s3 =	simm.s32 $0x108;
	s8 =	sld [smem:$0x3FA9]  }
0x2e: {  	s3 =	simm.s32 @!p0 $0x1082;
	s9 =	sld [smem:$0x3FAA]  }
0x2f: {  	lr =	sadd.s32 s0, s3;
	s0 =	sld [smem:$0x3FA1]  }
0x30: {  	s3 =	sld [smem:$0x3FA4]  }
0x31: {  	[smem:$0x3FAD] =	sst s10  }
0x32: {  	s10 =	sld [smem:$0x3FAB];
	_ =	sdelay $0x3  }
0x33: {  	p0 =	seq.s32 s10, $0x1;
	s10 =	sld [smem:$0x3FAD];
	_ =	sdelay $0x3  }
0x34: {  	[smem:$0x3FAD] =	sst s10  }
0x35: {  	s10 =	sld [smem:$0x3FAC];
	_ =	sdelay $0x3  }
0x36: {  	p1 =	seq.s32 s10, $0x1;
	s10 =	sld [smem:$0x3FAD];
	_ =	sdelay $0x3  }
0x37: {  	[smem:$0x3FAD] =	sst s10  }
0x38: {  	s10 =	sld [smem:$0x3FAE]  }
0x39: {  	_ = 	snop;
	(pc) =	sbr.ind lr, $3  }
0x3a: {  	_ = 	snop  }
0x3b: {  	_ = 	snop  }
0x3c: {  	p2 =	seq.s32 s10, $0x1;
	s10 =	sld [smem:$0x3FAD]  }
0x3d: {  	_ =	shalt  }
0x3e: {  	_ =	shalt  }
0x3f: {  	_ =	shalt  }
0x40: {  	_ =	shalt  }
0x41: {  	_ =	shalt  }
0x42: {  	_ =	shalt  }
0x43: {  	_ =	shalt  }
0x44: {  	_ =	shalt  }
0x45: {  	_ =	shalt  }
0x46: {  	_ =	shalt  }
0x47: {  	_ =	shalt  }
0x48: {  	_ =	shalt  }
0x49: {  	_ =	shalt  }
0x4a: {  	_ =	shalt  }
0x4b: {  	_ =	shalt  }
0x4c: {  	_ =	shalt  }
0x4d: {  	_ =	shalt  }
0x4e: {  	_ =	shalt  }
0x4f: {  	_ =	shalt  }
0x50: {  	_ =	shalt  }
0x51: {  	_ =	shalt  }
0x52: {  	_ =	shalt  }
0x53: {  	_ =	shalt  }
0x54: {  	_ =	shalt  }
0x55: {  	_ =	shalt  }
0x56: {  	_ =	shalt  }
0x57: {  	_ =	shalt  }
0x58: {  	_ =	shalt  }
0x59: {  	_ =	shalt  }
0x5a: {  	_ =	shalt  }
0x5b: {  	_ =	shalt  }
0x5c: {  	_ =	shalt  }
0x5d: {  	_ =	shalt  }
0x5e: {  	_ =	shalt  }
0x5f: {  	_ =	shalt  }
0x60: {  	_ =	shalt  }
0x61: {  	_ =	shalt  }
0x62: {  	_ =	shalt  }
0x63: {  	_ =	shalt  }
0x64: {  	_ =	shalt  }
0x65: {  	_ =	shalt  }
0x66: {  	_ =	shalt  }
0x67: {  	_ =	shalt  }
0x68: {  	_ =	shalt  }
0x69: {  	_ =	shalt  }
0x6a: {  	_ =	shalt  }
0x6b: {  	_ =	shalt  }
0x6c: {  	_ =	shalt  }
0x6d: {  	_ =	shalt  }
0x6e: {  	_ =	shalt  }
0x6f: {  	_ =	shalt  }
0x70: {  	_ =	shalt  }
0x71: {  	_ =	shalt  }
0x72: {  	_ =	shalt  }
0x73: {  	_ =	shalt  }
0x74: {  	_ =	shalt  }
0x75: {  	_ =	shalt  }
0x76: {  	_ =	shalt  }
0x77: {  	_ =	shalt  }
0x78: {  	_ =	shalt  }
0x79: {  	_ =	shalt  }
0x7a: {  	_ =	shalt  }
0x7b: {  	_ =	shalt  }
0x7c: {  	_ =	shalt  }
0x7d: {  	_ =	shalt  }
0x7e: {  	_ =	shalt  }
0x7f: {  	_ =	shalt  }
0x80: {  	_ =	shalt  }
0x81: {  	_ =	shalt  }
0x82: {  	_ =	shalt  }
0x83: {  	_ =	shalt  }
0x84: {  	_ =	shalt  }
0x85: {  	_ =	shalt  }
0x86: {  	_ =	shalt  }
0x87: {  	_ =	shalt  }
.Lfunc_end0:
.L_simem_size_0:
called_computation.1_lowered:
.L_overlay_start_0:
0x88: {  	s2 =	sld [smem:$0x3FD9]  }
0x89: {  	s3 =	sld [smem:$0x3FFE];
	_ =	sdelay $0x1  }
0x8a: {  	s1 =	srdreg.scid  }
0x8b: {  	s0 =	sand.u32 $0x1, s1  }
0x8c: {  	s17 =	sshll.u32 s0, $0xA;
	s2 =	sadd.s32 s3, s2  }
0x8d: {  	s2 =	sadd.s32 s2, s17  }
0x8e: {  	[smem:$0x3FB9] =	sst s2  }
0x8f: {  	_ = 	snop  }
0x90: {  	s2 =	sld [smem:$0x3FD0];
	(tm) =	ssettm $0x1  }
0x91: {  	s18 =	sld [smem:$0x3FFB];
	_ =	sdelay $0x3  }
0x92: {  	_ =	strace s18  }
0x93: {  	s3 =	sld [smem:$0x3FFC];
	_ =	sdelay $0x3  }
0x94: {  	_ =	strace s3  }
0x95: {  	s3 =	sld [smem:$0x3FFD];
	_ =	sdelay $0x3  }
0x96: {  	_ =	strace s3  }
0x97: {  	_ =	strace $0x8FFFFFFF  }
0x98: {  	s19 =	sld [smem:$0x3FDB];
	_ =	sdelay $0x1  }
0x99: {  	s4 =	simm.s32 $_scs_section_size  }
0x9a: {  	s5 =	simm.s32 $_size__tile_overlayer_lowered;
	s6 =	simm.s32 $_tile_overlayer_lowered  }
0x9b: {  	s22 =	simm.s32 $0x1BFF;
	s21 =	sshll.u32 s6, $0x1;
	s3 =	sadd.s32 s4, s19  }
0x9c: {  	s7 =	simm.s32 $0x0;
	s20 =	sshll.u32 s5, $0x1;
	s5 =	sadd.s32 s21, s3  }
0x9d: {  	[timem:s7], [sflag:s22] =	dma.local [hbm:s5], s20  }
0x9e: {  	_ =	swait.ge [sflag:s22], s20  }
0x9f: {  	s4 =	ssub.s32 $0x0, s20;
	[sflag:s22] =	ssyncset.done $0x0  }
0xa0: {  	[sflag:s22] =	ssyncadd.s32 s4;
	_ =	sdelay $0x1  }
0xa1: {  	s23 =	simm.s32 $0x1B8B  }
0xa2: {  	_ =	swait.ge [sflag:s23], $0x1  }
0xa3: {  	[sflag:s23] =	ssyncset.done $0x0  }
0xa4: {  	s25 =	simm.s32 $0x1B8E;
	s24 =	sld [smem:$0x3FFE];
	[sflag:s23] =	ssyncadd.s32 $0xFFFFFFFF  }
0xa5: {  	s26 =	simm.s32 $execute0_lowered;
	[smem:$0x3FD2] =	sst s25  }
0xa6: {  	s5 =	sshll.u32 s26, $0x1;
	_ =	strace $0x80000049;
	[dreg:$0x1] =	wrdreg $0xFFFFFFFF  }
0xa7: {  	s28 =	simm.s32 $_size_execute0_lowered;
	s3 =	sadd.s32 s3, s5;
	[dreg:$0x0] =	wrdreg $0x0  }
0xa8: {  	s5 =	sshll.u32 s28, $0x1;
	[dreg:$0x2] =	wrdreg s3  }
0xa9: {  	[dreg:$0x3] =	wrdreg s5  }
0xaa: {  	[dreg:$0x4] =	wrdreg $0xC0  }
0xab: {  	_ =	task [dreg:s7], $0x5FFFF  }
0xac: {  	[dreg:$0x1] =	wrdreg $0xFFFFFFFF  }
0xad: {  	[dreg:$0x0] =	wrdreg $0x60  }
0xae: {  	[dreg:$0x2] =	wrdreg s2  }
0xaf: {  	[dreg:$0x3] =	wrdreg s24  }
0xb0: {  	[dreg:$0x4] =	wrdreg $0x14A000  }
0xb1: {  	[dreg:$0x5] =	wrdreg $0x9  }
0xb2: {  	_ =	task.clear_ibuf [dreg:s7], $0x6FFFF;
	_ =	strace $0x90000049  }
0xb3: {  	s29 =	simm.s32 $0x9;
	_ =	strace $0x8000004B  }
0xb4: {  	_ =	swait.ge [sflag:s29], $0x1  }
0xb5: {  	[sflag:s29] =	ssyncadd.s32 $0xFFFFFFFF  }
0xb6: {  	_ =	strace $0x9000004B  }
0xb7: {  	_ =	sfence  }
0xb8: {  	s30 =	sld [smem:$0x0];
	_ =	sdelay $0x2  }
0xb9: {  	s31 =	sshll.u32 s1, $0xD;
	s1 =	sshrl.u32 s1, $0x2  }
0xba: {  	s3 =	sand.u32 $0x4000, s31;
	s1 =	sadd.s32 s1, s30  }
0xbb: {  	s0 =	sor.u32 s3, s0;
	s1 =	sshll.u32 s1, $0x11  }
0xbc: {  	s0 =	sor.u32 s1, s0  }
0xbd: {  	s0 =	sadd.s32 $0x8F2B, s0  }
0xbe: {  	[sflag:s0] =	ssyncadd.remote.s32 $0x1  }
0xbf: {  	_ =	sfence.sel $0xFFFF  }
0xc0: {  	[dreg:$0x0] =	wrdreg $0xFFFFFFFF;
	(pc) =	sbr.abs _section_cstart, $3  }
0xc1: {  	[dreg:$0x1] =	wrdreg $0xFFFFFFFF  }
0xc2: {  	_ =	task.clear_ibuf [dreg:s7], $0x2FFFF;
	_ =	strace $0x9FFFFFFF  }
0xc3: {  	(tm) =	ssettm $0x7FFFFFFF  }
tec
execute0_lowered:
.L_overlay_start_1:
0x0: {  	(tag) =	ssettag $0x1  }
0x1: {  	s1 =	rddreg [dreg:$0x0]  }
0x2: {  	s0 =	srdreg.scid;
	s2 =	rddreg [dreg:$0x1]  }
0x3: {  	s7 =	stileid.u32;
	s3 =	rddreg [dreg:$0x2];
	s5 =	simm.s32 $0x0  }
0x4: {  	s10 =	simm.s32 $0x12;
	s24 =	simm.s32 $0xCD00;
	s25 =	simm.s32 $0x10B80  }
0x5: {  	s23 =	simm.s32 $0xADC0;
	s28 =	simm.s32 $0x2;
	s29 =	simm.s32 $0x3  }
0x6: {  	s30 =	simm.s32 $0x12AC0;
	s31 =	simm.s32 $0x4;
	s6 =	smul.u32 $0x27100, s7  }
0x7: {  	s0 =	sand.u32 $0x1, s0;
	[smem:$0x7FF] =	sst s5;
	s16 =	smul.u32 $0x9C40, s7  }
0x8: {  	s4 =	sshll.u32 s0, $0x4;
	_ =	strace $0x8000004A;
	[dreg:$0x4] =	wrdreg s24  }
0x9: {  	s14 =	smul.u32 $0x13880, s0;
	s0 =	ssub.s32 $0x2, s0;
	[dreg:$0x5] =	wrdreg s25  }
0xa: {  	s25 =	simm.s32 $0x1;
	s4 =	sor.u32 s7, s4;
	s6 =	sshrl.u32 s6, $0x2  }
0xb: {  	s15 =	sshrl.u32 s0, $0x1;
	s18 =	sadd.s32 s6, s3;
	s6 =	sadd.s32 s16, s3  }
0xc: {  	s22 =	sshrl.u32 s16, $0x3;
	s19 =	sadd.s32 $0x1F40, s18;
	[dreg:$0x8] =	wrdreg s6  }
0xd: {  	s4 =	smul.u32 $0x500, s4;
	s20 =	sadd.s32 $0x3E80, s18;
	[dreg:$0x9] =	wrdreg s19  }
0xe: {  	s0 =	ssub.s32 s0, s15;
	s21 =	sadd.s32 $0x5DC0, s18;
	[dreg:$0xa] =	wrdreg s20  }
0xf: {  	s15 =	simm.s32 $0x5000;
	s0 =	smax.u32 s0, $0x1;
	[dreg:$0xb] =	wrdreg s21  }
0x10: {  	s4 =	sadd.s32 s4, s2;
	s2 =	sadd.s32 s14, s2;
	[dreg:$0xd] =	wrdreg s0  }
0x11: {  	s19 =	simm.s32 $0x6F40;
	s21 =	simm.s32 $0x8E80;
	s17 =	sadd.s32 $0xD000, s4  }
0x12: {  	s14 =	simm.s32 $0x6;
	s4 =	sadd.s32 $0x3000, s4;
	[dreg:$0x6] =	wrdreg s17  }
0x13: {  	s20 =	simm.s32 $0x8;
	s2 =	sadd.s32 $0x17000, s2;
	[dreg:$0x7] =	wrdreg s4  }
0x14: {  	s4 =	sadd.s32 $0x7D00, s18;
	s17 =	simm.s32 $0x7D;
	s26 =	sadd.s32 s22, s2  }
0x15: {  	s2 =	simm.s32 $0x9;
	s18 =	simm.s32 $0xB;
	[dreg:$0xc] =	wrdreg s4  }
0x16: {  	v0 =	vimm.f32 $0.0e+00;
	[dreg:$0xe] =	wrdreg s26;
	s26 =	simm.s32 $0xEC40;
	s4 =	simm.s32 $0x0  }
.LBB2_1:
0x17: {  	[dreg:$0xf] =	wrdreg s4  }
0x18: {  	s0 =	simm.s32 $0x0;
	s22 =	rddreg [dreg:$0x6];
	s5 =	simm.s32 $0x11  }
0x19: {  	[tilespmem:s0], [sflag:$0x11] =	stream.linear.gather [hbm4b:s22+s0], $0x2800, $0x38;
	[tilespmem:$0x1E640] =	vst v63  }
0x1a: {  	_ =	swait.ge [sflag:s5], $0x2800  }
0x1b: {  	[sflag:s5] =	ssyncset.done $0x0  }
0x1c: {  	s7 =	simm.s32 $0x2800;
	s24 =	rddreg [dreg:$0x7];
	[sflag:s5] =	ssyncadd.s32 $0xFFFFD800  }
0x1d: {  	[tilespmem:s7], [sflag:$0x11] =	stream.linear.gather [hbm4b:s24+s0], $0x2800, $0x38;
	[tilespmem:$0x1E640] =	vst v63  }
0x1e: {  	_ =	swait.ge [sflag:s5], $0x2800  }
0x1f: {  	[sflag:s5] =	ssyncset.done $0x0  }
0x20: {  	s8 =	simm.s32 $0x100;
	s0 =	simm.s32 $0x0;
	[sflag:s5] =	ssyncadd.s32 $0xFFFFD800  }
.LBB2_2:
0x21: {  	p0 =	sne.s32 s8, $0x7C00;
	[tilespmem:s0+$0x5030] =	vst v0;
	s9 =	smov.u32 s8;
	s8 =	sadd.s32 $0x100, s8  }
.Ltmp0:
0x22: {  	[tilespmem:s0+$0x5020] =	vst v0;
	(pc) =	sbr.rel @p0 .LBB2_2-.Ltmp0, $3  }
0x23: {  	[tilespmem:s0+$0x5000] =	vst v0  }
0x24: {  	[tilespmem:s0+$0x5010] =	vst v0;
	_ =	sdelay $0x1  }
0x25: {  	s0 =	sshra.s32 s9, $0x2  }
0x26: {  	[tilespmem:s0+$0x5030] =	vst v0  }
0x27: {  	[tilespmem:s0+$0x5020] =	vst v0  }
0x28: {  	[tilespmem:s0+$0x5000] =	vst v0  }
0x29: {  	[tilespmem:s0+$0x5010] =	vst v0  }
0x2a: {  	[spmem:s6] =	stream.linear.scatter [tilespmem:s15], [sflag:$0x12], $0x1F40, $0x38;
	[tilespmem:$0x1E640] =	vst v63  }
0x2b: {  	_ =	swait.ge [sflag:s10], $0x1F40  }
0x2c: {  	[sflag:s10] =	ssyncset.done $0x0  }
0x2d: {  	s11 =	rddreg [dreg:$0x9];
	[sflag:s10] =	ssyncadd.s32 $0xFFFFE0C0  }
0x2e: {  	[spmem:s11] =	stream.linear.scatter [tilespmem:s15], [sflag:$0x12], $0x1F40, $0x38;
	[tilespmem:$0x1E640] =	vst v63  }
0x2f: {  	_ =	swait.ge [sflag:s10], $0x1F40  }
0x30: {  	[sflag:s10] =	ssyncset.done $0x0  }
0x31: {  	s12 =	rddreg [dreg:$0xa];
	[sflag:s10] =	ssyncadd.s32 $0xFFFFE0C0  }
0x32: {  	[spmem:s12] =	stream.linear.scatter [tilespmem:s15], [sflag:$0x12], $0x1F40, $0x38;
	[tilespmem:$0x1E640] =	vst v63  }
0x33: {  	_ =	swait.ge [sflag:s10], $0x1F40  }
0x34: {  	[sflag:s10] =	ssyncset.done $0x0  }
0x35: {  	s13 =	rddreg [dreg:$0xb];
	[sflag:s10] =	ssyncadd.s32 $0xFFFFE0C0  }
0x36: {  	[spmem:s13] =	stream.linear.scatter [tilespmem:s15], [sflag:$0x12], $0x1F40, $0x38;
	[tilespmem:$0x1E640] =	vst v63  }
0x37: {  	_ =	swait.ge [sflag:s10], $0x1F40  }
0x38: {  	[sflag:s10] =	ssyncset.done $0x0  }
0x39: {  	s16 =	rddreg [dreg:$0xc];
	[sflag:s10] =	ssyncadd.s32 $0xFFFFE0C0  }
0x3a: {  	[spmem:s16] =	stream.linear.scatter [tilespmem:s15], [sflag:$0x12], $0x1F40, $0x38;
	[tilespmem:$0x1E640] =	vst v63  }
0x3b: {  	_ =	swait.ge [sflag:s10], $0x1F40  }
0x3c: {  	[sflag:s10] =	ssyncset.done $0x0  }
0x3d: {  	[sflag:s10] =	ssyncadd.s32 $0xFFFFE0C0  }
0x3e: {  	s22 =	simm.s32 $0x0;
	[bflag:$0x0] =	sbarrier.arrive $0xFFFF  }
0x3f: {  	[tilespmem:s15], [sflag:$0x1] =	stream.indirect.gather [hbm4b:s1+s17], $0x40, s22, s17, $0xb8;
	[tilespmem:$0x1E640] =	vst v63  }
0x40: {  	s24 =	simm.s32 $0x80  }
0x41: {  	[tilespmem:s19], [sflag:$0x2] =	stream.indirect.gather [hbm4b:s1+s17], $0x40, s24, s17, $0xb8;
	[tilespmem:$0x1E640] =	vst v63  }
0x42: {  	s4 =	simm.s32 $0x100;
	p0 =	por $0x1, $0x1  }
0x43: {  	[tilespmem:s21], [sflag:$0x3] =	stream.indirect.gather [hbm4b:s1+s17], $0x40, s4, s17, $0xb8;
	[tilespmem:$0x1E640] =	vst v63  }
0x44: {  	s5 =	simm.s32 $0x180;
	s0 =	simm.s32 @!p0 $0xD  }
0x45: {  	[tilespmem:s23], [sflag:$0x4] =	stream.indirect.gather [hbm4b:s1+s17], $0x40, s5, s17, $0xb8;
	[tilespmem:$0x1E640] =	vst v63  }
0x46: {  	_ =	swait.ge @!p0 [sflag:s0], $0x1F40  }
0x47: {  	[sflag:s0] =	ssyncset.done @!p0 $0x0  }
0x48: {  	s6 =	simm.s32 $0x200;
	s8 =	rddreg [dreg:$0x4];
	[sflag:s0] =	ssyncadd.s32 @!p0 $0xFFFFE0C0  }
0x49: {  	[tilespmem:s8], [sflag:$0x5] =	stream.indirect.gather [hbm4b:s1+s17], $0x40, s6, s17, $0xb8;
	[tilespmem:$0x1E640] =	vst v63  }
0x4a: {  	_ =	swait.ge [sflag:s25], $0x1F40  }
0x4b: {  	[sflag:s25] =	ssyncset.done $0x0  }
0x4c: {  	s7 =	simm.s32 $0x2800;
	s8 =	simm.s32 @!p0 $0xE;
	[sflag:s25] =	ssyncadd.s32 $0xFFFFE0C0  }
0x4d: {  	[spmem:s3] =	stream.indirect.scatter.add.f32 [tilespmem:s15], [sflag:$0x9], $0x40, s7, s17, $0xb8;
	[tilespmem:$0x1E640] =	vst v63  }
0x4e: {  	_ =	swait.ge @!p0 [sflag:s8], $0x1F40  }
0x4f: {  	[sflag:s8] =	ssyncset.done @!p0 $0x0  }
0x50: {  	s9 =	simm.s32 $0x280;
	[sflag:s8] =	ssyncadd.s32 @!p0 $0xFFFFE0C0  }
0x51: {  	[tilespmem:s26], [sflag:$0x6] =	stream.indirect.gather [hbm4b:s1+s17], $0x40, s9, s17, $0xb8;
	[tilespmem:$0x1E640] =	vst v63  }
0x52: {  	_ =	swait.ge [sflag:s28], $0x1F40  }
0x53: {  	[sflag:s28] =	ssyncset.done $0x0  }
0x54: {  	s10 =	simm.s32 $0x2880;
	s8 =	simm.s32 @!p0 $0xF;
	[sflag:s28] =	ssyncadd.s32 $0xFFFFE0C0  }
0x55: {  	[spmem:s3] =	stream.indirect.scatter.add.f32 [tilespmem:s19], [sflag:$0xA], $0x40, s10, s17, $0xb8;
	[tilespmem:$0x1E640] =	vst v63  }
0x56: {  	_ =	swait.ge @!p0 [sflag:s8], $0x1F40  }
0x57: {  	[sflag:s8] =	ssyncset.done @!p0 $0x0  }
0x58: {  	s12 =	simm.s32 $0x300;
	s11 =	rddreg [dreg:$0x5];
	[sflag:s8] =	ssyncadd.s32 @!p0 $0xFFFFE0C0  }
0x59: {  	[tilespmem:s11], [sflag:$0x7] =	stream.indirect.gather [hbm4b:s1+s17], $0x40, s12, s17, $0xb8;
	[tilespmem:$0x1E640] =	vst v63  }
0x5a: {  	_ =	swait.ge [sflag:s29], $0x1F40  }
0x5b: {  	[sflag:s29] =	ssyncset.done $0x0  }
0x5c: {  	s13 =	simm.s32 $0x2900;
	s8 =	simm.s32 @!p0 $0x10;
	[sflag:s29] =	ssyncadd.s32 $0xFFFFE0C0  }
0x5d: {  	[spmem:s3] =	stream.indirect.scatter.add.f32 [tilespmem:s21], [sflag:$0xB], $0x40, s13, s17, $0xb8;
	[tilespmem:$0x1E640] =	vst v63  }
0x5e: {  	_ =	swait.ge @!p0 [sflag:s8], $0x1F40  }
0x5f: {  	[sflag:s8] =	ssyncset.done @!p0 $0x0  }
0x60: {  	s16 =	simm.s32 $0x380;
	[sflag:s8] =	ssyncadd.s32 @!p0 $0xFFFFE0C0  }
0x61: {  	[tilespmem:s30], [sflag:$0x8] =	stream.indirect.gather [hbm4b:s1+s17], $0x40, s16, s17, $0xb8;
	[tilespmem:$0x1E640] =	vst v63  }
0x62: {  	_ =	swait.ge [sflag:s31], $0x1F40  }
0x63: {  	[sflag:s31] =	ssyncset.done $0x0  }
0x64: {  	s22 =	simm.s32 $0x2980;
	[sflag:s31] =	ssyncadd.s32 $0xFFFFE0C0  }
0x65: {  	[spmem:s3] =	stream.indirect.scatter.add.f32 [tilespmem:s23], [sflag:$0xC], $0x40, s22, s17, $0xb8;
	[tilespmem:$0x1E640] =	vst v63  }
0x66: {  	_ =	swait.ge [sflag:s2], $0x1F40  }
0x67: {  	p0 =	por $0x0, $0x0;
	[sflag:s2] =	ssyncset.done $0x0  }
0x68: {  	s0 =	simm.s32 @p0 $0x5;
	[sflag:s2] =	ssyncadd.s32 $0xFFFFE0C0  }
0x69: {  	_ =	swait.ge @p0 [sflag:s0], $0x1F40  }
0x6a: {  	s8 =	simm.s32 @p0 $0x2A00;
	s9 =	simm.s32 @p0 $0xA;
	[sflag:s0] =	ssyncset.done @p0 $0x0  }
0x6b: {  	s10 =	simm.s32 @p0 $0xCD00;
	[sflag:s0] =	ssyncadd.s32 @p0 $0xFFFFE0C0;
	s0 =	simm.s32 @p0 $0x7D  }
0x6c: {  	[spmem:s3] =	stream.indirect.scatter.add.f32 @p0 [tilespmem:s10], [sflag:$0xD], $0x40, s8, s0, $0xb8;
	[tilespmem:$0x1E640] =	vst v63  }
0x6d: {  	_ =	swait.ge @p0 [sflag:s9], $0x1F40  }
0x6e: {  	s8 =	simm.s32 @!p0 $0x400;
	[sflag:s9] =	ssyncset.done @p0 $0x0  }
0x6f: {  	s10 =	simm.s32 @!p0 $0x5000;
	[sflag:s9] =	ssyncadd.s32 @p0 $0xFFFFE0C0;
	s9 =	simm.s32 @!p0 $0x7D  }
0x70: {  	[tilespmem:s10], [sflag:$0x1] =	stream.indirect.gather @!p0 [hbm4b:s1+s9], $0x40, s8, s9, $0xb8;
	[tilespmem:$0x1E640] =	vst v63  }
0x71: {  	s8 =	simm.s32 @!p0 $0x5  }
0x72: {  	_ =	swait.ge @!p0 [sflag:s8], $0x1F40  }
0x73: {  	[sflag:s8] =	ssyncset.done @!p0 $0x0  }
0x74: {  	s10 =	simm.s32 @!p0 $0x2A00;
	[sflag:s8] =	ssyncadd.s32 @!p0 $0xFFFFE0C0;
	s8 =	simm.s32 @!p0 $0xCD00  }
0x75: {  	[spmem:s3] =	stream.indirect.scatter.add.f32 @!p0 [tilespmem:s8], [sflag:$0xD], $0x40, s10, s9, $0xb8;
	[tilespmem:$0x1E640] =	vst v63  }
0x76: {  	s8 =	simm.s32 @!p0 $0xA  }
0x77: {  	_ =	swait.ge @!p0 [sflag:s8], $0x1F40  }
0x78: {  	[sflag:s8] =	ssyncset.done @!p0 $0x0  }
0x79: {  	s10 =	simm.s32 @!p0 $0x480;
	[sflag:s8] =	ssyncadd.s32 @!p0 $0xFFFFE0C0;
	s8 =	simm.s32 @!p0 $0x6F40  }
0x7a: {  	[tilespmem:s8], [sflag:$0x2] =	stream.indirect.gather @!p0 [hbm4b:s1+s9], $0x40, s10, s9, $0xb8;
	[tilespmem:$0x1E640] =	vst v63  }
0x7b: {  	_ =	swait.ge [sflag:s14], $0x1F40  }
0x7c: {  	[sflag:s14] =	ssyncset.done $0x0  }
0x7d: {  	s24 =	simm.s32 $0x2A80;
	[sflag:s14] =	ssyncadd.s32 $0xFFFFE0C0  }
0x7e: {  	[spmem:s3] =	stream.indirect.scatter.add.f32 [tilespmem:s26], [sflag:$0xE], $0x40, s24, s17, $0xb8;
	[tilespmem:$0x1E640] =	vst v63  }
0x7f: {  	_ =	swait.ge [sflag:s18], $0x1F40  }
0x80: {  	[sflag:s18] =	ssyncset.done $0x0  }
0x81: {  	s8 =	simm.s32 @p0 $0x7;
	[sflag:s18] =	ssyncadd.s32 $0xFFFFE0C0  }
0x82: {  	_ =	swait.ge @p0 [sflag:s8], $0x1F40  }
0x83: {  	[sflag:s8] =	ssyncset.done @p0 $0x0  }
0x84: {  	s10 =	simm.s32 @p0 $0x2B00;
	[sflag:s8] =	ssyncadd.s32 @p0 $0xFFFFE0C0;
	s8 =	simm.s32 @p0 $0x10B80  }
0x85: {  	[spmem:s3] =	stream.indirect.scatter.add.f32 @p0 [tilespmem:s8], [sflag:$0xF], $0x40, s10, s0, $0xb8;
	[tilespmem:$0x1E640] =	vst v63  }
0x86: {  	s0 =	simm.s32 @p0 $0xC  }
0x87: {  	_ =	swait.ge @p0 [sflag:s0], $0x1F40  }
0x88: {  	[sflag:s0] =	ssyncset.done @p0 $0x0  }
0x89: {  	s8 =	simm.s32 @!p0 $0x500;
	[sflag:s0] =	ssyncadd.s32 @p0 $0xFFFFE0C0;
	s0 =	simm.s32 @!p0 $0x8E80  }
0x8a: {  	[tilespmem:s0], [sflag:$0x3] =	stream.indirect.gather @!p0 [hbm4b:s1+s9], $0x40, s8, s9, $0xb8;
	[tilespmem:$0x1E640] =	vst v63  }
0x8b: {  	s0 =	simm.s32 @!p0 $0x7  }
0x8c: {  	_ =	swait.ge @!p0 [sflag:s0], $0x1F40  }
0x8d: {  	[sflag:s0] =	ssyncset.done @!p0 $0x0  }
0x8e: {  	s8 =	simm.s32 @!p0 $0x2B00;
	[sflag:s0] =	ssyncadd.s32 @!p0 $0xFFFFE0C0;
	s0 =	simm.s32 @!p0 $0x10B80  }
0x8f: {  	[spmem:s3] =	stream.indirect.scatter.add.f32 @!p0 [tilespmem:s0], [sflag:$0xF], $0x40, s8, s9, $0xb8;
	[tilespmem:$0x1E640] =	vst v63  }
0x90: {  	s0 =	simm.s32 @!p0 $0xC  }
0x91: {  	_ =	swait.ge @!p0 [sflag:s0], $0x1F40  }
0x92: {  	[sflag:s0] =	ssyncset.done @!p0 $0x0  }
0x93: {  	s8 =	simm.s32 @!p0 $0x580;
	[sflag:s0] =	ssyncadd.s32 @!p0 $0xFFFFE0C0;
	s0 =	simm.s32 @!p0 $0xADC0  }
0x94: {  	[tilespmem:s0], [sflag:$0x4] =	stream.indirect.gather @!p0 [hbm4b:s1+s9], $0x40, s8, s9, $0xb8;
	[tilespmem:$0x1E640] =	vst v63  }
0x95: {  	p1 =	por $0x0, $0x0;
	s8 =	simm.s32 $0x1000;
	_ =	swait.ge [sflag:s20], $0x1F40  }
0x96: {  	s9 =	simm.s32 $0x2000;
	s0 =	simm.s32 $0x2B80;
	[sflag:s20] =	ssyncset.done $0x0  }
.LBB2_4:
0x97: {  	s10 =	simm.s32 @!p1 $0xD;
	[sflag:s20] =	ssyncadd.s32 $0xFFFFE0C0  }
0x98: {  	[spmem:s3] =	stream.indirect.scatter.add.f32 [tilespmem:s30], [sflag:$0x10], $0x40, s0, s17, $0xb8;
	[tilespmem:$0x1E640] =	vst v63  }
0x99: {  	_ =	swait.ge @!p1 [sflag:s10], $0x1F40  }
0x9a: {  	[sflag:s10] =	ssyncset.done @!p1 $0x0  }
0x9b: {  	[sflag:s10] =	ssyncadd.s32 @!p1 $0xFFFFE0C0;
	s10 =	sshra.s32 s8, $0x2  }
0x9c: {  	s13 =	rddreg [dreg:$0x4];
	s12 =	sadd.s32 $0x200, s10  }
0x9d: {  	[tilespmem:s13], [sflag:$0x5] =	stream.indirect.gather [hbm4b:s1+s17], $0x40, s12, s17, $0xb8;
	[tilespmem:$0x1E640] =	vst v63  }
0x9e: {  	_ =	swait.ge [sflag:s25], $0x1F40  }
0x9f: {  	[sflag:s25] =	ssyncset.done $0x0  }
0xa0: {  	s16 =	sadd.s32 $0x2800, s10;
	s12 =	simm.s32 @!p1 $0xE;
	[sflag:s25] =	ssyncadd.s32 $0xFFFFE0C0  }
0xa1: {  	[spmem:s3] =	stream.indirect.scatter.add.f32 [tilespmem:s15], [sflag:$0x9], $0x40, s16, s17, $0xb8;
	[tilespmem:$0x1E640] =	vst v63  }
0xa2: {  	_ =	swait.ge @!p1 [sflag:s12], $0x1F40  }
0xa3: {  	[sflag:s12] =	ssyncset.done @!p1 $0x0  }
0xa4: {  	s22 =	sadd.s32 $0x280, s10;
	[sflag:s12] =	ssyncadd.s32 @!p1 $0xFFFFE0C0  }
0xa5: {  	[tilespmem:s26], [sflag:$0x6] =	stream.indirect.gather [hbm4b:s1+s17], $0x40, s22, s17, $0xb8;
	[tilespmem:$0x1E640] =	vst v63  }
0xa6: {  	_ =	swait.ge [sflag:s28], $0x1F40  }
0xa7: {  	[sflag:s28] =	ssyncset.done $0x0  }
0xa8: {  	s24 =	sadd.s32 $0x2880, s10;
	s12 =	simm.s32 @!p1 $0xF;
	[sflag:s28] =	ssyncadd.s32 $0xFFFFE0C0  }
0xa9: {  	[spmem:s3] =	stream.indirect.scatter.add.f32 [tilespmem:s19], [sflag:$0xA], $0x40, s24, s17, $0xb8;
	[tilespmem:$0x1E640] =	vst v63  }
0xaa: {  	_ =	swait.ge @!p1 [sflag:s12], $0x1F40  }
0xab: {  	[sflag:s12] =	ssyncset.done @!p1 $0x0  }
0xac: {  	s5 =	sadd.s32 $0x300, s10;
	s4 =	rddreg [dreg:$0x5];
	[sflag:s12] =	ssyncadd.s32 @!p1 $0xFFFFE0C0  }
0xad: {  	[tilespmem:s4], [sflag:$0x7] =	stream.indirect.gather [hbm4b:s1+s17], $0x40, s5, s17, $0xb8;
	[tilespmem:$0x1E640] =	vst v63  }
0xae: {  	_ =	swait.ge [sflag:s29], $0x1F40  }
0xaf: {  	[sflag:s29] =	ssyncset.done $0x0  }
0xb0: {  	s6 =	sadd.s32 $0x2900, s10;
	s12 =	simm.s32 @!p1 $0x10;
	[sflag:s29] =	ssyncadd.s32 $0xFFFFE0C0  }
0xb1: {  	[spmem:s3] =	stream.indirect.scatter.add.f32 [tilespmem:s21], [sflag:$0xB], $0x40, s6, s17, $0xb8;
	[tilespmem:$0x1E640] =	vst v63  }
0xb2: {  	_ =	swait.ge @!p1 [sflag:s12], $0x1F40  }
0xb3: {  	[sflag:s12] =	ssyncset.done @!p1 $0x0  }
0xb4: {  	s7 =	sadd.s32 $0x380, s10;
	[sflag:s12] =	ssyncadd.s32 @!p1 $0xFFFFE0C0  }
0xb5: {  	[tilespmem:s30], [sflag:$0x8] =	stream.indirect.gather [hbm4b:s1+s17], $0x40, s7, s17, $0xb8;
	[tilespmem:$0x1E640] =	vst v63  }
0xb6: {  	_ =	swait.ge [sflag:s31], $0x1F40  }
0xb7: {  	[sflag:s31] =	ssyncset.done $0x0  }
0xb8: {  	s12 =	sadd.s32 $0x2980, s10;
	[sflag:s31] =	ssyncadd.s32 $0xFFFFE0C0  }
0xb9: {  	[spmem:s3] =	stream.indirect.scatter.add.f32 [tilespmem:s23], [sflag:$0xC], $0x40, s12, s17, $0xb8;
	[tilespmem:$0x1E640] =	vst v63  }
0xba: {  	_ =	swait.ge [sflag:s2], $0x1F40  }
0xbb: {  	p1 =	seq.s32 s8, $0x9000;
	[sflag:s2] =	ssyncset.done $0x0  }
0xbc: {  	s0 =	simm.s32 @p1 $0x5;
	[sflag:s2] =	ssyncadd.s32 $0xFFFFE0C0  }
0xbd: {  	s4 =	simm.s32 @p1 $0xA;
	_ =	swait.ge @p1 [sflag:s0], $0x1F40  }
0xbe: {  	s22 =	simm.s32 @p1 $0x7D;
	s12 =	sshra.s32 @p1 s8, $0x2;
	[sflag:s0] =	ssyncset.done @p1 $0x0  }
0xbf: {  	s24 =	sadd.s32 @p1 $0x2A00, s12;
	[sflag:s0] =	ssyncadd.s32 @p1 $0xFFFFE0C0;
	s0 =	simm.s32 @p1 $0xCD00  }
0xc0: {  	[spmem:s3] =	stream.indirect.scatter.add.f32 @p1 [tilespmem:s0], [sflag:$0xD], $0x40, s24, s22, $0xb8;
	[tilespmem:$0x1E640] =	vst v63  }
0xc1: {  	s6 =	simm.s32 @!p1 $0x5;
	s8 =	sshra.s32 @!p1 s8, $0x2;
	_ =	swait.ge @p1 [sflag:s4], $0x1F40  }
0xc2: {  	s5 =	sadd.s32 @!p1 $0x400, s8;
	s16 =	sadd.s32 @p1 $0x2B00, s12;
	[sflag:s4] =	ssyncset.done @p1 $0x0  }
0xc3: {  	s12 =	simm.s32 @!p1 $0x7D;
	s0 =	simm.s32 @!p1 $0x5000;
	[sflag:s4] =	ssyncadd.s32 @p1 $0xFFFFE0C0  }
0xc4: {  	[tilespmem:s0], [sflag:$0x1] =	stream.indirect.gather @!p1 [hbm4b:s1+s12], $0x40, s5, s12, $0xb8;
	[tilespmem:$0x1E640] =	vst v63  }
0xc5: {  	_ =	swait.ge @!p1 [sflag:s6], $0x1F40  }
0xc6: {  	s7 =	sadd.s32 @!p1 $0x2A00, s8;
	[sflag:s6] =	ssyncset.done @!p1 $0x0  }
0xc7: {  	s5 =	simm.s32 @!p1 $0xCD00;
	[sflag:s6] =	ssyncadd.s32 @!p1 $0xFFFFE0C0;
	s6 =	simm.s32 @!p1 $0xA  }
0xc8: {  	[spmem:s3] =	stream.indirect.scatter.add.f32 @!p1 [tilespmem:s5], [sflag:$0xD], $0x40, s7, s12, $0xb8;
	[tilespmem:$0x1E640] =	vst v63  }
0xc9: {  	_ =	swait.ge @!p1 [sflag:s6], $0x1F40  }
0xca: {  	[sflag:s6] =	ssyncset.done @!p1 $0x0  }
0xcb: {  	s13 =	sadd.s32 @!p1 $0x480, s8;
	s5 =	simm.s32 @!p1 $0x6F40;
	[sflag:s6] =	ssyncadd.s32 @!p1 $0xFFFFE0C0  }
0xcc: {  	[tilespmem:s5], [sflag:$0x2] =	stream.indirect.gather @!p1 [hbm4b:s1+s12], $0x40, s13, s12, $0xb8;
	[tilespmem:$0x1E640] =	vst v63  }
0xcd: {  	_ =	swait.ge [sflag:s14], $0x1F40  }
0xce: {  	[sflag:s14] =	ssyncset.done $0x0  }
0xcf: {  	s13 =	sadd.s32 $0x2A80, s10;
	[sflag:s14] =	ssyncadd.s32 $0xFFFFE0C0  }
0xd0: {  	[spmem:s3] =	stream.indirect.scatter.add.f32 [tilespmem:s26], [sflag:$0xE], $0x40, s13, s17, $0xb8;
	[tilespmem:$0x1E640] =	vst v63  }
0xd1: {  	_ =	swait.ge [sflag:s18], $0x1F40  }
0xd2: {  	[sflag:s18] =	ssyncset.done $0x0  }
0xd3: {  	s5 =	simm.s32 @p1 $0x7;
	[sflag:s18] =	ssyncadd.s32 $0xFFFFE0C0  }
0xd4: {  	_ =	swait.ge @p1 [sflag:s5], $0x1F40  }
0xd5: {  	[sflag:s5] =	ssyncset.done @p1 $0x0  }
0xd6: {  	s6 =	simm.s32 @p1 $0xC;
	[sflag:s5] =	ssyncadd.s32 @p1 $0xFFFFE0C0;
	s5 =	simm.s32 @p1 $0x10B80  }
0xd7: {  	[spmem:s3] =	stream.indirect.scatter.add.f32 @p1 [tilespmem:s5], [sflag:$0xF], $0x40, s16, s22, $0xb8;
	[tilespmem:$0x1E640] =	vst v63  }
0xd8: {  	_ =	swait.ge @p1 [sflag:s6], $0x1F40  }
0xd9: {  	s4 =	sadd.s32 @!p1 $0x500, s8;
	[sflag:s6] =	ssyncset.done @p1 $0x0  }
0xda: {  	s5 =	simm.s32 @!p1 $0x8E80;
	[sflag:s6] =	ssyncadd.s32 @p1 $0xFFFFE0C0;
	s6 =	simm.s32 @!p1 $0x7  }
0xdb: {  	[tilespmem:s5], [sflag:$0x3] =	stream.indirect.gather @!p1 [hbm4b:s1+s12], $0x40, s4, s12, $0xb8;
	[tilespmem:$0x1E640] =	vst v63  }
0xdc: {  	s11 =	smov.u32 s9;
	_ =	swait.ge @!p1 [sflag:s6], $0x1F40  }
0xdd: {  	s9 =	sadd.s32 $0x1000, s9;
	s0 =	sadd.s32 @!p1 $0x2B00, s8;
	[sflag:s6] =	ssyncset.done @!p1 $0x0  }
0xde: {  	s4 =	simm.s32 @!p1 $0x10B80;
	s5 =	simm.s32 @!p1 $0xC;
	[sflag:s6] =	ssyncadd.s32 @!p1 $0xFFFFE0C0  }
0xdf: {  	[spmem:s3] =	stream.indirect.scatter.add.f32 @!p1 [tilespmem:s4], [sflag:$0xF], $0x40, s0, s12, $0xb8;
	[tilespmem:$0x1E640] =	vst v63  }
0xe0: {  	p0 =	sne.s32 s9, $0xA000;
	_ =	swait.ge @!p1 [sflag:s5], $0x1F40  }
.Ltmp1:
0xe1: {  	[sflag:s5] =	ssyncset.done @!p1 $0x0;
	(pc) =	sbr.rel @p0 .LBB2_4-.Ltmp1, $4  }
0xe2: {  	s24 =	sadd.s32 @!p1 $0x580, s8;
	s0 =	simm.s32 @!p1 $0xADC0;
	[sflag:s5] =	ssyncadd.s32 @!p1 $0xFFFFE0C0  }
0xe3: {  	[tilespmem:s0], [sflag:$0x4] =	stream.indirect.gather @!p1 [hbm4b:s1+s12], $0x40, s24, s12, $0xb8;
	[tilespmem:$0x1E640] =	vst v63  }
0xe4: {  	s8 =	smov.u32 s11;
	_ =	swait.ge [sflag:s20], $0x1F40  }
0xe5: {  	p1 =	seq.s32 s8, $0x0;
	s0 =	sadd.s32 $0x2B80, s10;
	[sflag:s20] =	ssyncset.done $0x0  }
0xe6: {  	s4 =	simm.s32 @!p1 $0xD;
	[sflag:s20] =	ssyncadd.s32 $0xFFFFE0C0  }
0xe7: {  	[spmem:s3] =	stream.indirect.scatter.add.f32 [tilespmem:s30], [sflag:$0x10], $0x40, s0, s17, $0xb8;
	[tilespmem:$0x1E640] =	vst v63  }
0xe8: {  	_ =	swait.ge @!p1 [sflag:s4], $0x1F40  }
0xe9: {  	s9 =	sshra.s32 s8, $0x2;
	[sflag:s4] =	ssyncset.done @!p1 $0x0  }
0xea: {  	s5 =	sadd.s32 $0x200, s9;
	s24 =	rddreg [dreg:$0x4];
	[sflag:s4] =	ssyncadd.s32 @!p1 $0xFFFFE0C0  }
0xeb: {  	[tilespmem:s24], [sflag:$0x5] =	stream.indirect.gather [hbm4b:s1+s17], $0x40, s5, s17, $0xb8;
	[tilespmem:$0x1E640] =	vst v63  }
0xec: {  	_ =	swait.ge [sflag:s25], $0x1F40  }
0xed: {  	[sflag:s25] =	ssyncset.done $0x0  }
0xee: {  	s6 =	sadd.s32 $0x2800, s9;
	s4 =	simm.s32 @!p1 $0xE;
	[sflag:s25] =	ssyncadd.s32 $0xFFFFE0C0  }
0xef: {  	[spmem:s3] =	stream.indirect.scatter.add.f32 [tilespmem:s15], [sflag:$0x9], $0x40, s6, s17, $0xb8;
	[tilespmem:$0x1E640] =	vst v63  }
0xf0: {  	_ =	swait.ge @!p1 [sflag:s4], $0x1F40  }
0xf1: {  	[sflag:s4] =	ssyncset.done @!p1 $0x0  }
0xf2: {  	s7 =	sadd.s32 $0x280, s9;
	[sflag:s4] =	ssyncadd.s32 @!p1 $0xFFFFE0C0  }
0xf3: {  	[tilespmem:s26], [sflag:$0x6] =	stream.indirect.gather [hbm4b:s1+s17], $0x40, s7, s17, $0xb8;
	[tilespmem:$0x1E640] =	vst v63  }
0xf4: {  	_ =	swait.ge [sflag:s28], $0x1F40  }
0xf5: {  	[sflag:s28] =	ssyncset.done $0x0  }
0xf6: {  	s10 =	sadd.s32 $0x2880, s9;
	s4 =	simm.s32 @!p1 $0xF;
	[sflag:s28] =	ssyncadd.s32 $0xFFFFE0C0  }
0xf7: {  	[spmem:s3] =	stream.indirect.scatter.add.f32 [tilespmem:s19], [sflag:$0xA], $0x40, s10, s17, $0xb8;
	[tilespmem:$0x1E640] =	vst v63  }
0xf8: {  	_ =	swait.ge @!p1 [sflag:s4], $0x1F40  }
0xf9: {  	[sflag:s4] =	ssyncset.done @!p1 $0x0  }
0xfa: {  	s12 =	sadd.s32 $0x300, s9;
	s11 =	rddreg [dreg:$0x5];
	[sflag:s4] =	ssyncadd.s32 @!p1 $0xFFFFE0C0  }
0xfb: {  	[tilespmem:s11], [sflag:$0x7] =	stream.indirect.gather [hbm4b:s1+s17], $0x40, s12, s17, $0xb8;
	[tilespmem:$0x1E640] =	vst v63  }
0xfc: {  	_ =	swait.ge [sflag:s29], $0x1F40  }
0xfd: {  	[sflag:s29] =	ssyncset.done $0x0  }
0xfe: {  	s13 =	sadd.s32 $0x2900, s9;
	s4 =	simm.s32 @!p1 $0x10;
	[sflag:s29] =	ssyncadd.s32 $0xFFFFE0C0  }
0xff: {  	[spmem:s3] =	stream.indirect.scatter.add.f32 [tilespmem:s21], [sflag:$0xB], $0x40, s13, s17, $0xb8;
	[tilespmem:$0x1E640] =	vst v63  }
0x100: {  	_ =	swait.ge @!p1 [sflag:s4], $0x1F40  }
0x101: {  	[sflag:s4] =	ssyncset.done @!p1 $0x0  }
0x102: {  	s16 =	sadd.s32 $0x380, s9;
	[sflag:s4] =	ssyncadd.s32 @!p1 $0xFFFFE0C0  }
0x103: {  	[tilespmem:s30], [sflag:$0x8] =	stream.indirect.gather [hbm4b:s1+s17], $0x40, s16, s17, $0xb8;
	[tilespmem:$0x1E640] =	vst v63  }
0x104: {  	_ =	swait.ge [sflag:s31], $0x1F40  }
0x105: {  	[sflag:s31] =	ssyncset.done $0x0  }
0x106: {  	s22 =	sadd.s32 $0x2980, s9;
	[sflag:s31] =	ssyncadd.s32 $0xFFFFE0C0  }
0x107: {  	[spmem:s3] =	stream.indirect.scatter.add.f32 [tilespmem:s23], [sflag:$0xC], $0x40, s22, s17, $0xb8;
	[tilespmem:$0x1E640] =	vst v63  }
0x108: {  	_ =	swait.ge [sflag:s2], $0x1F40  }
0x109: {  	p0 =	seq.s32 s8, $0x9000;
	[sflag:s2] =	ssyncset.done $0x0  }
0x10a: {  	s0 =	simm.s32 @p0 $0x5;
	[sflag:s2] =	ssyncadd.s32 $0xFFFFE0C0  }
0x10b: {  	s6 =	simm.s32 @p0 $0xA;
	_ =	swait.ge @p0 [sflag:s0], $0x1F40  }
0x10c: {  	s7 =	simm.s32 @p0 $0xCD00;
	s4 =	sshra.s32 @p0 s8, $0x2;
	[sflag:s0] =	ssyncset.done @p0 $0x0  }
0x10d: {  	s5 =	sadd.s32 @p0 $0x2A00, s4;
	[sflag:s0] =	ssyncadd.s32 @p0 $0xFFFFE0C0;
	s0 =	simm.s32 @p0 $0x7D  }
0x10e: {  	[spmem:s3] =	stream.indirect.scatter.add.f32 @p0 [tilespmem:s7], [sflag:$0xD], $0x40, s5, s0, $0xb8;
	[tilespmem:$0x1E640] =	vst v63  }
0x10f: {  	_ =	swait.ge @p0 [sflag:s6], $0x1F40  }
0x110: {  	s5 =	sshra.s32 @!p0 s8, $0x2;
	s8 =	simm.s32 @!p0 $0x5000;
	[sflag:s6] =	ssyncset.done @p0 $0x0  }
0x111: {  	s7 =	sadd.s32 @!p0 $0x400, s5;
	[sflag:s6] =	ssyncadd.s32 @p0 $0xFFFFE0C0;
	s6 =	simm.s32 @!p0 $0x7D  }
0x112: {  	[tilespmem:s8], [sflag:$0x1] =	stream.indirect.gather @!p0 [hbm4b:s1+s6], $0x40, s7, s6, $0xb8;
	[tilespmem:$0x1E640] =	vst v63  }
0x113: {  	s7 =	simm.s32 @!p0 $0x5  }
0x114: {  	_ =	swait.ge @!p0 [sflag:s7], $0x1F40  }
0x115: {  	[sflag:s7] =	ssyncset.done @!p0 $0x0  }
0x116: {  	s8 =	sadd.s32 @!p0 $0x2A00, s5;
	[sflag:s7] =	ssyncadd.s32 @!p0 $0xFFFFE0C0;
	s7 =	simm.s32 @!p0 $0xCD00  }
0x117: {  	[spmem:s3] =	stream.indirect.scatter.add.f32 @!p0 [tilespmem:s7], [sflag:$0xD], $0x40, s8, s6, $0xb8;
	[tilespmem:$0x1E640] =	vst v63  }
0x118: {  	s7 =	simm.s32 @!p0 $0xA  }
0x119: {  	_ =	swait.ge @!p0 [sflag:s7], $0x1F40  }
0x11a: {  	[sflag:s7] =	ssyncset.done @!p0 $0x0  }
0x11b: {  	s8 =	sadd.s32 @!p0 $0x480, s5;
	[sflag:s7] =	ssyncadd.s32 @!p0 $0xFFFFE0C0;
	s7 =	simm.s32 @!p0 $0x6F40  }
0x11c: {  	[tilespmem:s7], [sflag:$0x2] =	stream.indirect.gather @!p0 [hbm4b:s1+s6], $0x40, s8, s6, $0xb8;
	[tilespmem:$0x1E640] =	vst v63  }
0x11d: {  	_ =	swait.ge [sflag:s14], $0x1F40  }
0x11e: {  	[sflag:s14] =	ssyncset.done $0x0  }
0x11f: {  	s24 =	sadd.s32 $0x2A80, s9;
	[sflag:s14] =	ssyncadd.s32 $0xFFFFE0C0  }
0x120: {  	[spmem:s3] =	stream.indirect.scatter.add.f32 [tilespmem:s26], [sflag:$0xE], $0x40, s24, s17, $0xb8;
	[tilespmem:$0x1E640] =	vst v63  }
0x121: {  	_ =	swait.ge [sflag:s18], $0x1F40  }
0x122: {  	[sflag:s18] =	ssyncset.done $0x0  }
0x123: {  	s7 =	simm.s32 @p0 $0x7;
	[sflag:s18] =	ssyncadd.s32 $0xFFFFE0C0  }
0x124: {  	_ =	swait.ge @p0 [sflag:s7], $0x1F40  }
0x125: {  	[sflag:s7] =	ssyncset.done @p0 $0x0  }
0x126: {  	s4 =	sadd.s32 @p0 $0x2B00, s4;
	[sflag:s7] =	ssyncadd.s32 @p0 $0xFFFFE0C0;
	s7 =	simm.s32 @p0 $0x10B80  }
0x127: {  	[spmem:s3] =	stream.indirect.scatter.add.f32 @p0 [tilespmem:s7], [sflag:$0xF], $0x40, s4, s0, $0xb8;
	[tilespmem:$0x1E640] =	vst v63  }
0x128: {  	s0 =	simm.s32 @p0 $0xC  }
0x129: {  	_ =	swait.ge @p0 [sflag:s0], $0x1F40  }
0x12a: {  	[sflag:s0] =	ssyncset.done @p0 $0x0  }
0x12b: {  	s4 =	sadd.s32 @!p0 $0x500, s5;
	[sflag:s0] =	ssyncadd.s32 @p0 $0xFFFFE0C0;
	s0 =	simm.s32 @!p0 $0x8E80  }
0x12c: {  	[tilespmem:s0], [sflag:$0x3] =	stream.indirect.gather @!p0 [hbm4b:s1+s6], $0x40, s4, s6, $0xb8;
	[tilespmem:$0x1E640] =	vst v63  }
0x12d: {  	s0 =	simm.s32 @!p0 $0x7  }
0x12e: {  	_ =	swait.ge @!p0 [sflag:s0], $0x1F40  }
0x12f: {  	[sflag:s0] =	ssyncset.done @!p0 $0x0  }
0x130: {  	s4 =	sadd.s32 @!p0 $0x2B00, s5;
	[sflag:s0] =	ssyncadd.s32 @!p0 $0xFFFFE0C0;
	s0 =	simm.s32 @!p0 $0x10B80  }
0x131: {  	[spmem:s3] =	stream.indirect.scatter.add.f32 @!p0 [tilespmem:s0], [sflag:$0xF], $0x40, s4, s6, $0xb8;
	[tilespmem:$0x1E640] =	vst v63  }
0x132: {  	s0 =	simm.s32 @!p0 $0xC  }
0x133: {  	_ =	swait.ge @!p0 [sflag:s0], $0x1F40  }
0x134: {  	[sflag:s0] =	ssyncset.done @!p0 $0x0  }
0x135: {  	s4 =	sadd.s32 @!p0 $0x580, s5;
	[sflag:s0] =	ssyncadd.s32 @!p0 $0xFFFFE0C0;
	s0 =	simm.s32 @!p0 $0xADC0  }
0x136: {  	[tilespmem:s0], [sflag:$0x4] =	stream.indirect.gather @!p0 [hbm4b:s1+s6], $0x40, s4, s6, $0xb8;
	[tilespmem:$0x1E640] =	vst v63  }
0x137: {  	_ =	swait.ge [sflag:s20], $0x1F40  }
0x138: {  	[sflag:s20] =	ssyncset.done $0x0  }
0x139: {  	s8 =	simm.s32 $0xD;
	s7 =	sadd.s32 $0x2B80, s9;
	[sflag:s20] =	ssyncadd.s32 $0xFFFFE0C0  }
0x13a: {  	[spmem:s3] =	stream.indirect.scatter.add.f32 [tilespmem:s30], [sflag:$0x10], $0x40, s7, s17, $0xb8;
	[tilespmem:$0x1E640] =	vst v63  }
0x13b: {  	_ =	swait.ge [sflag:s8], $0x1F40  }
0x13c: {  	[sflag:s8] =	ssyncset.done $0x0  }
0x13d: {  	s9 =	simm.s32 $0xE;
	[sflag:s8] =	ssyncadd.s32 $0xFFFFE0C0  }
0x13e: {  	_ =	swait.ge [sflag:s9], $0x1F40  }
0x13f: {  	[sflag:s9] =	ssyncset.done $0x0  }
0x140: {  	s10 =	simm.s32 $0xF;
	[sflag:s9] =	ssyncadd.s32 $0xFFFFE0C0  }
0x141: {  	_ =	swait.ge [sflag:s10], $0x1F40  }
0x142: {  	[sflag:s10] =	ssyncset.done $0x0  }
0x143: {  	s11 =	simm.s32 $0x10;
	[sflag:s10] =	ssyncadd.s32 $0xFFFFE0C0  }
0x144: {  	_ =	swait.ge [sflag:s11], $0x1F40  }
0x145: {  	[sflag:s11] =	ssyncset.done $0x0  }
0x146: {  	s12 =	stileid.u32;
	[sflag:s11] =	ssyncadd.s32 $0xFFFFE0C0  }
0x147: {  	s0 =	sshll.u32 s12, $0x6;
	[bflag:$0x0] =	sbarrier.arrive $0xFFFF  }
0x148: {  	s0 =	sor.u32 $0x1C12, s0;
	s6 =	rddreg [dreg:$0x8]  }
0x149: {  	s10 =	simm.s32 $0x12;
	s16 =	rddreg [dreg:$0xe];
	s13 =	sshrl.u32 s6, $0x3  }
0x14a: {  	[hbm:s16], [sflag:s0] =	dma.local [spmem:s13], $0x1388  }
0x14b: {  	_ =	swait.ge [sflag:s10], $0x1388  }
0x14c: {  	s22 =	rddreg [dreg:$0xf]  }
0x14d: {  	s24 =	rddreg [dreg:$0xd];
	s4 =	sadd.s32 $0x1, s22  }
0x14e: {  	p0 =	sne.s32 s4, s24  }
.Ltmp2:
0x14f: {  	_ = 	snop;
	(pc) =	sbr.rel @p0 .LBB2_1-.Ltmp2, $3  }
0x150: {  	_ =	sdelay $0x1  }
0x151: {  	[sflag:s10] =	ssyncset.done $0x0  }
0x152: {  	[sflag:s10] =	ssyncadd.s32 $0xFFFFEC78  }
0x153: {  	_ =	sfence.sel $0x180000  }
0x154: {  	[bflag:$0x0] =	sbarrier.arrive $0xFFFF  }
0x155: {  	_ =	strace $0x9000004A  }
0x156: {  	s0 =	stileid.u32;
	[bflag:$0x2] =	sbarrier.arrive $0xFFFF  }
0x157: {  	p0 =	sne.s32 s0, $0x0;
	s0 =	rddreg [dreg:$0x3]  }
0x158: {  	s0 =	sadd.s32 @!p0 $0x100000, s0  }
0x159: {  	[sflag:s0] =	ssyncadd.tile.s32 @!p0 $0x1;
	_ =	shalt  }
.Lfunc_end2:
_tile_overlayer_lowered:
.L_overlay_start_2:
0x15a: {  	(tag) =	ssettag $0x2  }
0x15b: {  	s0 =	rddreg [dreg:$0x0];
	s2 =	stileid.u32  }
0x15c: {  	s1 =	rddreg [dreg:$0x1];
	p0 =	sne.s32 s2, $0x0  }
0x15d: {  	s3 =	rddreg [dreg:$0x2];
	[bflag:$0x3] =	sbarrier.arrive $0xFFFF;
	s2 =	simm.s32 @!p0 $0x1C12  }
0x15e: {  	[timem:s3], [sflag:s2] =	dma.local @!p0 [hbm:s0], s1  }
0x15f: {  	s0 =	simm.s32 @!p0 $0x12  }
0x160: {  	_ =	swait.ge @!p0 [sflag:s0], s1  }
0x161: {  	s1 =	ssub.s32 @!p0 $0x0, s1;
	[sflag:s0] =	ssyncset.done @!p0 $0x0  }
0x162: {  	[sflag:s0] =	ssyncadd.s32 @!p0 s1  }
0x163: {  	[bflag:$0x3] =	sbarrier.arrive $0xFFFF  }
0x164: {  	_ =	shalt  }

// kernel: _pipeline.9.cloned.1.call-start
scs
__scs_entry_jumppad:
0x0: {  	(pc) =	sbr.rel $0x88, $3  }
0x1: {  	(tag) =	ssettag $0x0;
	lr =	simm.s32 $0x1  }
0x2: {  	[smem:$0x3F92] =	sst lr;
	_ =	strace $0xD0000000  }
0x3: {  	_ = 	snop  }
0x4: {  	_ = 	snop  }
0x5: {  	_ = 	snop  }
0x6: {  	_ = 	snop  }
0x7: {  	_ = 	snop  }
__scs_overlays_trampoline_lowered:
0x8: {  	[smem:$0x3FA1] =	sst s0  }
0x9: {  	[smem:$0x3FA2] =	sst s1  }
0xa: {  	[smem:$0x3FA3] =	sst s2  }
0xb: {  	[smem:$0x3FA4] =	sst s3  }
0xc: {  	[smem:$0x3FA5] =	sst s4  }
0xd: {  	[smem:$0x3FA6] =	sst s5  }
0xe: {  	[smem:$0x3FA7] =	sst s6  }
0xf: {  	[smem:$0x3FA8] =	sst s7  }
0x10: {  	[smem:$0x3FA9] =	sst s8  }
0x11: {  	[smem:$0x3FAA] =	sst s9;
	s0 =	simm.s32 @!p0 $0x0  }
0x12: {  	s1 =	sld [smem:$0x3F90];
	s0 =	simm.s32 @p0 $0x1  }
0x13: {  	[smem:$0x3FAB] =	sst s0;
	s0 =	simm.s32 @!p1 $0x0  }
0x14: {  	s2 =	sld [smem:$0x3F8F];
	s0 =	simm.s32 @p1 $0x1  }
0x15: {  	[smem:$0x3FAC] =	sst s0;
	s0 =	simm.s32 @!p2 $0x0  }
0x16: {  	s3 =	sld [smem:$0x3FDB];
	s0 =	simm.s32 @p2 $0x1  }
0x17: {  	s4 =	simm.s32 $0x1BF5;
	[smem:$0x3FAE] =	sst s0  }
0x18: {  	s0 =	sld [smem:$0x3F91];
	_ =	swait.ge [sflag:s4], $0x0  }
0x19: {  	s7 =	sld [smem:$0x3F92]  }
0x1a: {  	s8 =	sadd.s32 $0xFFFFE003, lr  }
0x1b: {  	s9 =	sadd.s32 $0xFFFFFEF7, lr;
	s5 =	simm.s32 $0xFFFFFFFF;
	p2 =	slt.u32 s8, $0xFFFFF086  }
0x1c: {  	p1 =	slt.u32 s9, $0xF7A;
	s5 =	simm.s32 @!p2 $0x0  }
0x1d: {  	s5 =	simm.s32 @p1 $0x1;
	p0 =	seq.s32 s7, s2  }
0x1e: {  	s7 =	smul.u32 @!p0 $0xF7A, s2;
	p2 =	seq.s32 @!p0 s5, $0x0  }
0x1f: {  	s9 =	smul.u32 $0xF7A, s1;
	s8 =	simm.s32 @!p0 $0x1BF5;
	p2 =	por !p2, p0  }
0x20: {  	[sflag:s8] =	ssyncset.s32 @!p0 $0xFFFFF086;
	s6 =	sadd.s32 @!p0 s3, s7;
	s7 =	simm.s32 @!p0 $0x108  }
0x21: {  	s3 =	sadd.s32 s3, s9;
	s6 =	sadd.s32 @!p0 $0x88, s6;
	s7 =	simm.s32 @p2 $0x1082  }
0x22: {  	[simem:s7], [sflag:s8] =	dma.local @!p0 [hbm:s6], $0xF7A  }
0x23: {  	s9 =	sor.u32 $0xD0000000, s2;
	s6 =	simm.s32 $0x108;
	_ =	swait.ge @!p0 [sflag:s8], $0x0  }
0x24: {  	s3 =	sadd.s32 $0x88, s3;
	s6 =	simm.s32 @!p1 $0x1082;
	[sflag:s4] =	ssyncset.s32 $0xFFFFF086  }
0x25: {  	[simem:s6], [sflag:s4] =	dma.local [hbm:s3], $0xF7A  }
0x26: {  	[smem:$0x3F92] =	sst s1;
	(tag) =	ssettag s2;
	_ =	strace s9  }
0x27: {  	s1 =	sld [smem:$0x3FA2]  }
0x28: {  	s2 =	sld [smem:$0x3FA3]  }
0x29: {  	s4 =	sld [smem:$0x3FA5]  }
0x2a: {  	p0 =	seq.s32 s5, $0x0;
	s5 =	sld [smem:$0x3FA6]  }
0x2b: {  	s6 =	sld [smem:$0x3FA7]  }
0x2c: {  	s7 =	sld [smem:$0x3FA8]  }
0x2d: {  	s3 =	simm.s32 $0x108;
	s8 =	sld [smem:$0x3FA9]  }
0x2e: {  	s3 =	simm.s32 @!p0 $0x1082;
	s9 =	sld [smem:$0x3FAA]  }
0x2f: {  	lr =	sadd.s32 s0, s3;
	s0 =	sld [smem:$0x3FA1]  }
0x30: {  	s3 =	sld [smem:$0x3FA4]  }
0x31: {  	[smem:$0x3FAD] =	sst s10  }
0x32: {  	s10 =	sld [smem:$0x3FAB];
	_ =	sdelay $0x3  }
0x33: {  	p0 =	seq.s32 s10, $0x1;
	s10 =	sld [smem:$0x3FAD];
	_ =	sdelay $0x3  }
0x34: {  	[smem:$0x3FAD] =	sst s10  }
0x35: {  	s10 =	sld [smem:$0x3FAC];
	_ =	sdelay $0x3  }
0x36: {  	p1 =	seq.s32 s10, $0x1;
	s10 =	sld [smem:$0x3FAD];
	_ =	sdelay $0x3  }
0x37: {  	[smem:$0x3FAD] =	sst s10  }
0x38: {  	s10 =	sld [smem:$0x3FAE]  }
0x39: {  	_ = 	snop;
	(pc) =	sbr.ind lr, $3  }
0x3a: {  	_ = 	snop  }
0x3b: {  	_ = 	snop  }
0x3c: {  	p2 =	seq.s32 s10, $0x1;
	s10 =	sld [smem:$0x3FAD]  }
0x3d: {  	_ =	shalt  }
0x3e: {  	_ =	shalt  }
0x3f: {  	_ =	shalt  }
0x40: {  	_ =	shalt  }
0x41: {  	_ =	shalt  }
0x42: {  	_ =	shalt  }
0x43: {  	_ =	shalt  }
0x44: {  	_ =	shalt  }
0x45: {  	_ =	shalt  }
0x46: {  	_ =	shalt  }
0x47: {  	_ =	shalt  }
0x48: {  	_ =	shalt  }
0x49: {  	_ =	shalt  }
0x4a: {  	_ =	shalt  }
0x4b: {  	_ =	shalt  }
0x4c: {  	_ =	shalt  }
0x4d: {  	_ =	shalt  }
0x4e: {  	_ =	shalt  }
0x4f: {  	_ =	shalt  }
0x50: {  	_ =	shalt  }
0x51: {  	_ =	shalt  }
0x52: {  	_ =	shalt  }
0x53: {  	_ =	shalt  }
0x54: {  	_ =	shalt  }
0x55: {  	_ =	shalt  }
0x56: {  	_ =	shalt  }
0x57: {  	_ =	shalt  }
0x58: {  	_ =	shalt  }
0x59: {  	_ =	shalt  }
0x5a: {  	_ =	shalt  }
0x5b: {  	_ =	shalt  }
0x5c: {  	_ =	shalt  }
0x5d: {  	_ =	shalt  }
0x5e: {  	_ =	shalt  }
0x5f: {  	_ =	shalt  }
0x60: {  	_ =	shalt  }
0x61: {  	_ =	shalt  }
0x62: {  	_ =	shalt  }
0x63: {  	_ =	shalt  }
0x64: {  	_ =	shalt  }
0x65: {  	_ =	shalt  }
0x66: {  	_ =	shalt  }
0x67: {  	_ =	shalt  }
0x68: {  	_ =	shalt  }
0x69: {  	_ =	shalt  }
0x6a: {  	_ =	shalt  }
0x6b: {  	_ =	shalt  }
0x6c: {  	_ =	shalt  }
0x6d: {  	_ =	shalt  }
0x6e: {  	_ =	shalt  }
0x6f: {  	_ =	shalt  }
0x70: {  	_ =	shalt  }
0x71: {  	_ =	shalt  }
0x72: {  	_ =	shalt  }
0x73: {  	_ =	shalt  }
0x74: {  	_ =	shalt  }
0x75: {  	_ =	shalt  }
0x76: {  	_ =	shalt  }
0x77: {  	_ =	shalt  }
0x78: {  	_ =	shalt  }
0x79: {  	_ =	shalt  }
0x7a: {  	_ =	shalt  }
0x7b: {  	_ =	shalt  }
0x7c: {  	_ =	shalt  }
0x7d: {  	_ =	shalt  }
0x7e: {  	_ =	shalt  }
0x7f: {  	_ =	shalt  }
0x80: {  	_ =	shalt  }
0x81: {  	_ =	shalt  }
0x82: {  	_ =	shalt  }
0x83: {  	_ =	shalt  }
0x84: {  	_ =	shalt  }
0x85: {  	_ =	shalt  }
0x86: {  	_ =	shalt  }
0x87: {  	_ =	shalt  }
.Lfunc_end0:
.L_simem_size_0:
called_computation_lowered:
.L_overlay_start_0:
0x88: {  	s2 =	sld [smem:$0x3FD9]  }
0x89: {  	s3 =	sld [smem:$0x3FFE];
	_ =	sdelay $0x1  }
0x8a: {  	s1 =	srdreg.scid  }
0x8b: {  	s0 =	sand.u32 $0x1, s1  }
0x8c: {  	s17 =	sshll.u32 s0, $0xA;
	s2 =	sadd.s32 s3, s2  }
0x8d: {  	s2 =	sadd.s32 s2, s17  }
0x8e: {  	[smem:$0x3FB9] =	sst s2  }
0x8f: {  	_ = 	snop  }
0x90: {  	s2 =	sld [smem:$0x3FD0];
	(tm) =	ssettm $0x1  }
0x91: {  	s18 =	sld [smem:$0x3FFB];
	_ =	sdelay $0x3  }
0x92: {  	_ =	strace s18  }
0x93: {  	s3 =	sld [smem:$0x3FFC];
	_ =	sdelay $0x3  }
0x94: {  	_ =	strace s3  }
0x95: {  	s3 =	sld [smem:$0x3FFD];
	_ =	sdelay $0x3  }
0x96: {  	_ =	strace s3  }
0x97: {  	_ =	strace $0x8FFFFFFF  }
0x98: {  	s19 =	sld [smem:$0x3FDB];
	_ =	sdelay $0x1  }
0x99: {  	s4 =	simm.s32 $_scs_section_size  }
0x9a: {  	s5 =	simm.s32 $_size__tile_overlayer_lowered;
	s6 =	simm.s32 $_tile_overlayer_lowered  }
0x9b: {  	s22 =	simm.s32 $0x1BFF;
	s21 =	sshll.u32 s6, $0x1;
	s3 =	sadd.s32 s4, s19  }
0x9c: {  	s7 =	simm.s32 $0x0;
	s20 =	sshll.u32 s5, $0x1;
	s5 =	sadd.s32 s21, s3  }
0x9d: {  	[timem:s7], [sflag:s22] =	dma.local [hbm:s5], s20  }
0x9e: {  	_ =	swait.ge [sflag:s22], s20  }
0x9f: {  	s4 =	ssub.s32 $0x0, s20;
	[sflag:s22] =	ssyncset.done $0x0  }
0xa0: {  	[sflag:s22] =	ssyncadd.s32 s4;
	_ =	sdelay $0x1  }
0xa1: {  	s23 =	simm.s32 $0x1B8B  }
0xa2: {  	_ =	swait.ge [sflag:s23], $0x1  }
0xa3: {  	[sflag:s23] =	ssyncset.done $0x0  }
0xa4: {  	s25 =	simm.s32 $0x1B8E;
	s24 =	sld [smem:$0x3FFE];
	[sflag:s23] =	ssyncadd.s32 $0xFFFFFFFF  }
0xa5: {  	s26 =	simm.s32 $execute0_lowered;
	[smem:$0x3FD2] =	sst s25  }
0xa6: {  	s5 =	sshll.u32 s26, $0x1;
	_ =	strace $0x80000046;
	[dreg:$0x1] =	wrdreg $0xFFFFFFFF  }
0xa7: {  	s28 =	simm.s32 $_size_execute0_lowered;
	s3 =	sadd.s32 s3, s5;
	[dreg:$0x0] =	wrdreg $0x0  }
0xa8: {  	s5 =	sshll.u32 s28, $0x1;
	[dreg:$0x2] =	wrdreg s3  }
0xa9: {  	[dreg:$0x3] =	wrdreg s5  }
0xaa: {  	[dreg:$0x4] =	wrdreg $0xC0  }
0xab: {  	_ =	task [dreg:s7], $0x5FFFF  }
0xac: {  	[dreg:$0x1] =	wrdreg $0xFFFFFFFF  }
0xad: {  	[dreg:$0x0] =	wrdreg $0x60  }
0xae: {  	[dreg:$0x2] =	wrdreg s2  }
0xaf: {  	[dreg:$0x3] =	wrdreg s24  }
0xb0: {  	[dreg:$0x4] =	wrdreg $0x14A000  }
0xb1: {  	[dreg:$0x5] =	wrdreg $0x9  }
0xb2: {  	_ =	task.clear_ibuf [dreg:s7], $0x6FFFF;
	_ =	strace $0x90000046  }
0xb3: {  	s29 =	simm.s32 $0x9;
	_ =	strace $0x80000048  }
0xb4: {  	_ =	swait.ge [sflag:s29], $0x1  }
0xb5: {  	[sflag:s29] =	ssyncadd.s32 $0xFFFFFFFF  }
0xb6: {  	_ =	strace $0x90000048  }
0xb7: {  	_ =	sfence  }
0xb8: {  	s30 =	sld [smem:$0x0];
	_ =	sdelay $0x2  }
0xb9: {  	s31 =	sshll.u32 s1, $0xD;
	s1 =	sshrl.u32 s1, $0x2  }
0xba: {  	s3 =	sand.u32 $0x4000, s31;
	s1 =	sadd.s32 s1, s30  }
0xbb: {  	s0 =	sor.u32 s3, s0;
	s1 =	sshll.u32 s1, $0x11  }
0xbc: {  	s0 =	sor.u32 s1, s0  }
0xbd: {  	s0 =	sadd.s32 $0x8F2B, s0  }
0xbe: {  	[sflag:s0] =	ssyncadd.remote.s32 $0x1  }
0xbf: {  	_ =	sfence.sel $0xFFFF  }
0xc0: {  	[dreg:$0x0] =	wrdreg $0xFFFFFFFF;
	(pc) =	sbr.abs _section_cstart, $3  }
0xc1: {  	[dreg:$0x1] =	wrdreg $0xFFFFFFFF  }
0xc2: {  	_ =	task.clear_ibuf [dreg:s7], $0x2FFFF;
	_ =	strace $0x9FFFFFFF  }
0xc3: {  	(tm) =	ssettm $0x7FFFFFFF  }
tec
execute0_lowered:
.L_overlay_start_1:
0x0: {  	(tag) =	ssettag $0x1  }
0x1: {  	s1 =	rddreg [dreg:$0x0]  }
0x2: {  	s0 =	srdreg.scid;
	s2 =	rddreg [dreg:$0x1]  }
0x3: {  	s7 =	stileid.u32;
	s3 =	rddreg [dreg:$0x2];
	s5 =	simm.s32 $0x0  }
0x4: {  	s10 =	simm.s32 $0x12;
	s24 =	simm.s32 $0xCD00;
	s25 =	simm.s32 $0x10B80  }
0x5: {  	s23 =	simm.s32 $0xADC0;
	s28 =	simm.s32 $0x2;
	s29 =	simm.s32 $0x3  }
0x6: {  	s30 =	simm.s32 $0x12AC0;
	s31 =	simm.s32 $0x4;
	s6 =	smul.u32 $0x27100, s7  }
0x7: {  	s0 =	sand.u32 $0x1, s0;
	[smem:$0x7FF] =	sst s5;
	s16 =	smul.u32 $0x9C40, s7  }
0x8: {  	s4 =	sshll.u32 s0, $0x4;
	_ =	strace $0x80000047;
	[dreg:$0x4] =	wrdreg s24  }
0x9: {  	s14 =	smul.u32 $0x13880, s0;
	s0 =	ssub.s32 $0x2, s0;
	[dreg:$0x5] =	wrdreg s25  }
0xa: {  	s25 =	simm.s32 $0x1;
	s4 =	sor.u32 s7, s4;
	s6 =	sshrl.u32 s6, $0x2  }
0xb: {  	s15 =	sshrl.u32 s0, $0x1;
	s18 =	sadd.s32 s6, s3;
	s6 =	sadd.s32 s16, s3  }
0xc: {  	s22 =	sshrl.u32 s16, $0x3;
	s19 =	sadd.s32 $0x1F40, s18;
	[dreg:$0x8] =	wrdreg s6  }
0xd: {  	s4 =	smul.u32 $0x500, s4;
	s20 =	sadd.s32 $0x3E80, s18;
	[dreg:$0x9] =	wrdreg s19  }
0xe: {  	s0 =	ssub.s32 s0, s15;
	s21 =	sadd.s32 $0x5DC0, s18;
	[dreg:$0xa] =	wrdreg s20  }
0xf: {  	s15 =	simm.s32 $0x5000;
	s0 =	smax.u32 s0, $0x1;
	[dreg:$0xb] =	wrdreg s21  }
0x10: {  	s4 =	sadd.s32 s4, s2;
	s2 =	sadd.s32 s14, s2;
	[dreg:$0xd] =	wrdreg s0  }
0x11: {  	s19 =	simm.s32 $0x6F40;
	s21 =	simm.s32 $0x8E80;
	s17 =	sadd.s32 $0xD000, s4  }
0x12: {  	s14 =	simm.s32 $0x6;
	s4 =	sadd.s32 $0x3000, s4;
	[dreg:$0x6] =	wrdreg s17  }
0x13: {  	s20 =	simm.s32 $0x8;
	s2 =	sadd.s32 $0x17000, s2;
	[dreg:$0x7] =	wrdreg s4  }
0x14: {  	s4 =	sadd.s32 $0x7D00, s18;
	s17 =	simm.s32 $0x7D;
	s26 =	sadd.s32 s22, s2  }
0x15: {  	s2 =	simm.s32 $0x9;
	s18 =	simm.s32 $0xB;
	[dreg:$0xc] =	wrdreg s4  }
0x16: {  	v0 =	vimm.f32 $0.0e+00;
	[dreg:$0xe] =	wrdreg s26;
	s26 =	simm.s32 $0xEC40;
	s4 =	simm.s32 $0x0  }
.LBB2_1:
0x17: {  	[dreg:$0xf] =	wrdreg s4  }
0x18: {  	s0 =	simm.s32 $0x0;
	s22 =	rddreg [dreg:$0x6];
	s5 =	simm.s32 $0x11  }
0x19: {  	[tilespmem:s0], [sflag:$0x11] =	stream.linear.gather [hbm4b:s22+s0], $0x2800, $0x38;
	[tilespmem:$0x1E640] =	vst v63  }
0x1a: {  	_ =	swait.ge [sflag:s5], $0x2800  }
0x1b: {  	[sflag:s5] =	ssyncset.done $0x0  }
0x1c: {  	s7 =	simm.s32 $0x2800;
	s24 =	rddreg [dreg:$0x7];
	[sflag:s5] =	ssyncadd.s32 $0xFFFFD800  }
0x1d: {  	[tilespmem:s7], [sflag:$0x11] =	stream.linear.gather [hbm4b:s24+s0], $0x2800, $0x38;
	[tilespmem:$0x1E640] =	vst v63  }
0x1e: {  	_ =	swait.ge [sflag:s5], $0x2800  }
0x1f: {  	[sflag:s5] =	ssyncset.done $0x0  }
0x20: {  	s8 =	simm.s32 $0x100;
	s0 =	simm.s32 $0x0;
	[sflag:s5] =	ssyncadd.s32 $0xFFFFD800  }
.LBB2_2:
0x21: {  	p0 =	sne.s32 s8, $0x7C00;
	[tilespmem:s0+$0x5030] =	vst v0;
	s9 =	smov.u32 s8;
	s8 =	sadd.s32 $0x100, s8  }
.Ltmp0:
0x22: {  	[tilespmem:s0+$0x5020] =	vst v0;
	(pc) =	sbr.rel @p0 .LBB2_2-.Ltmp0, $3  }
0x23: {  	[tilespmem:s0+$0x5000] =	vst v0  }
0x24: {  	[tilespmem:s0+$0x5010] =	vst v0;
	_ =	sdelay $0x1  }
0x25: {  	s0 =	sshra.s32 s9, $0x2  }
0x26: {  	[tilespmem:s0+$0x5030] =	vst v0  }
0x27: {  	[tilespmem:s0+$0x5020] =	vst v0  }
0x28: {  	[tilespmem:s0+$0x5000] =	vst v0  }
0x29: {  	[tilespmem:s0+$0x5010] =	vst v0  }
0x2a: {  	[spmem:s6] =	stream.linear.scatter [tilespmem:s15], [sflag:$0x12], $0x1F40, $0x38;
	[tilespmem:$0x1E640] =	vst v63  }
0x2b: {  	_ =	swait.ge [sflag:s10], $0x1F40  }
0x2c: {  	[sflag:s10] =	ssyncset.done $0x0  }
0x2d: {  	s11 =	rddreg [dreg:$0x9];
	[sflag:s10] =	ssyncadd.s32 $0xFFFFE0C0  }
0x2e: {  	[spmem:s11] =	stream.linear.scatter [tilespmem:s15], [sflag:$0x12], $0x1F40, $0x38;
	[tilespmem:$0x1E640] =	vst v63  }
0x2f: {  	_ =	swait.ge [sflag:s10], $0x1F40  }
0x30: {  	[sflag:s10] =	ssyncset.done $0x0  }
0x31: {  	s12 =	rddreg [dreg:$0xa];
	[sflag:s10] =	ssyncadd.s32 $0xFFFFE0C0  }
0x32: {  	[spmem:s12] =	stream.linear.scatter [tilespmem:s15], [sflag:$0x12], $0x1F40, $0x38;
	[tilespmem:$0x1E640] =	vst v63  }
0x33: {  	_ =	swait.ge [sflag:s10], $0x1F40  }
0x34: {  	[sflag:s10] =	ssyncset.done $0x0  }
0x35: {  	s13 =	rddreg [dreg:$0xb];
	[sflag:s10] =	ssyncadd.s32 $0xFFFFE0C0  }
0x36: {  	[spmem:s13] =	stream.linear.scatter [tilespmem:s15], [sflag:$0x12], $0x1F40, $0x38;
	[tilespmem:$0x1E640] =	vst v63  }
0x37: {  	_ =	swait.ge [sflag:s10], $0x1F40  }
0x38: {  	[sflag:s10] =	ssyncset.done $0x0  }
0x39: {  	s16 =	rddreg [dreg:$0xc];
	[sflag:s10] =	ssyncadd.s32 $0xFFFFE0C0  }
0x3a: {  	[spmem:s16] =	stream.linear.scatter [tilespmem:s15], [sflag:$0x12], $0x1F40, $0x38;
	[tilespmem:$0x1E640] =	vst v63  }
0x3b: {  	_ =	swait.ge [sflag:s10], $0x1F40  }
0x3c: {  	[sflag:s10] =	ssyncset.done $0x0  }
0x3d: {  	[sflag:s10] =	ssyncadd.s32 $0xFFFFE0C0  }
0x3e: {  	s22 =	simm.s32 $0x0;
	[bflag:$0x0] =	sbarrier.arrive $0xFFFF  }
0x3f: {  	[tilespmem:s15], [sflag:$0x1] =	stream.indirect.gather [hbm4b:s1+s17], $0x40, s22, s17, $0xb8;
	[tilespmem:$0x1E640] =	vst v63  }
0x40: {  	s24 =	simm.s32 $0x80  }
0x41: {  	[tilespmem:s19], [sflag:$0x2] =	stream.indirect.gather [hbm4b:s1+s17], $0x40, s24, s17, $0xb8;
	[tilespmem:$0x1E640] =	vst v63  }
0x42: {  	s4 =	simm.s32 $0x100;
	p0 =	por $0x1, $0x1  }
0x43: {  	[tilespmem:s21], [sflag:$0x3] =	stream.indirect.gather [hbm4b:s1+s17], $0x40, s4, s17, $0xb8;
	[tilespmem:$0x1E640] =	vst v63  }
0x44: {  	s5 =	simm.s32 $0x180;
	s0 =	simm.s32 @!p0 $0xD  }
0x45: {  	[tilespmem:s23], [sflag:$0x4] =	stream.indirect.gather [hbm4b:s1+s17], $0x40, s5, s17, $0xb8;
	[tilespmem:$0x1E640] =	vst v63  }
0x46: {  	_ =	swait.ge @!p0 [sflag:s0], $0x1F40  }
0x47: {  	[sflag:s0] =	ssyncset.done @!p0 $0x0  }
0x48: {  	s6 =	simm.s32 $0x200;
	s8 =	rddreg [dreg:$0x4];
	[sflag:s0] =	ssyncadd.s32 @!p0 $0xFFFFE0C0  }
0x49: {  	[tilespmem:s8], [sflag:$0x5] =	stream.indirect.gather [hbm4b:s1+s17], $0x40, s6, s17, $0xb8;
	[tilespmem:$0x1E640] =	vst v63  }
0x4a: {  	_ =	swait.ge [sflag:s25], $0x1F40  }
0x4b: {  	[sflag:s25] =	ssyncset.done $0x0  }
0x4c: {  	s7 =	simm.s32 $0x2800;
	s8 =	simm.s32 @!p0 $0xE;
	[sflag:s25] =	ssyncadd.s32 $0xFFFFE0C0  }
0x4d: {  	[spmem:s3] =	stream.indirect.scatter.add.f32 [tilespmem:s15], [sflag:$0x9], $0x40, s7, s17, $0xb8;
	[tilespmem:$0x1E640] =	vst v63  }
0x4e: {  	_ =	swait.ge @!p0 [sflag:s8], $0x1F40  }
0x4f: {  	[sflag:s8] =	ssyncset.done @!p0 $0x0  }
0x50: {  	s9 =	simm.s32 $0x280;
	[sflag:s8] =	ssyncadd.s32 @!p0 $0xFFFFE0C0  }
0x51: {  	[tilespmem:s26], [sflag:$0x6] =	stream.indirect.gather [hbm4b:s1+s17], $0x40, s9, s17, $0xb8;
	[tilespmem:$0x1E640] =	vst v63  }
0x52: {  	_ =	swait.ge [sflag:s28], $0x1F40  }
0x53: {  	[sflag:s28] =	ssyncset.done $0x0  }
0x54: {  	s10 =	simm.s32 $0x2880;
	s8 =	simm.s32 @!p0 $0xF;
	[sflag:s28] =	ssyncadd.s32 $0xFFFFE0C0  }
0x55: {  	[spmem:s3] =	stream.indirect.scatter.add.f32 [tilespmem:s19], [sflag:$0xA], $0x40, s10, s17, $0xb8;
	[tilespmem:$0x1E640] =	vst v63  }
0x56: {  	_ =	swait.ge @!p0 [sflag:s8], $0x1F40  }
0x57: {  	[sflag:s8] =	ssyncset.done @!p0 $0x0  }
0x58: {  	s12 =	simm.s32 $0x300;
	s11 =	rddreg [dreg:$0x5];
	[sflag:s8] =	ssyncadd.s32 @!p0 $0xFFFFE0C0  }
0x59: {  	[tilespmem:s11], [sflag:$0x7] =	stream.indirect.gather [hbm4b:s1+s17], $0x40, s12, s17, $0xb8;
	[tilespmem:$0x1E640] =	vst v63  }
0x5a: {  	_ =	swait.ge [sflag:s29], $0x1F40  }
0x5b: {  	[sflag:s29] =	ssyncset.done $0x0  }
0x5c: {  	s13 =	simm.s32 $0x2900;
	s8 =	simm.s32 @!p0 $0x10;
	[sflag:s29] =	ssyncadd.s32 $0xFFFFE0C0  }
0x5d: {  	[spmem:s3] =	stream.indirect.scatter.add.f32 [tilespmem:s21], [sflag:$0xB], $0x40, s13, s17, $0xb8;
	[tilespmem:$0x1E640] =	vst v63  }
0x5e: {  	_ =	swait.ge @!p0 [sflag:s8], $0x1F40  }
0x5f: {  	[sflag:s8] =	ssyncset.done @!p0 $0x0  }
0x60: {  	s16 =	simm.s32 $0x380;
	[sflag:s8] =	ssyncadd.s32 @!p0 $0xFFFFE0C0  }
0x61: {  	[tilespmem:s30], [sflag:$0x8] =	stream.indirect.gather [hbm4b:s1+s17], $0x40, s16, s17, $0xb8;
	[tilespmem:$0x1E640] =	vst v63  }
0x62: {  	_ =	swait.ge [sflag:s31], $0x1F40  }
0x63: {  	[sflag:s31] =	ssyncset.done $0x0  }
0x64: {  	s22 =	simm.s32 $0x2980;
	[sflag:s31] =	ssyncadd.s32 $0xFFFFE0C0  }
0x65: {  	[spmem:s3] =	stream.indirect.scatter.add.f32 [tilespmem:s23], [sflag:$0xC], $0x40, s22, s17, $0xb8;
	[tilespmem:$0x1E640] =	vst v63  }
0x66: {  	_ =	swait.ge [sflag:s2], $0x1F40  }
0x67: {  	p0 =	por $0x0, $0x0;
	[sflag:s2] =	ssyncset.done $0x0  }
0x68: {  	s0 =	simm.s32 @p0 $0x5;
	[sflag:s2] =	ssyncadd.s32 $0xFFFFE0C0  }
0x69: {  	_ =	swait.ge @p0 [sflag:s0], $0x1F40  }
0x6a: {  	s8 =	simm.s32 @p0 $0x2A00;
	s9 =	simm.s32 @p0 $0xA;
	[sflag:s0] =	ssyncset.done @p0 $0x0  }
0x6b: {  	s10 =	simm.s32 @p0 $0xCD00;
	[sflag:s0] =	ssyncadd.s32 @p0 $0xFFFFE0C0;
	s0 =	simm.s32 @p0 $0x7D  }
0x6c: {  	[spmem:s3] =	stream.indirect.scatter.add.f32 @p0 [tilespmem:s10], [sflag:$0xD], $0x40, s8, s0, $0xb8;
	[tilespmem:$0x1E640] =	vst v63  }
0x6d: {  	_ =	swait.ge @p0 [sflag:s9], $0x1F40  }
0x6e: {  	s8 =	simm.s32 @!p0 $0x400;
	[sflag:s9] =	ssyncset.done @p0 $0x0  }
0x6f: {  	s10 =	simm.s32 @!p0 $0x5000;
	[sflag:s9] =	ssyncadd.s32 @p0 $0xFFFFE0C0;
	s9 =	simm.s32 @!p0 $0x7D  }
0x70: {  	[tilespmem:s10], [sflag:$0x1] =	stream.indirect.gather @!p0 [hbm4b:s1+s9], $0x40, s8, s9, $0xb8;
	[tilespmem:$0x1E640] =	vst v63  }
0x71: {  	s8 =	simm.s32 @!p0 $0x5  }
0x72: {  	_ =	swait.ge @!p0 [sflag:s8], $0x1F40  }
0x73: {  	[sflag:s8] =	ssyncset.done @!p0 $0x0  }
0x74: {  	s10 =	simm.s32 @!p0 $0x2A00;
	[sflag:s8] =	ssyncadd.s32 @!p0 $0xFFFFE0C0;
	s8 =	simm.s32 @!p0 $0xCD00  }
0x75: {  	[spmem:s3] =	stream.indirect.scatter.add.f32 @!p0 [tilespmem:s8], [sflag:$0xD], $0x40, s10, s9, $0xb8;
	[tilespmem:$0x1E640] =	vst v63  }
0x76: {  	s8 =	simm.s32 @!p0 $0xA  }
0x77: {  	_ =	swait.ge @!p0 [sflag:s8], $0x1F40  }
0x78: {  	[sflag:s8] =	ssyncset.done @!p0 $0x0  }
0x79: {  	s10 =	simm.s32 @!p0 $0x480;
	[sflag:s8] =	ssyncadd.s32 @!p0 $0xFFFFE0C0;
	s8 =	simm.s32 @!p0 $0x6F40  }
0x7a: {  	[tilespmem:s8], [sflag:$0x2] =	stream.indirect.gather @!p0 [hbm4b:s1+s9], $0x40, s10, s9, $0xb8;
	[tilespmem:$0x1E640] =	vst v63  }
0x7b: {  	_ =	swait.ge [sflag:s14], $0x1F40  }
0x7c: {  	[sflag:s14] =	ssyncset.done $0x0  }
0x7d: {  	s24 =	simm.s32 $0x2A80;
	[sflag:s14] =	ssyncadd.s32 $0xFFFFE0C0  }
0x7e: {  	[spmem:s3] =	stream.indirect.scatter.add.f32 [tilespmem:s26], [sflag:$0xE], $0x40, s24, s17, $0xb8;
	[tilespmem:$0x1E640] =	vst v63  }
0x7f: {  	_ =	swait.ge [sflag:s18], $0x1F40  }
0x80: {  	[sflag:s18] =	ssyncset.done $0x0  }
0x81: {  	s8 =	simm.s32 @p0 $0x7;
	[sflag:s18] =	ssyncadd.s32 $0xFFFFE0C0  }
0x82: {  	_ =	swait.ge @p0 [sflag:s8], $0x1F40  }
0x83: {  	[sflag:s8] =	ssyncset.done @p0 $0x0  }
0x84: {  	s10 =	simm.s32 @p0 $0x2B00;
	[sflag:s8] =	ssyncadd.s32 @p0 $0xFFFFE0C0;
	s8 =	simm.s32 @p0 $0x10B80  }
0x85: {  	[spmem:s3] =	stream.indirect.scatter.add.f32 @p0 [tilespmem:s8], [sflag:$0xF], $0x40, s10, s0, $0xb8;
	[tilespmem:$0x1E640] =	vst v63  }
0x86: {  	s0 =	simm.s32 @p0 $0xC  }
0x87: {  	_ =	swait.ge @p0 [sflag:s0], $0x1F40  }
0x88: {  	[sflag:s0] =	ssyncset.done @p0 $0x0  }
0x89: {  	s8 =	simm.s32 @!p0 $0x500;
	[sflag:s0] =	ssyncadd.s32 @p0 $0xFFFFE0C0;
	s0 =	simm.s32 @!p0 $0x8E80  }
0x8a: {  	[tilespmem:s0], [sflag:$0x3] =	stream.indirect.gather @!p0 [hbm4b:s1+s9], $0x40, s8, s9, $0xb8;
	[tilespmem:$0x1E640] =	vst v63  }
0x8b: {  	s0 =	simm.s32 @!p0 $0x7  }
0x8c: {  	_ =	swait.ge @!p0 [sflag:s0], $0x1F40  }
0x8d: {  	[sflag:s0] =	ssyncset.done @!p0 $0x0  }
0x8e: {  	s8 =	simm.s32 @!p0 $0x2B00;
	[sflag:s0] =	ssyncadd.s32 @!p0 $0xFFFFE0C0;
	s0 =	simm.s32 @!p0 $0x10B80  }
0x8f: {  	[spmem:s3] =	stream.indirect.scatter.add.f32 @!p0 [tilespmem:s0], [sflag:$0xF], $0x40, s8, s9, $0xb8;
	[tilespmem:$0x1E640] =	vst v63  }
0x90: {  	s0 =	simm.s32 @!p0 $0xC  }
0x91: {  	_ =	swait.ge @!p0 [sflag:s0], $0x1F40  }
0x92: {  	[sflag:s0] =	ssyncset.done @!p0 $0x0  }
0x93: {  	s8 =	simm.s32 @!p0 $0x580;
	[sflag:s0] =	ssyncadd.s32 @!p0 $0xFFFFE0C0;
	s0 =	simm.s32 @!p0 $0xADC0  }
0x94: {  	[tilespmem:s0], [sflag:$0x4] =	stream.indirect.gather @!p0 [hbm4b:s1+s9], $0x40, s8, s9, $0xb8;
	[tilespmem:$0x1E640] =	vst v63  }
0x95: {  	p1 =	por $0x0, $0x0;
	s8 =	simm.s32 $0x1000;
	_ =	swait.ge [sflag:s20], $0x1F40  }
0x96: {  	s9 =	simm.s32 $0x2000;
	s0 =	simm.s32 $0x2B80;
	[sflag:s20] =	ssyncset.done $0x0  }
.LBB2_4:
0x97: {  	s10 =	simm.s32 @!p1 $0xD;
	[sflag:s20] =	ssyncadd.s32 $0xFFFFE0C0  }
0x98: {  	[spmem:s3] =	stream.indirect.scatter.add.f32 [tilespmem:s30], [sflag:$0x10], $0x40, s0, s17, $0xb8;
	[tilespmem:$0x1E640] =	vst v63  }
0x99: {  	_ =	swait.ge @!p1 [sflag:s10], $0x1F40  }
0x9a: {  	[sflag:s10] =	ssyncset.done @!p1 $0x0  }
0x9b: {  	[sflag:s10] =	ssyncadd.s32 @!p1 $0xFFFFE0C0;
	s10 =	sshra.s32 s8, $0x2  }
0x9c: {  	s13 =	rddreg [dreg:$0x4];
	s12 =	sadd.s32 $0x200, s10  }
0x9d: {  	[tilespmem:s13], [sflag:$0x5] =	stream.indirect.gather [hbm4b:s1+s17], $0x40, s12, s17, $0xb8;
	[tilespmem:$0x1E640] =	vst v63  }
0x9e: {  	_ =	swait.ge [sflag:s25], $0x1F40  }
0x9f: {  	[sflag:s25] =	ssyncset.done $0x0  }
0xa0: {  	s16 =	sadd.s32 $0x2800, s10;
	s12 =	simm.s32 @!p1 $0xE;
	[sflag:s25] =	ssyncadd.s32 $0xFFFFE0C0  }
0xa1: {  	[spmem:s3] =	stream.indirect.scatter.add.f32 [tilespmem:s15], [sflag:$0x9], $0x40, s16, s17, $0xb8;
	[tilespmem:$0x1E640] =	vst v63  }
0xa2: {  	_ =	swait.ge @!p1 [sflag:s12], $0x1F40  }
0xa3: {  	[sflag:s12] =	ssyncset.done @!p1 $0x0  }
0xa4: {  	s22 =	sadd.s32 $0x280, s10;
	[sflag:s12] =	ssyncadd.s32 @!p1 $0xFFFFE0C0  }
0xa5: {  	[tilespmem:s26], [sflag:$0x6] =	stream.indirect.gather [hbm4b:s1+s17], $0x40, s22, s17, $0xb8;
	[tilespmem:$0x1E640] =	vst v63  }
0xa6: {  	_ =	swait.ge [sflag:s28], $0x1F40  }
0xa7: {  	[sflag:s28] =	ssyncset.done $0x0  }
0xa8: {  	s24 =	sadd.s32 $0x2880, s10;
	s12 =	simm.s32 @!p1 $0xF;
	[sflag:s28] =	ssyncadd.s32 $0xFFFFE0C0  }
0xa9: {  	[spmem:s3] =	stream.indirect.scatter.add.f32 [tilespmem:s19], [sflag:$0xA], $0x40, s24, s17, $0xb8;
	[tilespmem:$0x1E640] =	vst v63  }
0xaa: {  	_ =	swait.ge @!p1 [sflag:s12], $0x1F40  }
0xab: {  	[sflag:s12] =	ssyncset.done @!p1 $0x0  }
0xac: {  	s5 =	sadd.s32 $0x300, s10;
	s4 =	rddreg [dreg:$0x5];
	[sflag:s12] =	ssyncadd.s32 @!p1 $0xFFFFE0C0  }
0xad: {  	[tilespmem:s4], [sflag:$0x7] =	stream.indirect.gather [hbm4b:s1+s17], $0x40, s5, s17, $0xb8;
	[tilespmem:$0x1E640] =	vst v63  }
0xae: {  	_ =	swait.ge [sflag:s29], $0x1F40  }
0xaf: {  	[sflag:s29] =	ssyncset.done $0x0  }
0xb0: {  	s6 =	sadd.s32 $0x2900, s10;
	s12 =	simm.s32 @!p1 $0x10;
	[sflag:s29] =	ssyncadd.s32 $0xFFFFE0C0  }
0xb1: {  	[spmem:s3] =	stream.indirect.scatter.add.f32 [tilespmem:s21], [sflag:$0xB], $0x40, s6, s17, $0xb8;
	[tilespmem:$0x1E640] =	vst v63  }
0xb2: {  	_ =	swait.ge @!p1 [sflag:s12], $0x1F40  }
0xb3: {  	[sflag:s12] =	ssyncset.done @!p1 $0x0  }
0xb4: {  	s7 =	sadd.s32 $0x380, s10;
	[sflag:s12] =	ssyncadd.s32 @!p1 $0xFFFFE0C0  }
0xb5: {  	[tilespmem:s30], [sflag:$0x8] =	stream.indirect.gather [hbm4b:s1+s17], $0x40, s7, s17, $0xb8;
	[tilespmem:$0x1E640] =	vst v63  }
0xb6: {  	_ =	swait.ge [sflag:s31], $0x1F40  }
0xb7: {  	[sflag:s31] =	ssyncset.done $0x0  }
0xb8: {  	s12 =	sadd.s32 $0x2980, s10;
	[sflag:s31] =	ssyncadd.s32 $0xFFFFE0C0  }
0xb9: {  	[spmem:s3] =	stream.indirect.scatter.add.f32 [tilespmem:s23], [sflag:$0xC], $0x40, s12, s17, $0xb8;
	[tilespmem:$0x1E640] =	vst v63  }
0xba: {  	_ =	swait.ge [sflag:s2], $0x1F40  }
0xbb: {  	p1 =	seq.s32 s8, $0x9000;
	[sflag:s2] =	ssyncset.done $0x0  }
0xbc: {  	s0 =	simm.s32 @p1 $0x5;
	[sflag:s2] =	ssyncadd.s32 $0xFFFFE0C0  }
0xbd: {  	s4 =	simm.s32 @p1 $0xA;
	_ =	swait.ge @p1 [sflag:s0], $0x1F40  }
0xbe: {  	s22 =	simm.s32 @p1 $0x7D;
	s12 =	sshra.s32 @p1 s8, $0x2;
	[sflag:s0] =	ssyncset.done @p1 $0x0  }
0xbf: {  	s24 =	sadd.s32 @p1 $0x2A00, s12;
	[sflag:s0] =	ssyncadd.s32 @p1 $0xFFFFE0C0;
	s0 =	simm.s32 @p1 $0xCD00  }
0xc0: {  	[spmem:s3] =	stream.indirect.scatter.add.f32 @p1 [tilespmem:s0], [sflag:$0xD], $0x40, s24, s22, $0xb8;
	[tilespmem:$0x1E640] =	vst v63  }
0xc1: {  	s6 =	simm.s32 @!p1 $0x5;
	s8 =	sshra.s32 @!p1 s8, $0x2;
	_ =	swait.ge @p1 [sflag:s4], $0x1F40  }
0xc2: {  	s5 =	sadd.s32 @!p1 $0x400, s8;
	s16 =	sadd.s32 @p1 $0x2B00, s12;
	[sflag:s4] =	ssyncset.done @p1 $0x0  }
0xc3: {  	s12 =	simm.s32 @!p1 $0x7D;
	s0 =	simm.s32 @!p1 $0x5000;
	[sflag:s4] =	ssyncadd.s32 @p1 $0xFFFFE0C0  }
0xc4: {  	[tilespmem:s0], [sflag:$0x1] =	stream.indirect.gather @!p1 [hbm4b:s1+s12], $0x40, s5, s12, $0xb8;
	[tilespmem:$0x1E640] =	vst v63  }
0xc5: {  	_ =	swait.ge @!p1 [sflag:s6], $0x1F40  }
0xc6: {  	s7 =	sadd.s32 @!p1 $0x2A00, s8;
	[sflag:s6] =	ssyncset.done @!p1 $0x0  }
0xc7: {  	s5 =	simm.s32 @!p1 $0xCD00;
	[sflag:s6] =	ssyncadd.s32 @!p1 $0xFFFFE0C0;
	s6 =	simm.s32 @!p1 $0xA  }
0xc8: {  	[spmem:s3] =	stream.indirect.scatter.add.f32 @!p1 [tilespmem:s5], [sflag:$0xD], $0x40, s7, s12, $0xb8;
	[tilespmem:$0x1E640] =	vst v63  }
0xc9: {  	_ =	swait.ge @!p1 [sflag:s6], $0x1F40  }
0xca: {  	[sflag:s6] =	ssyncset.done @!p1 $0x0  }
0xcb: {  	s13 =	sadd.s32 @!p1 $0x480, s8;
	s5 =	simm.s32 @!p1 $0x6F40;
	[sflag:s6] =	ssyncadd.s32 @!p1 $0xFFFFE0C0  }
0xcc: {  	[tilespmem:s5], [sflag:$0x2] =	stream.indirect.gather @!p1 [hbm4b:s1+s12], $0x40, s13, s12, $0xb8;
	[tilespmem:$0x1E640] =	vst v63  }
0xcd: {  	_ =	swait.ge [sflag:s14], $0x1F40  }
0xce: {  	[sflag:s14] =	ssyncset.done $0x0  }
0xcf: {  	s13 =	sadd.s32 $0x2A80, s10;
	[sflag:s14] =	ssyncadd.s32 $0xFFFFE0C0  }
0xd0: {  	[spmem:s3] =	stream.indirect.scatter.add.f32 [tilespmem:s26], [sflag:$0xE], $0x40, s13, s17, $0xb8;
	[tilespmem:$0x1E640] =	vst v63  }
0xd1: {  	_ =	swait.ge [sflag:s18], $0x1F40  }
0xd2: {  	[sflag:s18] =	ssyncset.done $0x0  }
0xd3: {  	s5 =	simm.s32 @p1 $0x7;
	[sflag:s18] =	ssyncadd.s32 $0xFFFFE0C0  }
0xd4: {  	_ =	swait.ge @p1 [sflag:s5], $0x1F40  }
0xd5: {  	[sflag:s5] =	ssyncset.done @p1 $0x0  }
0xd6: {  	s6 =	simm.s32 @p1 $0xC;
	[sflag:s5] =	ssyncadd.s32 @p1 $0xFFFFE0C0;
	s5 =	simm.s32 @p1 $0x10B80  }
0xd7: {  	[spmem:s3] =	stream.indirect.scatter.add.f32 @p1 [tilespmem:s5], [sflag:$0xF], $0x40, s16, s22, $0xb8;
	[tilespmem:$0x1E640] =	vst v63  }
0xd8: {  	_ =	swait.ge @p1 [sflag:s6], $0x1F40  }
0xd9: {  	s4 =	sadd.s32 @!p1 $0x500, s8;
	[sflag:s6] =	ssyncset.done @p1 $0x0  }
0xda: {  	s5 =	simm.s32 @!p1 $0x8E80;
	[sflag:s6] =	ssyncadd.s32 @p1 $0xFFFFE0C0;
	s6 =	simm.s32 @!p1 $0x7  }
0xdb: {  	[tilespmem:s5], [sflag:$0x3] =	stream.indirect.gather @!p1 [hbm4b:s1+s12], $0x40, s4, s12, $0xb8;
	[tilespmem:$0x1E640] =	vst v63  }
0xdc: {  	s11 =	smov.u32 s9;
	_ =	swait.ge @!p1 [sflag:s6], $0x1F40  }
0xdd: {  	s9 =	sadd.s32 $0x1000, s9;
	s0 =	sadd.s32 @!p1 $0x2B00, s8;
	[sflag:s6] =	ssyncset.done @!p1 $0x0  }
0xde: {  	s4 =	simm.s32 @!p1 $0x10B80;
	s5 =	simm.s32 @!p1 $0xC;
	[sflag:s6] =	ssyncadd.s32 @!p1 $0xFFFFE0C0  }
0xdf: {  	[spmem:s3] =	stream.indirect.scatter.add.f32 @!p1 [tilespmem:s4], [sflag:$0xF], $0x40, s0, s12, $0xb8;
	[tilespmem:$0x1E640] =	vst v63  }
0xe0: {  	p0 =	sne.s32 s9, $0xA000;
	_ =	swait.ge @!p1 [sflag:s5], $0x1F40  }
.Ltmp1:
0xe1: {  	[sflag:s5] =	ssyncset.done @!p1 $0x0;
	(pc) =	sbr.rel @p0 .LBB2_4-.Ltmp1, $4  }
0xe2: {  	s24 =	sadd.s32 @!p1 $0x580, s8;
	s0 =	simm.s32 @!p1 $0xADC0;
	[sflag:s5] =	ssyncadd.s32 @!p1 $0xFFFFE0C0  }
0xe3: {  	[tilespmem:s0], [sflag:$0x4] =	stream.indirect.gather @!p1 [hbm4b:s1+s12], $0x40, s24, s12, $0xb8;
	[tilespmem:$0x1E640] =	vst v63  }
0xe4: {  	s8 =	smov.u32 s11;
	_ =	swait.ge [sflag:s20], $0x1F40  }
0xe5: {  	p1 =	seq.s32 s8, $0x0;
	s0 =	sadd.s32 $0x2B80, s10;
	[sflag:s20] =	ssyncset.done $0x0  }
0xe6: {  	s4 =	simm.s32 @!p1 $0xD;
	[sflag:s20] =	ssyncadd.s32 $0xFFFFE0C0  }
0xe7: {  	[spmem:s3] =	stream.indirect.scatter.add.f32 [tilespmem:s30], [sflag:$0x10], $0x40, s0, s17, $0xb8;
	[tilespmem:$0x1E640] =	vst v63  }
0xe8: {  	_ =	swait.ge @!p1 [sflag:s4], $0x1F40  }
0xe9: {  	s9 =	sshra.s32 s8, $0x2;
	[sflag:s4] =	ssyncset.done @!p1 $0x0  }
0xea: {  	s5 =	sadd.s32 $0x200, s9;
	s24 =	rddreg [dreg:$0x4];
	[sflag:s4] =	ssyncadd.s32 @!p1 $0xFFFFE0C0  }
0xeb: {  	[tilespmem:s24], [sflag:$0x5] =	stream.indirect.gather [hbm4b:s1+s17], $0x40, s5, s17, $0xb8;
	[tilespmem:$0x1E640] =	vst v63  }
0xec: {  	_ =	swait.ge [sflag:s25], $0x1F40  }
0xed: {  	[sflag:s25] =	ssyncset.done $0x0  }
0xee: {  	s6 =	sadd.s32 $0x2800, s9;
	s4 =	simm.s32 @!p1 $0xE;
	[sflag:s25] =	ssyncadd.s32 $0xFFFFE0C0  }
0xef: {  	[spmem:s3] =	stream.indirect.scatter.add.f32 [tilespmem:s15], [sflag:$0x9], $0x40, s6, s17, $0xb8;
	[tilespmem:$0x1E640] =	vst v63  }
0xf0: {  	_ =	swait.ge @!p1 [sflag:s4], $0x1F40  }
0xf1: {  	[sflag:s4] =	ssyncset.done @!p1 $0x0  }
0xf2: {  	s7 =	sadd.s32 $0x280, s9;
	[sflag:s4] =	ssyncadd.s32 @!p1 $0xFFFFE0C0  }
0xf3: {  	[tilespmem:s26], [sflag:$0x6] =	stream.indirect.gather [hbm4b:s1+s17], $0x40, s7, s17, $0xb8;
	[tilespmem:$0x1E640] =	vst v63  }
0xf4: {  	_ =	swait.ge [sflag:s28], $0x1F40  }
0xf5: {  	[sflag:s28] =	ssyncset.done $0x0  }
0xf6: {  	s10 =	sadd.s32 $0x2880, s9;
	s4 =	simm.s32 @!p1 $0xF;
	[sflag:s28] =	ssyncadd.s32 $0xFFFFE0C0  }
0xf7: {  	[spmem:s3] =	stream.indirect.scatter.add.f32 [tilespmem:s19], [sflag:$0xA], $0x40, s10, s17, $0xb8;
	[tilespmem:$0x1E640] =	vst v63  }
0xf8: {  	_ =	swait.ge @!p1 [sflag:s4], $0x1F40  }
0xf9: {  	[sflag:s4] =	ssyncset.done @!p1 $0x0  }
0xfa: {  	s12 =	sadd.s32 $0x300, s9;
	s11 =	rddreg [dreg:$0x5];
	[sflag:s4] =	ssyncadd.s32 @!p1 $0xFFFFE0C0  }
0xfb: {  	[tilespmem:s11], [sflag:$0x7] =	stream.indirect.gather [hbm4b:s1+s17], $0x40, s12, s17, $0xb8;
	[tilespmem:$0x1E640] =	vst v63  }
0xfc: {  	_ =	swait.ge [sflag:s29], $0x1F40  }
0xfd: {  	[sflag:s29] =	ssyncset.done $0x0  }
0xfe: {  	s13 =	sadd.s32 $0x2900, s9;
	s4 =	simm.s32 @!p1 $0x10;
	[sflag:s29] =	ssyncadd.s32 $0xFFFFE0C0  }
0xff: {  	[spmem:s3] =	stream.indirect.scatter.add.f32 [tilespmem:s21], [sflag:$0xB], $0x40, s13, s17, $0xb8;
	[tilespmem:$0x1E640] =	vst v63  }
0x100: {  	_ =	swait.ge @!p1 [sflag:s4], $0x1F40  }
0x101: {  	[sflag:s4] =	ssyncset.done @!p1 $0x0  }
0x102: {  	s16 =	sadd.s32 $0x380, s9;
	[sflag:s4] =	ssyncadd.s32 @!p1 $0xFFFFE0C0  }
0x103: {  	[tilespmem:s30], [sflag:$0x8] =	stream.indirect.gather [hbm4b:s1+s17], $0x40, s16, s17, $0xb8;
	[tilespmem:$0x1E640] =	vst v63  }
0x104: {  	_ =	swait.ge [sflag:s31], $0x1F40  }
0x105: {  	[sflag:s31] =	ssyncset.done $0x0  }
0x106: {  	s22 =	sadd.s32 $0x2980, s9;
	[sflag:s31] =	ssyncadd.s32 $0xFFFFE0C0  }
0x107: {  	[spmem:s3] =	stream.indirect.scatter.add.f32 [tilespmem:s23], [sflag:$0xC], $0x40, s22, s17, $0xb8;
	[tilespmem:$0x1E640] =	vst v63  }
0x108: {  	_ =	swait.ge [sflag:s2], $0x1F40  }
0x109: {  	p0 =	seq.s32 s8, $0x9000;
	[sflag:s2] =	ssyncset.done $0x0  }
0x10a: {  	s0 =	simm.s32 @p0 $0x5;
	[sflag:s2] =	ssyncadd.s32 $0xFFFFE0C0  }
0x10b: {  	s6 =	simm.s32 @p0 $0xA;
	_ =	swait.ge @p0 [sflag:s0], $0x1F40  }
0x10c: {  	s7 =	simm.s32 @p0 $0xCD00;
	s4 =	sshra.s32 @p0 s8, $0x2;
	[sflag:s0] =	ssyncset.done @p0 $0x0  }
0x10d: {  	s5 =	sadd.s32 @p0 $0x2A00, s4;
	[sflag:s0] =	ssyncadd.s32 @p0 $0xFFFFE0C0;
	s0 =	simm.s32 @p0 $0x7D  }
0x10e: {  	[spmem:s3] =	stream.indirect.scatter.add.f32 @p0 [tilespmem:s7], [sflag:$0xD], $0x40, s5, s0, $0xb8;
	[tilespmem:$0x1E640] =	vst v63  }
0x10f: {  	_ =	swait.ge @p0 [sflag:s6], $0x1F40  }
0x110: {  	s5 =	sshra.s32 @!p0 s8, $0x2;
	s8 =	simm.s32 @!p0 $0x5000;
	[sflag:s6] =	ssyncset.done @p0 $0x0  }
0x111: {  	s7 =	sadd.s32 @!p0 $0x400, s5;
	[sflag:s6] =	ssyncadd.s32 @p0 $0xFFFFE0C0;
	s6 =	simm.s32 @!p0 $0x7D  }
0x112: {  	[tilespmem:s8], [sflag:$0x1] =	stream.indirect.gather @!p0 [hbm4b:s1+s6], $0x40, s7, s6, $0xb8;
	[tilespmem:$0x1E640] =	vst v63  }
0x113: {  	s7 =	simm.s32 @!p0 $0x5  }
0x114: {  	_ =	swait.ge @!p0 [sflag:s7], $0x1F40  }
0x115: {  	[sflag:s7] =	ssyncset.done @!p0 $0x0  }
0x116: {  	s8 =	sadd.s32 @!p0 $0x2A00, s5;
	[sflag:s7] =	ssyncadd.s32 @!p0 $0xFFFFE0C0;
	s7 =	simm.s32 @!p0 $0xCD00  }
0x117: {  	[spmem:s3] =	stream.indirect.scatter.add.f32 @!p0 [tilespmem:s7], [sflag:$0xD], $0x40, s8, s6, $0xb8;
	[tilespmem:$0x1E640] =	vst v63  }
0x118: {  	s7 =	simm.s32 @!p0 $0xA  }
0x119: {  	_ =	swait.ge @!p0 [sflag:s7], $0x1F40  }
0x11a: {  	[sflag:s7] =	ssyncset.done @!p0 $0x0  }
0x11b: {  	s8 =	sadd.s32 @!p0 $0x480, s5;
	[sflag:s7] =	ssyncadd.s32 @!p0 $0xFFFFE0C0;
	s7 =	simm.s32 @!p0 $0x6F40  }
0x11c: {  	[tilespmem:s7], [sflag:$0x2] =	stream.indirect.gather @!p0 [hbm4b:s1+s6], $0x40, s8, s6, $0xb8;
	[tilespmem:$0x1E640] =	vst v63  }
0x11d: {  	_ =	swait.ge [sflag:s14], $0x1F40  }
0x11e: {  	[sflag:s14] =	ssyncset.done $0x0  }
0x11f: {  	s24 =	sadd.s32 $0x2A80, s9;
	[sflag:s14] =	ssyncadd.s32 $0xFFFFE0C0  }
0x120: {  	[spmem:s3] =	stream.indirect.scatter.add.f32 [tilespmem:s26], [sflag:$0xE], $0x40, s24, s17, $0xb8;
	[tilespmem:$0x1E640] =	vst v63  }
0x121: {  	_ =	swait.ge [sflag:s18], $0x1F40  }
0x122: {  	[sflag:s18] =	ssyncset.done $0x0  }
0x123: {  	s7 =	simm.s32 @p0 $0x7;
	[sflag:s18] =	ssyncadd.s32 $0xFFFFE0C0  }
0x124: {  	_ =	swait.ge @p0 [sflag:s7], $0x1F40  }
0x125: {  	[sflag:s7] =	ssyncset.done @p0 $0x0  }
0x126: {  	s4 =	sadd.s32 @p0 $0x2B00, s4;
	[sflag:s7] =	ssyncadd.s32 @p0 $0xFFFFE0C0;
	s7 =	simm.s32 @p0 $0x10B80  }
0x127: {  	[spmem:s3] =	stream.indirect.scatter.add.f32 @p0 [tilespmem:s7], [sflag:$0xF], $0x40, s4, s0, $0xb8;
	[tilespmem:$0x1E640] =	vst v63  }
0x128: {  	s0 =	simm.s32 @p0 $0xC  }
0x129: {  	_ =	swait.ge @p0 [sflag:s0], $0x1F40  }
0x12a: {  	[sflag:s0] =	ssyncset.done @p0 $0x0  }
0x12b: {  	s4 =	sadd.s32 @!p0 $0x500, s5;
	[sflag:s0] =	ssyncadd.s32 @p0 $0xFFFFE0C0;
	s0 =	simm.s32 @!p0 $0x8E80  }
0x12c: {  	[tilespmem:s0], [sflag:$0x3] =	stream.indirect.gather @!p0 [hbm4b:s1+s6], $0x40, s4, s6, $0xb8;
	[tilespmem:$0x1E640] =	vst v63  }
0x12d: {  	s0 =	simm.s32 @!p0 $0x7  }
0x12e: {  	_ =	swait.ge @!p0 [sflag:s0], $0x1F40  }
0x12f: {  	[sflag:s0] =	ssyncset.done @!p0 $0x0  }
0x130: {  	s4 =	sadd.s32 @!p0 $0x2B00, s5;
	[sflag:s0] =	ssyncadd.s32 @!p0 $0xFFFFE0C0;
	s0 =	simm.s32 @!p0 $0x10B80  }
0x131: {  	[spmem:s3] =	stream.indirect.scatter.add.f32 @!p0 [tilespmem:s0], [sflag:$0xF], $0x40, s4, s6, $0xb8;
	[tilespmem:$0x1E640] =	vst v63  }
0x132: {  	s0 =	simm.s32 @!p0 $0xC  }
0x133: {  	_ =	swait.ge @!p0 [sflag:s0], $0x1F40  }
0x134: {  	[sflag:s0] =	ssyncset.done @!p0 $0x0  }
0x135: {  	s4 =	sadd.s32 @!p0 $0x580, s5;
	[sflag:s0] =	ssyncadd.s32 @!p0 $0xFFFFE0C0;
	s0 =	simm.s32 @!p0 $0xADC0  }
0x136: {  	[tilespmem:s0], [sflag:$0x4] =	stream.indirect.gather @!p0 [hbm4b:s1+s6], $0x40, s4, s6, $0xb8;
	[tilespmem:$0x1E640] =	vst v63  }
0x137: {  	_ =	swait.ge [sflag:s20], $0x1F40  }
0x138: {  	[sflag:s20] =	ssyncset.done $0x0  }
0x139: {  	s8 =	simm.s32 $0xD;
	s7 =	sadd.s32 $0x2B80, s9;
	[sflag:s20] =	ssyncadd.s32 $0xFFFFE0C0  }
0x13a: {  	[spmem:s3] =	stream.indirect.scatter.add.f32 [tilespmem:s30], [sflag:$0x10], $0x40, s7, s17, $0xb8;
	[tilespmem:$0x1E640] =	vst v63  }
0x13b: {  	_ =	swait.ge [sflag:s8], $0x1F40  }
0x13c: {  	[sflag:s8] =	ssyncset.done $0x0  }
0x13d: {  	s9 =	simm.s32 $0xE;
	[sflag:s8] =	ssyncadd.s32 $0xFFFFE0C0  }
0x13e: {  	_ =	swait.ge [sflag:s9], $0x1F40  }
0x13f: {  	[sflag:s9] =	ssyncset.done $0x0  }
0x140: {  	s10 =	simm.s32 $0xF;
	[sflag:s9] =	ssyncadd.s32 $0xFFFFE0C0  }
0x141: {  	_ =	swait.ge [sflag:s10], $0x1F40  }
0x142: {  	[sflag:s10] =	ssyncset.done $0x0  }
0x143: {  	s11 =	simm.s32 $0x10;
	[sflag:s10] =	ssyncadd.s32 $0xFFFFE0C0  }
0x144: {  	_ =	swait.ge [sflag:s11], $0x1F40  }
0x145: {  	[sflag:s11] =	ssyncset.done $0x0  }
0x146: {  	s12 =	stileid.u32;
	[sflag:s11] =	ssyncadd.s32 $0xFFFFE0C0  }
0x147: {  	s0 =	sshll.u32 s12, $0x6;
	[bflag:$0x0] =	sbarrier.arrive $0xFFFF  }
0x148: {  	s0 =	sor.u32 $0x1C12, s0;
	s6 =	rddreg [dreg:$0x8]  }
0x149: {  	s10 =	simm.s32 $0x12;
	s16 =	rddreg [dreg:$0xe];
	s13 =	sshrl.u32 s6, $0x3  }
0x14a: {  	[hbm:s16], [sflag:s0] =	dma.local [spmem:s13], $0x1388  }
0x14b: {  	_ =	swait.ge [sflag:s10], $0x1388  }
0x14c: {  	s22 =	rddreg [dreg:$0xf]  }
0x14d: {  	s24 =	rddreg [dreg:$0xd];
	s4 =	sadd.s32 $0x1, s22  }
0x14e: {  	p0 =	sne.s32 s4, s24  }
.Ltmp2:
0x14f: {  	_ = 	snop;
	(pc) =	sbr.rel @p0 .LBB2_1-.Ltmp2, $3  }
0x150: {  	_ =	sdelay $0x1  }
0x151: {  	[sflag:s10] =	ssyncset.done $0x0  }
0x152: {  	[sflag:s10] =	ssyncadd.s32 $0xFFFFEC78  }
0x153: {  	_ =	sfence.sel $0x180000  }
0x154: {  	[bflag:$0x0] =	sbarrier.arrive $0xFFFF  }
0x155: {  	_ =	strace $0x90000047  }
0x156: {  	s0 =	stileid.u32;
	[bflag:$0x2] =	sbarrier.arrive $0xFFFF  }
0x157: {  	p0 =	sne.s32 s0, $0x0;
	s0 =	rddreg [dreg:$0x3]  }
0x158: {  	s0 =	sadd.s32 @!p0 $0x100000, s0  }
0x159: {  	[sflag:s0] =	ssyncadd.tile.s32 @!p0 $0x1;
	_ =	shalt  }
.Lfunc_end2:
_tile_overlayer_lowered:
.L_overlay_start_2:
0x15a: {  	(tag) =	ssettag $0x2  }
0x15b: {  	s0 =	rddreg [dreg:$0x0];
	s2 =	stileid.u32  }
0x15c: {  	s1 =	rddreg [dreg:$0x1];
	p0 =	sne.s32 s2, $0x0  }
0x15d: {  	s3 =	rddreg [dreg:$0x2];
	[bflag:$0x3] =	sbarrier.arrive $0xFFFF;
	s2 =	simm.s32 @!p0 $0x1C12  }
0x15e: {  	[timem:s3], [sflag:s2] =	dma.local @!p0 [hbm:s0], s1  }
0x15f: {  	s0 =	simm.s32 @!p0 $0x12  }
0x160: {  	_ =	swait.ge @!p0 [sflag:s0], s1  }
0x161: {  	s1 =	ssub.s32 @!p0 $0x0, s1;
	[sflag:s0] =	ssyncset.done @!p0 $0x0  }
0x162: {  	[sflag:s0] =	ssyncadd.s32 @!p0 s1  }
0x163: {  	[bflag:$0x3] =	sbarrier.arrive $0xFFFF  }
0x164: {  	_ =	shalt  }

</sc_bundles>
